<compile_context>
chip_gen: v7x
topology: tpu7x:2x2x1
jax: 0.10.2.dev20260603
libtpu: 0.0.44.dev20260713+nightly
codegen_flags: <defaults>
</compile_context>

<pallas_src>
import functools

import jax
import jax.numpy as jnp
from jax import lax
from jax.experimental import pallas as pl
from jax.experimental.pallas import tpu as pltpu
from jax.experimental.pallas import tpu_sc as plsc

NN = 100000
NP = 1600000
NW = 32
NPW = 3200
NGRP = NPW // 16
KU = 16
CH = 16384
SLAB = 1024
CROWS = CH // SLAB
SPAD = 3232
INT_MAX = 2**31 - 1


@functools.partial(
    pl.kernel,
    mesh=plsc.VectorSubcoreMesh(core_axis_name="c", subcore_axis_name="s"),
    compiler_params=pltpu.CompilerParams(needs_layout_passes=False),
    out_type=jax.ShapeDtypeStruct((NW * NPW,), jnp.int32),
    scratch_types=[
        pltpu.VMEM((SPAD,), jnp.int32),
        pltpu.VMEM((CH,), jnp.int32),
        pltpu.VMEM((CH,), jnp.int32),
        pltpu.VMEM((CH,), jnp.int32),
        pltpu.VMEM((CH,), jnp.int32),
        pltpu.VMEM((NPW,), jnp.int32),
        pltpu.SemaphoreType.DMA,
        pltpu.SemaphoreType.DMA,
        pltpu.SemaphoreType.DMA,
        pltpu.SemaphoreType.DMA,
    ],
)
def _segmin_kernel(start_hbm, flat_hbm, spm_hbm, out_hbm,
                   sbuf, fbufA, vbufA, fbufB, vbufB, obuf, semA, semB, semFA, semFB):
    cid = lax.axis_index("c")
    sid = lax.axis_index("s")
    w = sid * 2 + cid
    nbase = w * NPW
    pltpu.sync_copy(start_hbm.at[pl.ds(nbase, SPAD)], sbuf)

    lane = lax.iota(jnp.int32, 16)
    p0 = sbuf[pl.ds(0, 16)][0]
    p1 = sbuf[pl.ds(NPW, 16)][0]
    s0 = plsc.load_gather(sbuf, [lane])
    e0 = plsc.load_gather(sbuf, [lane + 1])
    cinit = (p0 // 8) * 8

    def flat_copy(c0, fbuf, semf):
        return pltpu.make_async_copy(
            flat_hbm.at[pl.ds(pl.multiple_of(c0, 8), CH)], fbuf, semf)

    def nrows(c0):
        return jnp.clip((p1 - c0 + SLAB - 1) // SLAB, 0, CROWS)

    def fire(c0, fbuf, vbuf, sem):
        def one(r, x):
            pltpu.make_async_copy(
                spm_hbm.at[fbuf.at[pl.ds(r * SLAB, SLAB)]],
                vbuf.at[pl.ds(r * SLAB, SLAB)], sem).start()
            return x

        lax.fori_loop(0, nrows(c0), one, 0)

    def drain(c0, fbuf, vbuf, sem):
        def one(r, x):
            pltpu.make_async_copy(
                spm_hbm.at[fbuf.at[pl.ds(r * SLAB, SLAB)]],
                vbuf.at[pl.ds(r * SLAB, SLAB)], sem).wait()
            return x

        lax.fori_loop(0, nrows(c0), one, 0)

    def walk(c0, fbuf, vbuf, carry):
        c1 = c0 + CH

        def in_cond(st2):
            go, gi2, e2, ptr2, av2, aq2 = st2
            return go & (gi2 < NGRP)

        def in_body(st2):
            go, gi2, e2, ptr2, av2, aq2 = st2
            limit = jnp.minimum(e2, c1)
            base = ptr2 - c0
            vs, qs = [], []
            for k in range(KU):
                q = ptr2 + k
                a = q < limit
                v = plsc.load_gather(vbuf, [base + k], mask=a)
                vs.append(jnp.where(a, v, INT_MAX))
                qs.append(q)
            while len(vs) > 1:
                nvs, nqs = [], []
                for i in range(0, len(vs), 2):
                    c = vs[i + 1] < vs[i]
                    nvs.append(jnp.where(c, vs[i + 1], vs[i]))
                    nqs.append(jnp.where(c, qs[i + 1], qs[i]))
                vs, qs = nvs, nqs
            upd = vs[0] < av2
            av3 = jnp.where(upd, vs[0], av2)
            aq3 = jnp.where(upd, qs[0], aq2)
            ptr3 = ptr2 + jnp.clip(limit - ptr2, 0, KU)
            done = ~jnp.any(ptr3 < e2)
            blocked = (~jnp.any((ptr3 < e2) & (ptr3 < c1))) & (~done)

            def emit_adv(args):
                gi_c, e_c, av_c, aq_c = args
                obuf[pl.ds(gi_c * 16, 16)] = aq_c
                gi_n = gi_c + 1
                base = gi_n * 16
                s_n = plsc.load_gather(sbuf, [base + lane])
                e_n = plsc.load_gather(sbuf, [base + lane + 1])
                return (gi_n, e_n, s_n,
                        jnp.full((16,), INT_MAX, jnp.int32),
                        jnp.full((16,), -1, jnp.int32))

            def stay(args):
                gi_c, e_c, av_c, aq_c = args
                return (gi_c, e_c, ptr3, av_c, aq_c)

            gi3, e3, ptr4, av4, aq4 = lax.cond(
                done, emit_adv, stay, (gi2, e2, av3, aq3))
            return (~blocked, gi3, e3, ptr4, av4, aq4)

        st = (jnp.bool_(True),) + carry
        st = lax.while_loop(in_cond, in_body, st)
        return st[1:]

    nchunk = lax.max((p1 - cinit + CH - 1) // CH, jnp.int32(1))
    npair = (nchunk + 1) // 2

    flat_copy(cinit, fbufA, semFA).start()
    flat_copy(cinit, fbufA, semFA).wait()
    fire(cinit, fbufA, vbufA, semA)

    @pl.when(cinit + CH < p1)
    def _():
        flat_copy(cinit + CH, fbufB, semFB).start()

    def pair_body(j, carry):
        ca = cinit + j * (2 * CH)
        cb = ca + CH

        @pl.when(cb < p1)
        def _():
            flat_copy(cb, fbufB, semFB).wait()
            fire(cb, fbufB, vbufB, semB)

        drain(ca, fbufA, vbufA, semA)

        @pl.when(ca + 2 * CH < p1)
        def _():
            flat_copy(ca + 2 * CH, fbufA, semFA).start()

        carry2 = walk(ca, fbufA, vbufA, carry)

        def odd_chunk(car):
            drain(cb, fbufB, vbufB, semB)

            @pl.when(ca + 2 * CH < p1)
            def _():
                flat_copy(ca + 2 * CH, fbufA, semFA).wait()
                fire(ca + 2 * CH, fbufA, vbufA, semA)

            @pl.when(cb + 2 * CH < p1)
            def _():
                flat_copy(cb + 2 * CH, fbufB, semFB).start()

            return walk(cb, fbufB, vbufB, car)

        return lax.cond(cb < p1, odd_chunk, lambda car: car, carry2)

    carry0 = (jnp.int32(0), e0, s0,
              jnp.full((16,), INT_MAX, jnp.int32),
              jnp.full((16,), -1, jnp.int32))
    lax.fori_loop(0, npair, pair_body, carry0)

    def prep(t, x):
        off = t * 16
        q = obuf[pl.ds(off, 16)]
        dummy = nbase + off + lane
        fbufA[pl.ds(off, 16)] = jnp.where(q >= 0, q, dummy)
        return x

    lax.fori_loop(0, NPW // 16, prep, 0)

    def fire2(r, x):
        pltpu.make_async_copy(
            flat_hbm.at[fbufA.at[pl.ds(r * 640, 640)]],
            vbufA.at[pl.ds(r * 640, 640)], semA).start()
        return x

    lax.fori_loop(0, NPW // 640, fire2, 0)

    def drain2(r, x):
        pltpu.make_async_copy(
            flat_hbm.at[fbufA.at[pl.ds(r * 640, 640)]],
            vbufA.at[pl.ds(r * 640, 640)], semA).wait()
        return x

    lax.fori_loop(0, NPW // 640, drain2, 0)

    def comb(t, x):
        off = t * 16
        q = obuf[pl.ds(off, 16)]
        p = vbufA[pl.ds(off, 16)]
        obuf[pl.ds(off, 16)] = jnp.where(q >= 0, p, jnp.int32(0))
        return x

    lax.fori_loop(0, NPW // 16, comb, 0)

    pltpu.sync_copy(obuf, out_hbm.at[pl.ds(nbase, NPW)])


def kernel(flat_node2pin_start, flat_node2pin, sorted_pin_map):
    start_pad = jnp.pad(flat_node2pin_start,
                        (0, NW * NPW + SPAD - (NN + 1)),
                        constant_values=NP)
    flat_pad = jnp.pad(flat_node2pin, (0, 2 * CH + 8))
    out = _segmin_kernel(start_pad, flat_pad, sorted_pin_map)
    return out[:NN]

# --- scband reference (transcript-rebuilt; emitter-appended) ---
"""Pipeline reference for scband-sort-node2-pin-24764781429525 (READ-ONLY COPY).

The authoritative reference and input builder live on the scoring server;
editing this copy changes nothing except your own understanding.
"""

import jax, jax.numpy as jnp
import numpy as np

NUM_NODES = 100000
NUM_PINS = 1600000

def setup_inputs(seed: int = 0) -> dict:
    key = jax.random.key(seed)
    k1, k2, k3 = jax.random.split(key, 3)
    # CSR offsets: nondecreasing int32[num_nodes+1], start=0, end=num_pins
    start = jnp.sort(jax.random.randint(k1, (NUM_NODES + 1,), 0, NUM_PINS, dtype=jnp.int32))
    start = start.at[0].set(0).at[-1].set(NUM_PINS)
    # flat node->pin map: pin ids in [0, num_pins)
    flat_node2pin = jax.random.randint(k2, (NUM_PINS,), 0, NUM_PINS, dtype=jnp.int32)
    # sorted_pin_map: rank of each pin in some global sorted order (a permutation)
    sorted_pin_map = jax.random.permutation(k3, NUM_PINS).astype(jnp.int32)
    return {
        'flat_node2pin_start': start,
        'flat_node2pin': flat_node2pin,
        'sorted_pin_map': sorted_pin_map,
    }

def reference(flat_node2pin_start, flat_node2pin, sorted_pin_map):
    # For each node i, over pins p = flat_node2pin[start[i]:start[i+1]],
    # pick the pin id whose sorted_pin_map[p] is minimal (segment arg-min).
    # Empty segments keep the zero-initialized value, matching the torch op.
    num_nodes = flat_node2pin_start.shape[0] - 1
    num_pins = flat_node2pin.shape[0]
    pin_pos = jnp.arange(num_pins, dtype=jnp.int32)
    # owner node of flat position j: count offsets start[1:] that are <= j
    seg_ids = jnp.searchsorted(flat_node2pin_start[1:], pin_pos, side='right')
    pins = flat_node2pin
    vals = jnp.take(sorted_pin_map, pins, axis=0)
    # pass 1: per-node min of sorted values
    seg_min_val = jax.ops.segment_min(vals, seg_ids, num_segments=num_nodes)
    # pass 2: per-node arg-min pin id (sorted_pin_map is a permutation -> no cross-pin ties)
    is_min = vals == jnp.take(seg_min_val, seg_ids, axis=0)
    pin_or_sentinel = jnp.where(is_min, pins, jnp.int32(num_pins))
    best_pin = jax.ops.segment_min(pin_or_sentinel, seg_ids, num_segments=num_nodes)
    counts = jax.ops.segment_sum(jnp.ones(num_pins, dtype=jnp.int32), seg_ids, num_segments=num_nodes)
    node2pinId = jnp.where(counts > 0, best_pin, jnp.int32(0)).astype(jnp.int32)
    return node2pinId

if __name__ == "__main__":
    import jax
    _d = setup_inputs()
    print(jax.jit(kernel)(*tuple(_d.values())))

</pallas_src>

<mosaic_0001>
#map = affine_map<(d0, d1) -> (0)>
module attributes {stable_mosaic.version = 14 : i64} {
  func.func @_segmin_kernel(%arg0: i32, %arg1: i32, %arg2: memref<105632xi32, #tpu.memory_space<hbm>>, %arg3: memref<1632776xi32, #tpu.memory_space<hbm>>, %arg4: memref<1600000xi32, #tpu.memory_space<hbm>>, %arg5: memref<102400xi32, #tpu.memory_space<hbm>>, %arg6: memref<3232xi32, #tpu.memory_space<vmem>>, %arg7: memref<16384xi32, #tpu.memory_space<vmem>>, %arg8: memref<16384xi32, #tpu.memory_space<vmem>>, %arg9: memref<16384xi32, #tpu.memory_space<vmem>>, %arg10: memref<16384xi32, #tpu.memory_space<vmem>>, %arg11: memref<3200xi32, #tpu.memory_space<vmem>>, %arg12: memref<!tpu.dma_semaphore, #tpu.memory_space<semaphore_mem>>, %arg13: memref<!tpu.dma_semaphore, #tpu.memory_space<semaphore_mem>>, %arg14: memref<!tpu.dma_semaphore, #tpu.memory_space<semaphore_mem>>, %arg15: memref<!tpu.dma_semaphore, #tpu.memory_space<semaphore_mem>>) attributes {dimension_semantics = [#tpu.dimension_semantics<core_parallel>, #tpu.dimension_semantics<subcore_parallel>], iteration_bounds = array<i64: 2, 16>, scalar_prefetch = 0 : i64, scratch_operands = 10 : i64, tpu.core_type = #tpu.core_type<sc_vector_subcore>, window_params = [{transform_indices = #map}, {transform_indices = #map}, {transform_indices = #map}, {transform_indices = #map}]} {
    %mul3A = arith.constant 2 : i32
    %mul3A_0 = arith.muli %arg1, %mul3A : i32
    %add3A = arith.addi %mul3A_0, %arg0 : i32
    %mul3A_1 = arith.constant 3200 : i32
    %mul3A_2 = arith.muli %add3A, %mul3A_1 : i32
    "tpu.region"() ({
      %run_scoped3A = tpu.sem_alloc : memref<!tpu.dma_semaphore, #tpu.memory_space<semaphore_mem>>
      %dma_start3A_171 = tpu.memref_slice %arg2[%mul3A_2] : memref<105632xi32, #tpu.memory_space<hbm>> -> memref<3232xi32, #tpu.memory_space<hbm>>
      %dma_start3A_172 = tpu.memref_slice %arg2[%mul3A_2] : memref<105632xi32, #tpu.memory_space<hbm>> -> memref<3232xi32, #tpu.memory_space<hbm>>
      tpu.enqueue_dma source(%dma_start3A_172 : memref<3232xi32, #tpu.memory_space<hbm>>) target(%arg6 : memref<3232xi32, #tpu.memory_space<vmem>>) target_semaphore(%run_scoped3A : memref<!tpu.dma_semaphore, #tpu.memory_space<semaphore_mem>>)
      %dma_wait3A_173 = tpu.memref_slice %arg2[%mul3A_2] : memref<105632xi32, #tpu.memory_space<hbm>> -> memref<3232xi32, #tpu.memory_space<hbm>>
      %dma_wait3A_174 = tpu.memref_slice %arg2[%mul3A_2] : memref<105632xi32, #tpu.memory_space<hbm>> -> memref<3232xi32, #tpu.memory_space<hbm>>
      tpu.wait_dma2 semaphore(%run_scoped3A : memref<!tpu.dma_semaphore, #tpu.memory_space<semaphore_mem>>) src(%dma_wait3A_174 : memref<3232xi32, #tpu.memory_space<hbm>>) dst(%arg6 : memref<3232xi32, #tpu.memory_space<vmem>>)
      tpu.yield
    }) : () -> ()
    %iota3A = tpu.iota {dimensions = array<i32: 0>} : vector<16xi32>
    %get3A = arith.constant 0 : index
    %get3A_3 = tpu.vector_load %arg6[%get3A] {strides = array<i32>} : memref<3232xi32, #tpu.memory_space<vmem>>, vector<16xi32>,
    %slice3A = vector.extract_strided_slice %get3A_3 {offsets = [0], sizes = [1], strides = [1]} : vector<16xi32> to vector<1xi32>
    %squeeze3A = vector.extract %slice3A[0] : i32 from vector<1xi32>
    %get3A_4 = arith.constant 3200 : index
    %get3A_5 = tpu.vector_load %arg6[%get3A_4] {strides = array<i32>} : memref<3232xi32, #tpu.memory_space<vmem>>, vector<16xi32>,
    %slice3A_6 = vector.extract_strided_slice %get3A_5 {offsets = [0], sizes = [1], strides = [1]} : vector<16xi32> to vector<1xi32>
    %squeeze3A_7 = vector.extract %slice3A_6[0] : i32 from vector<1xi32>
    %gather3A = tpu.vector_load_idx %arg6[%iota3A] : memref<3232xi32, #tpu.memory_space<vmem>>[vector<16xi32>], vector<16xi32>,
    %add3A_8 = arith.constant 1 : i32
    %add3A_9 = vector.broadcast %add3A_8 : i32 to vector<16xi32>
    %add3A_10 = arith.addi %iota3A, %add3A_9 : vector<16xi32>
    %gather3A_11 = tpu.vector_load_idx %arg6[%add3A_10] : memref<3232xi32, #tpu.memory_space<vmem>>[vector<16xi32>], vector<16xi32>,
    %jit3A = arith.constant 8 : i32
    %div3A = arith.divsi %squeeze3A, %jit3A : i32
    %sign3A = arith.constant 0 : i32
    %sign3A_12 = arith.cmpi sgt, %squeeze3A, %sign3A : i32
    %sign3A_13 = arith.extui %sign3A_12 : i1 to i32
    %sign3A_14 = arith.constant 0 : i32
    %sign3A_15 = arith.cmpi slt, %squeeze3A, %sign3A_14 : i32
    %sign3A_16 = arith.extui %sign3A_15 : i1 to i32
    %sign3A_17 = arith.subi %sign3A_13, %sign3A_16 : i32
    %sign3A_18 = arith.constant 0 : i32
    %sign3A_19 = arith.cmpi sgt, %jit3A, %sign3A_18 : i32
    %sign3A_20 = arith.extui %sign3A_19 : i1 to i32
    %sign3A_21 = arith.constant 0 : i32
    %sign3A_22 = arith.cmpi slt, %jit3A, %sign3A_21 : i32
    %sign3A_23 = arith.extui %sign3A_22 : i1 to i32
    %sign3A_24 = arith.subi %sign3A_20, %sign3A_23 : i32
    %ne3A = arith.cmpi ne, %sign3A_17, %sign3A_24 : i32
    %rem3A = arith.remsi %squeeze3A, %jit3A : i32
    %ne3A_25 = arith.constant 0 : i32
    %ne3A_26 = arith.cmpi ne, %rem3A, %ne3A_25 : i32
    %and3A = arith.andi %ne3A, %ne3A_26 : i1
    %sub3A = arith.constant 1 : i32
    %sub3A_27 = arith.subi %div3A, %sub3A : i32
    %select_n3A = arith.select %and3A, %sub3A_27, %div3A : i32
    %mul3A_28 = arith.constant 8 : i32
    %mul3A_29 = arith.muli %select_n3A, %mul3A_28 : i32
    %sub3A_30 = arith.subi %squeeze3A_7, %mul3A_29 : i32
    %add3A_31 = arith.constant 16384 : i32
    %add3A_32 = arith.addi %sub3A_30, %add3A_31 : i32
    %sub3A_33 = arith.constant 1 : i32
    %sub3A_34 = arith.subi %add3A_32, %sub3A_33 : i32
    %jit3A_35 = arith.constant 16384 : i32
    %div3A_36 = arith.divsi %sub3A_34, %jit3A_35 : i32
    %sign3A_37 = arith.constant 0 : i32
    %sign3A_38 = arith.cmpi sgt, %sub3A_34, %sign3A_37 : i32
    %sign3A_39 = arith.extui %sign3A_38 : i1 to i32
    %sign3A_40 = arith.constant 0 : i32
    %sign3A_41 = arith.cmpi slt, %sub3A_34, %sign3A_40 : i32
    %sign3A_42 = arith.extui %sign3A_41 : i1 to i32
    %sign3A_43 = arith.subi %sign3A_39, %sign3A_42 : i32
    %sign3A_44 = arith.constant 0 : i32
    %sign3A_45 = arith.cmpi sgt, %jit3A_35, %sign3A_44 : i32
    %sign3A_46 = arith.extui %sign3A_45 : i1 to i32
    %sign3A_47 = arith.constant 0 : i32
    %sign3A_48 = arith.cmpi slt, %jit3A_35, %sign3A_47 : i32
    %sign3A_49 = arith.extui %sign3A_48 : i1 to i32
    %sign3A_50 = arith.subi %sign3A_46, %sign3A_49 : i32
    %ne3A_51 = arith.cmpi ne, %sign3A_43, %sign3A_50 : i32
    %rem3A_52 = arith.remsi %sub3A_34, %jit3A_35 : i32
    %ne3A_53 = arith.constant 0 : i32
    %ne3A_54 = arith.cmpi ne, %rem3A_52, %ne3A_53 : i32
    %and3A_55 = arith.andi %ne3A_51, %ne3A_54 : i1
    %sub3A_56 = arith.constant 1 : i32
    %sub3A_57 = arith.subi %div3A_36, %sub3A_56 : i32
    %select_n3A_58 = arith.select %and3A_55, %sub3A_57, %div3A_36 : i32
    %max3A = arith.constant 1 : i32
    %max3A_59 = arith.maxsi %select_n3A_58, %max3A : i32
    %add3A_60 = arith.constant 1 : i32
    %add3A_61 = arith.addi %max3A_59, %add3A_60 : i32
    %jit3A_62 = arith.constant 2 : i32
    %div3A_63 = arith.divsi %add3A_61, %jit3A_62 : i32
    %sign3A_64 = arith.constant 0 : i32
    %sign3A_65 = arith.cmpi sgt, %add3A_61, %sign3A_64 : i32
    %sign3A_66 = arith.extui %sign3A_65 : i1 to i32
    %sign3A_67 = arith.constant 0 : i32
    %sign3A_68 = arith.cmpi slt, %add3A_61, %sign3A_67 : i32
    %sign3A_69 = arith.extui %sign3A_68 : i1 to i32
    %sign3A_70 = arith.subi %sign3A_66, %sign3A_69 : i32
    %sign3A_71 = arith.constant 0 : i32
    %sign3A_72 = arith.cmpi sgt, %jit3A_62, %sign3A_71 : i32
    %sign3A_73 = arith.extui %sign3A_72 : i1 to i32
    %sign3A_74 = arith.constant 0 : i32
    %sign3A_75 = arith.cmpi slt, %jit3A_62, %sign3A_74 : i32
    %sign3A_76 = arith.extui %sign3A_75 : i1 to i32
    %sign3A_77 = arith.subi %sign3A_73, %sign3A_76 : i32
    %ne3A_78 = arith.cmpi ne, %sign3A_70, %sign3A_77 : i32
    %rem3A_79 = arith.remsi %add3A_61, %jit3A_62 : i32
    %ne3A_80 = arith.constant 0 : i32
    %ne3A_81 = arith.cmpi ne, %rem3A_79, %ne3A_80 : i32
    %and3A_82 = arith.andi %ne3A_78, %ne3A_81 : i1
    %sub3A_83 = arith.constant 1 : i32
    %sub3A_84 = arith.subi %div3A_63, %sub3A_83 : i32
    %select_n3A_85 = arith.select %and3A_82, %sub3A_84, %div3A_63 : i32
    %multiple_of3A = tpu.assume_multiple %mul3A_29, 8 : i32
    %dma_start3A = tpu.memref_slice %arg3[%multiple_of3A] : memref<1632776xi32, #tpu.memory_space<hbm>> -> memref<16384xi32, #tpu.memory_space<hbm>>
    %dma_start3A_86 = tpu.memref_slice %arg3[%multiple_of3A] : memref<1632776xi32, #tpu.memory_space<hbm>> -> memref<16384xi32, #tpu.memory_space<hbm>>
    tpu.enqueue_dma source(%dma_start3A_86 : memref<16384xi32, #tpu.memory_space<hbm>>) target(%arg7 : memref<16384xi32, #tpu.memory_space<vmem>>) target_semaphore(%arg14 : memref<!tpu.dma_semaphore, #tpu.memory_space<semaphore_mem>>)
    %multiple_of3A_87 = tpu.assume_multiple %mul3A_29, 8 : i32
    %dma_wait3A = tpu.memref_slice %arg3[%multiple_of3A_87] : memref<1632776xi32, #tpu.memory_space<hbm>> -> memref<16384xi32, #tpu.memory_space<hbm>>
    %dma_wait3A_88 = tpu.memref_slice %arg3[%multiple_of3A_87] : memref<1632776xi32, #tpu.memory_space<hbm>> -> memref<16384xi32, #tpu.memory_space<hbm>>
    tpu.wait_dma2 semaphore(%arg14 : memref<!tpu.dma_semaphore, #tpu.memory_space<semaphore_mem>>) src(%dma_wait3A_88 : memref<16384xi32, #tpu.memory_space<hbm>>) dst(%arg7 : memref<16384xi32, #tpu.memory_space<vmem>>)
    %sub3A_89 = arith.subi %squeeze3A_7, %mul3A_29 : i32
    %add3A_90 = arith.constant 1024 : i32
    %add3A_91 = arith.addi %sub3A_89, %add3A_90 : i32
    %sub3A_92 = arith.constant 1 : i32
    %sub3A_93 = arith.subi %add3A_91, %sub3A_92 : i32
    %jit3A_94 = arith.constant 1024 : i32
    %div3A_95 = arith.divsi %sub3A_93, %jit3A_94 : i32
    %sign3A_96 = arith.constant 0 : i32
    %sign3A_97 = arith.cmpi sgt, %sub3A_93, %sign3A_96 : i32
    %sign3A_98 = arith.extui %sign3A_97 : i1 to i32
    %sign3A_99 = arith.constant 0 : i32
    %sign3A_100 = arith.cmpi slt, %sub3A_93, %sign3A_99 : i32
    %sign3A_101 = arith.extui %sign3A_100 : i1 to i32
    %sign3A_102 = arith.subi %sign3A_98, %sign3A_101 : i32
    %sign3A_103 = arith.constant 0 : i32
    %sign3A_104 = arith.cmpi sgt, %jit3A_94, %sign3A_103 : i32
    %sign3A_105 = arith.extui %sign3A_104 : i1 to i32
    %sign3A_106 = arith.constant 0 : i32
    %sign3A_107 = arith.cmpi slt, %jit3A_94, %sign3A_106 : i32
    %sign3A_108 = arith.extui %sign3A_107 : i1 to i32
    %sign3A_109 = arith.subi %sign3A_105, %sign3A_108 : i32
    %ne3A_110 = arith.cmpi ne, %sign3A_102, %sign3A_109 : i32
    %rem3A_111 = arith.remsi %sub3A_93, %jit3A_94 : i32
    %ne3A_112 = arith.constant 0 : i32
    %ne3A_113 = arith.cmpi ne, %rem3A_111, %ne3A_112 : i32
    %and3A_114 = arith.andi %ne3A_110, %ne3A_113 : i1
    %sub3A_115 = arith.constant 1 : i32
    %sub3A_116 = arith.subi %div3A_95, %sub3A_115 : i32
    %select_n3A_117 = arith.select %and3A_114, %sub3A_116, %div3A_95 : i32
    %jit3A_118 = arith.constant 0 : i32
    %jit3A_119 = arith.constant 16 : i32
    %max3A_120 = arith.maxsi %jit3A_118, %select_n3A_117 : i32
    %min3A = arith.minsi %jit3A_119, %max3A_120 : i32
    %while3A = arith.constant 0 : i32
    %while3A_121 = arith.constant 0 : i32
    %while3A_122 = arith.subi %min3A, %while3A_121 : i32
    %while3A_123 = arith.addi %while3A_121, %while3A_122 : i32
    %while3A_124 = arith.constant 1 : i32
    %while3A_125 = arith.divsi %while3A_122, %while3A_124 : i32
    %while3A_126 = arith.muli %while3A_125, %while3A_124 : i32
    %while3A_127 = arith.addi %while3A_121, %while3A_126 : i32
    %while3A_128 = arith.constant 1 : i32
    scf.for %while3A_171 = %while3A_121 to %while3A_127 step %while3A_128  : i32 {
      %mul3A_172 = arith.constant 1024 : i32
      %mul3A_173 = arith.muli %while3A_171, %mul3A_172 : i32
      %mul3A_174 = arith.constant 1024 : i32
      %mul3A_175 = arith.muli %while3A_171, %mul3A_174 : i32
      %dma_start3A_176 = tpu.memref_slice %arg8[%mul3A_175] : memref<16384xi32, #tpu.memory_space<vmem>> -> memref<1024xi32, #tpu.memory_space<vmem>>
      %dma_start3A_177 = tpu.memref_slice %arg7[%mul3A_173] : memref<16384xi32, #tpu.memory_space<vmem>> -> memref<1024xi32, #tpu.memory_space<vmem>>
      %dma_start3A_178 = arith.constant 0 : i32
      %dma_start3A_179 = tpu.memref_slice %arg4[%dma_start3A_178] : memref<1600000xi32, #tpu.memory_space<hbm>> -> memref<1600000xi32, #tpu.memory_space<hbm>>
      tpu.enqueue_indirect_dma source(%dma_start3A_179 : memref<1600000xi32, #tpu.memory_space<hbm>>) target(%dma_start3A_176 : memref<1024xi32, #tpu.memory_space<vmem>>) offsets(%dma_start3A_177 : memref<1024xi32, #tpu.memory_space<vmem>>) semaphore(%arg12 : memref<!tpu.dma_semaphore, #tpu.memory_space<semaphore_mem>>)
    }
    %while3A_129 = arith.constant 1 : i32
    scf.for %while3A_171 = %while3A_127 to %while3A_123 step %while3A_129  : i32 {
      %mul3A_172 = arith.constant 1024 : i32
      %mul3A_173 = arith.muli %while3A_171, %mul3A_172 : i32
      %mul3A_174 = arith.constant 1024 : i32
      %mul3A_175 = arith.muli %while3A_171, %mul3A_174 : i32
      %dma_start3A_176 = tpu.memref_slice %arg8[%mul3A_175] : memref<16384xi32, #tpu.memory_space<vmem>> -> memref<1024xi32, #tpu.memory_space<vmem>>
      %dma_start3A_177 = tpu.memref_slice %arg7[%mul3A_173] : memref<16384xi32, #tpu.memory_space<vmem>> -> memref<1024xi32, #tpu.memory_space<vmem>>
      %dma_start3A_178 = arith.constant 0 : i32
      %dma_start3A_179 = tpu.memref_slice %arg4[%dma_start3A_178] : memref<1600000xi32, #tpu.memory_space<hbm>> -> memref<1600000xi32, #tpu.memory_space<hbm>>
      tpu.enqueue_indirect_dma source(%dma_start3A_179 : memref<1600000xi32, #tpu.memory_space<hbm>>) target(%dma_start3A_176 : memref<1024xi32, #tpu.memory_space<vmem>>) offsets(%dma_start3A_177 : memref<1024xi32, #tpu.memory_space<vmem>>) semaphore(%arg12 : memref<!tpu.dma_semaphore, #tpu.memory_space<semaphore_mem>>)
    }
    %add3A_130 = arith.constant 16384 : i32
    %add3A_131 = arith.addi %mul3A_29, %add3A_130 : i32
    %lt3A = arith.cmpi slt, %add3A_131, %squeeze3A_7 : i32
    %convert_element_type3A = arith.extui %lt3A : i1 to i32
    %cond3A = arith.constant 0 : i32
    %cond3A_132 = arith.cmpi ne, %convert_element_type3A, %cond3A : i32
    scf.if %cond3A_132 {
      %add3A_171 = arith.constant 16384 : i32
      %add3A_172 = arith.addi %mul3A_29, %add3A_171 : i32
      %multiple_of3A_173 = tpu.assume_multiple %add3A_172, 8 : i32
      %dma_start3A_174 = tpu.memref_slice %arg3[%multiple_of3A_173] : memref<1632776xi32, #tpu.memory_space<hbm>> -> memref<16384xi32, #tpu.memory_space<hbm>>
      %dma_start3A_175 = tpu.memref_slice %arg3[%multiple_of3A_173] : memref<1632776xi32, #tpu.memory_space<hbm>> -> memref<16384xi32, #tpu.memory_space<hbm>>
      tpu.enqueue_dma source(%dma_start3A_175 : memref<16384xi32, #tpu.memory_space<hbm>>) target(%arg9 : memref<16384xi32, #tpu.memory_space<vmem>>) target_semaphore(%arg15 : memref<!tpu.dma_semaphore, #tpu.memory_space<semaphore_mem>>)
    } else {
    }
    %broadcast_in_dim3A = arith.constant 2147483647 : i32
    %broadcast_in_dim3A_133 = vector.broadcast %broadcast_in_dim3A : i32 to vector<16xi32>
    %broadcast_in_dim3A_134 = arith.constant -1 : i32
    %broadcast_in_dim3A_135 = vector.broadcast %broadcast_in_dim3A_134 : i32 to vector<16xi32>
    %while3A_136 = arith.constant 0 : i32
    %while3A_137 = arith.constant 0 : i32
    %while3A_138 = arith.subi %select_n3A_85, %while3A_136 : i32
    %while3A_139 = arith.addi %while3A_136, %while3A_138 : i32
    %while3A_140 = arith.constant 1 : i32
    %while3A_141 = arith.divsi %while3A_138, %while3A_140 : i32
    %while3A_142 = arith.muli %while3A_141, %while3A_140 : i32
    %while3A_143 = arith.addi %while3A_136, %while3A_142 : i32
    %while3A_144 = arith.constant 1 : i32
    %while3A_145:5 = scf.for %while3A_171 = %while3A_136 to %while3A_143 step %while3A_144 iter_args(%while3A_172 = %while3A_137, %while3A_173 = %gather3A_11, %while3A_174 = %gather3A, %while3A_175 = %broadcast_in_dim3A_133, %while3A_176 = %broadcast_in_dim3A_135) -> (i32, vector<16xi32>, vector<16xi32>, vector<16xi32>, vector<16xi32>)  : i32 {
      %mul3A_177 = arith.constant 32768 : i32
      %mul3A_178 = arith.muli %while3A_171, %mul3A_177 : i32
      %add3A_179 = arith.addi %mul3A_29, %mul3A_178 : i32
      %add3A_180 = arith.constant 16384 : i32
      %add3A_181 = arith.addi %add3A_179, %add3A_180 : i32
      %lt3A_182 = arith.cmpi slt, %add3A_181, %squeeze3A_7 : i32
      %convert_element_type3A_183 = arith.extui %lt3A_182 : i1 to i32
      %cond3A_184 = arith.constant 0 : i32
      %cond3A_185 = arith.cmpi ne, %convert_element_type3A_183, %cond3A_184 : i32
      scf.if %cond3A_185 {
        %multiple_of3A_244 = tpu.assume_multiple %add3A_181, 8 : i32
        %dma_wait3A_245 = tpu.memref_slice %arg3[%multiple_of3A_244] : memref<1632776xi32, #tpu.memory_space<hbm>> -> memref<16384xi32, #tpu.memory_space<hbm>>
        %dma_wait3A_246 = tpu.memref_slice %arg3[%multiple_of3A_244] : memref<1632776xi32, #tpu.memory_space<hbm>> -> memref<16384xi32, #tpu.memory_space<hbm>>
        tpu.wait_dma2 semaphore(%arg15 : memref<!tpu.dma_semaphore, #tpu.memory_space<semaphore_mem>>) src(%dma_wait3A_246 : memref<16384xi32, #tpu.memory_space<hbm>>) dst(%arg9 : memref<16384xi32, #tpu.memory_space<vmem>>)
        %sub3A_247 = arith.subi %squeeze3A_7, %add3A_181 : i32
        %add3A_248 = arith.constant 1024 : i32
        %add3A_249 = arith.addi %sub3A_247, %add3A_248 : i32
        %sub3A_250 = arith.constant 1 : i32
        %sub3A_251 = arith.subi %add3A_249, %sub3A_250 : i32
        %jit3A_252 = arith.constant 1024 : i32
        %div3A_253 = arith.divsi %sub3A_251, %jit3A_252 : i32
        %sign3A_254 = arith.constant 0 : i32
        %sign3A_255 = arith.cmpi sgt, %sub3A_251, %sign3A_254 : i32
        %sign3A_256 = arith.extui %sign3A_255 : i1 to i32
        %sign3A_257 = arith.constant 0 : i32
        %sign3A_258 = arith.cmpi slt, %sub3A_251, %sign3A_257 : i32
        %sign3A_259 = arith.extui %sign3A_258 : i1 to i32
        %sign3A_260 = arith.subi %sign3A_256, %sign3A_259 : i32
        %sign3A_261 = arith.constant 0 : i32
        %sign3A_262 = arith.cmpi sgt, %jit3A_252, %sign3A_261 : i32
        %sign3A_263 = arith.extui %sign3A_262 : i1 to i32
        %sign3A_264 = arith.constant 0 : i32
        %sign3A_265 = arith.cmpi slt, %jit3A_252, %sign3A_264 : i32
        %sign3A_266 = arith.extui %sign3A_265 : i1 to i32
        %sign3A_267 = arith.subi %sign3A_263, %sign3A_266 : i32
        %ne3A_268 = arith.cmpi ne, %sign3A_260, %sign3A_267 : i32
        %rem3A_269 = arith.remsi %sub3A_251, %jit3A_252 : i32
        %ne3A_270 = arith.constant 0 : i32
        %ne3A_271 = arith.cmpi ne, %rem3A_269, %ne3A_270 : i32
        %and3A_272 = arith.andi %ne3A_268, %ne3A_271 : i1
        %sub3A_273 = arith.constant 1 : i32
        %sub3A_274 = arith.subi %div3A_253, %sub3A_273 : i32
        %select_n3A_275 = arith.select %and3A_272, %sub3A_274, %div3A_253 : i32
        %jit3A_276 = arith.constant 0 : i32
        %jit3A_277 = arith.constant 16 : i32
        %max3A_278 = arith.maxsi %jit3A_276, %select_n3A_275 : i32
        %min3A_279 = arith.minsi %jit3A_277, %max3A_278 : i32
        %while3A_280 = arith.constant 0 : i32
        %while3A_281 = arith.constant 0 : i32
        %while3A_282 = arith.subi %min3A_279, %while3A_281 : i32
        %while3A_283 = arith.addi %while3A_281, %while3A_282 : i32
        %while3A_284 = arith.constant 1 : i32
        %while3A_285 = arith.divsi %while3A_282, %while3A_284 : i32
        %while3A_286 = arith.muli %while3A_285, %while3A_284 : i32
        %while3A_287 = arith.addi %while3A_281, %while3A_286 : i32
        %while3A_288 = arith.constant 1 : i32
        scf.for %while3A_290 = %while3A_281 to %while3A_287 step %while3A_288  : i32 {
          %mul3A_291 = arith.constant 1024 : i32
          %mul3A_292 = arith.muli %while3A_290, %mul3A_291 : i32
          %mul3A_293 = arith.constant 1024 : i32
          %mul3A_294 = arith.muli %while3A_290, %mul3A_293 : i32
          %dma_start3A_295 = tpu.memref_slice %arg10[%mul3A_294] : memref<16384xi32, #tpu.memory_space<vmem>> -> memref<1024xi32, #tpu.memory_space<vmem>>
          %dma_start3A_296 = tpu.memref_slice %arg9[%mul3A_292] : memref<16384xi32, #tpu.memory_space<vmem>> -> memref<1024xi32, #tpu.memory_space<vmem>>
          %dma_start3A_297 = arith.constant 0 : i32
          %dma_start3A_298 = tpu.memref_slice %arg4[%dma_start3A_297] : memref<1600000xi32, #tpu.memory_space<hbm>> -> memref<1600000xi32, #tpu.memory_space<hbm>>
          tpu.enqueue_indirect_dma source(%dma_start3A_298 : memref<1600000xi32, #tpu.memory_space<hbm>>) target(%dma_start3A_295 : memref<1024xi32, #tpu.memory_space<vmem>>) offsets(%dma_start3A_296 : memref<1024xi32, #tpu.memory_space<vmem>>) semaphore(%arg13 : memref<!tpu.dma_semaphore, #tpu.memory_space<semaphore_mem>>)
        }
        %while3A_289 = arith.constant 1 : i32
        scf.for %while3A_290 = %while3A_287 to %while3A_283 step %while3A_289  : i32 {
          %mul3A_291 = arith.constant 1024 : i32
          %mul3A_292 = arith.muli %while3A_290, %mul3A_291 : i32
          %mul3A_293 = arith.constant 1024 : i32
          %mul3A_294 = arith.muli %while3A_290, %mul3A_293 : i32
          %dma_start3A_295 = tpu.memref_slice %arg10[%mul3A_294] : memref<16384xi32, #tpu.memory_space<vmem>> -> memref<1024xi32, #tpu.memory_space<vmem>>
          %dma_start3A_296 = tpu.memref_slice %arg9[%mul3A_292] : memref<16384xi32, #tpu.memory_space<vmem>> -> memref<1024xi32, #tpu.memory_space<vmem>>
          %dma_start3A_297 = arith.constant 0 : i32
          %dma_start3A_298 = tpu.memref_slice %arg4[%dma_start3A_297] : memref<1600000xi32, #tpu.memory_space<hbm>> -> memref<1600000xi32, #tpu.memory_space<hbm>>
          tpu.enqueue_indirect_dma source(%dma_start3A_298 : memref<1600000xi32, #tpu.memory_space<hbm>>) target(%dma_start3A_295 : memref<1024xi32, #tpu.memory_space<vmem>>) offsets(%dma_start3A_296 : memref<1024xi32, #tpu.memory_space<vmem>>) semaphore(%arg13 : memref<!tpu.dma_semaphore, #tpu.memory_space<semaphore_mem>>)
        }
      } else {
      }
      %sub3A_186 = arith.subi %squeeze3A_7, %add3A_179 : i32
      %add3A_187 = arith.constant 1024 : i32
      %add3A_188 = arith.addi %sub3A_186, %add3A_187 : i32
      %sub3A_189 = arith.constant 1 : i32
      %sub3A_190 = arith.subi %add3A_188, %sub3A_189 : i32
      %jit3A_191 = arith.constant 1024 : i32
      %div3A_192 = arith.divsi %sub3A_190, %jit3A_191 : i32
      %sign3A_193 = arith.constant 0 : i32
      %sign3A_194 = arith.cmpi sgt, %sub3A_190, %sign3A_193 : i32
      %sign3A_195 = arith.extui %sign3A_194 : i1 to i32
      %sign3A_196 = arith.constant 0 : i32
      %sign3A_197 = arith.cmpi slt, %sub3A_190, %sign3A_196 : i32
      %sign3A_198 = arith.extui %sign3A_197 : i1 to i32
      %sign3A_199 = arith.subi %sign3A_195, %sign3A_198 : i32
      %sign3A_200 = arith.constant 0 : i32
      %sign3A_201 = arith.cmpi sgt, %jit3A_191, %sign3A_200 : i32
      %sign3A_202 = arith.extui %sign3A_201 : i1 to i32
      %sign3A_203 = arith.constant 0 : i32
      %sign3A_204 = arith.cmpi slt, %jit3A_191, %sign3A_203 : i32
      %sign3A_205 = arith.extui %sign3A_204 : i1 to i32
      %sign3A_206 = arith.subi %sign3A_202, %sign3A_205 : i32
      %ne3A_207 = arith.cmpi ne, %sign3A_199, %sign3A_206 : i32
      %rem3A_208 = arith.remsi %sub3A_190, %jit3A_191 : i32
      %ne3A_209 = arith.constant 0 : i32
      %ne3A_210 = arith.cmpi ne, %rem3A_208, %ne3A_209 : i32
      %and3A_211 = arith.andi %ne3A_207, %ne3A_210 : i1
      %sub3A_212 = arith.constant 1 : i32
      %sub3A_213 = arith.subi %div3A_192, %sub3A_212 : i32
      %select_n3A_214 = arith.select %and3A_211, %sub3A_213, %div3A_192 : i32
      %jit3A_215 = arith.constant 0 : i32
      %jit3A_216 = arith.constant 16 : i32
      %max3A_217 = arith.maxsi %jit3A_215, %select_n3A_214 : i32
      %min3A_218 = arith.minsi %jit3A_216, %max3A_217 : i32
      %while3A_219 = arith.constant 0 : i32
      %while3A_220 = arith.constant 0 : i32
      %while3A_221 = arith.subi %min3A_218, %while3A_220 : i32
      %while3A_222 = arith.addi %while3A_220, %while3A_221 : i32
      %while3A_223 = arith.constant 1 : i32
      %while3A_224 = arith.divsi %while3A_221, %while3A_223 : i32
      %while3A_225 = arith.muli %while3A_224, %while3A_223 : i32
      %while3A_226 = arith.addi %while3A_220, %while3A_225 : i32
      %while3A_227 = arith.constant 1 : i32
      scf.for %while3A_244 = %while3A_220 to %while3A_226 step %while3A_227  : i32 {
        %mul3A_245 = arith.constant 1024 : i32
        %mul3A_246 = arith.muli %while3A_244, %mul3A_245 : i32
        %mul3A_247 = arith.constant 1024 : i32
        %mul3A_248 = arith.muli %while3A_244, %mul3A_247 : i32
        %dma_wait3A_249 = tpu.memref_slice %arg8[%mul3A_248] : memref<16384xi32, #tpu.memory_space<vmem>> -> memref<1024xi32, #tpu.memory_space<vmem>>
        %dma_wait3A_250 = tpu.memref_slice %arg7[%mul3A_246] : memref<16384xi32, #tpu.memory_space<vmem>> -> memref<1024xi32, #tpu.memory_space<vmem>>
        %dma_wait3A_251 = arith.constant 0 : i32
        %dma_wait3A_252 = tpu.memref_slice %arg4[%dma_wait3A_251] : memref<1600000xi32, #tpu.memory_space<hbm>> -> memref<1600000xi32, #tpu.memory_space<hbm>>
        tpu.wait_indirect_dma semaphore(%arg12 : memref<!tpu.dma_semaphore, #tpu.memory_space<semaphore_mem>>) src(%dma_wait3A_252 : memref<1600000xi32, #tpu.memory_space<hbm>>) dst(%dma_wait3A_249 : memref<1024xi32, #tpu.memory_space<vmem>>)
      }
      %while3A_228 = arith.constant 1 : i32
      scf.for %while3A_244 = %while3A_226 to %while3A_222 step %while3A_228  : i32 {
        %mul3A_245 = arith.constant 1024 : i32
        %mul3A_246 = arith.muli %while3A_244, %mul3A_245 : i32
        %mul3A_247 = arith.constant 1024 : i32
        %mul3A_248 = arith.muli %while3A_244, %mul3A_247 : i32
        %dma_wait3A_249 = tpu.memref_slice %arg8[%mul3A_248] : memref<16384xi32, #tpu.memory_space<vmem>> -> memref<1024xi32, #tpu.memory_space<vmem>>
        %dma_wait3A_250 = tpu.memref_slice %arg7[%mul3A_246] : memref<16384xi32, #tpu.memory_space<vmem>> -> memref<1024xi32, #tpu.memory_space<vmem>>
        %dma_wait3A_251 = arith.constant 0 : i32
        %dma_wait3A_252 = tpu.memref_slice %arg4[%dma_wait3A_251] : memref<1600000xi32, #tpu.memory_space<hbm>> -> memref<1600000xi32, #tpu.memory_space<hbm>>
        tpu.wait_indirect_dma semaphore(%arg12 : memref<!tpu.dma_semaphore, #tpu.memory_space<semaphore_mem>>) src(%dma_wait3A_252 : memref<1600000xi32, #tpu.memory_space<hbm>>) dst(%dma_wait3A_249 : memref<1024xi32, #tpu.memory_space<vmem>>)
      }
      %add3A_229 = arith.constant 32768 : i32
      %add3A_230 = arith.addi %add3A_179, %add3A_229 : i32
      %lt3A_231 = arith.cmpi slt, %add3A_230, %squeeze3A_7 : i32
      %convert_element_type3A_232 = arith.extui %lt3A_231 : i1 to i32
      %cond3A_233 = arith.constant 0 : i32
      %cond3A_234 = arith.cmpi ne, %convert_element_type3A_232, %cond3A_233 : i32
      scf.if %cond3A_234 {
        %add3A_244 = arith.constant 32768 : i32
        %add3A_245 = arith.addi %add3A_179, %add3A_244 : i32
        %multiple_of3A_246 = tpu.assume_multiple %add3A_245, 8 : i32
        %dma_start3A_247 = tpu.memref_slice %arg3[%multiple_of3A_246] : memref<1632776xi32, #tpu.memory_space<hbm>> -> memref<16384xi32, #tpu.memory_space<hbm>>
        %dma_start3A_248 = tpu.memref_slice %arg3[%multiple_of3A_246] : memref<1632776xi32, #tpu.memory_space<hbm>> -> memref<16384xi32, #tpu.memory_space<hbm>>
        tpu.enqueue_dma source(%dma_start3A_248 : memref<16384xi32, #tpu.memory_space<hbm>>) target(%arg7 : memref<16384xi32, #tpu.memory_space<vmem>>) target_semaphore(%arg14 : memref<!tpu.dma_semaphore, #tpu.memory_space<semaphore_mem>>)
      } else {
      }
      %add3A_235 = arith.constant 16384 : i32
      %add3A_236 = arith.addi %add3A_179, %add3A_235 : i32
      %while3A_237 = arith.constant true
      %while3A_238:6 = scf.while (%while3A_244 = %while3A_237, %while3A_245 = %while3A_172, %while3A_246 = %while3A_173, %while3A_247 = %while3A_174, %while3A_248 = %while3A_175, %while3A_249 = %while3A_176) : (i1, i32, vector<16xi32>, vector<16xi32>, vector<16xi32>, vector<16xi32>) -> (i1, i32, vector<16xi32>, vector<16xi32>, vector<16xi32>, vector<16xi32>) {
        %lt3A_250 = arith.constant 200 : i32
        %lt3A_251 = arith.cmpi slt, %while3A_245, %lt3A_250 : i32
        %and3A_252 = arith.andi %while3A_244, %lt3A_251 : i1
        scf.condition(%and3A_252) %while3A_244, %while3A_245, %while3A_246, %while3A_247, %while3A_248, %while3A_249 : i1, i32, vector<16xi32>, vector<16xi32>, vector<16xi32>, vector<16xi32>
      } do {
      ^bb0(%while3A_244: i1, %while3A_245: i32, %while3A_246: vector<16xi32>, %while3A_247: vector<16xi32>, %while3A_248: vector<16xi32>, %while3A_249: vector<16xi32>):
        %min3A_250 = vector.broadcast %add3A_236 : i32 to vector<16xi32>
        %min3A_251 = arith.minsi %while3A_246, %min3A_250 : vector<16xi32>
        %sub3A_252 = vector.broadcast %add3A_179 : i32 to vector<16xi32>
        %sub3A_253 = arith.subi %while3A_247, %sub3A_252 : vector<16xi32>
        %add3A_254 = arith.constant 0 : i32
        %add3A_255 = vector.broadcast %add3A_254 : i32 to vector<16xi32>
        %add3A_256 = arith.addi %while3A_247, %add3A_255 : vector<16xi32>
        %lt3A_257 = arith.cmpi slt, %add3A_256, %min3A_251 : vector<16xi32>
        %add3A_258 = arith.constant 0 : i32
        %add3A_259 = vector.broadcast %add3A_258 : i32 to vector<16xi32>
        %add3A_260 = arith.addi %sub3A_253, %add3A_259 : vector<16xi32>
        %gather3A_261 = tpu.vector_load_idx %arg8[%add3A_260] masked %lt3A_257 : memref<16384xi32, #tpu.memory_space<vmem>>[vector<16xi32>], vector<16xi32>, vector<16xi1>
        %jit3A_262 = arith.constant 2147483647 : i32
        %broadcast_in_dim3A_263 = vector.broadcast %jit3A_262 : i32 to vector<16xi32>
        %select_n3A_264 = arith.select %lt3A_257, %gather3A_261, %broadcast_in_dim3A_263 : vector<16xi1>, vector<16xi32>
        %add3A_265 = arith.constant 1 : i32
        %add3A_266 = vector.broadcast %add3A_265 : i32 to vector<16xi32>
        %add3A_267 = arith.addi %while3A_247, %add3A_266 : vector<16xi32>
        %lt3A_268 = arith.cmpi slt, %add3A_267, %min3A_251 : vector<16xi32>
        %add3A_269 = arith.constant 1 : i32
        %add3A_270 = vector.broadcast %add3A_269 : i32 to vector<16xi32>
        %add3A_271 = arith.addi %sub3A_253, %add3A_270 : vector<16xi32>
        %gather3A_272 = tpu.vector_load_idx %arg8[%add3A_271] masked %lt3A_268 : memref<16384xi32, #tpu.memory_space<vmem>>[vector<16xi32>], vector<16xi32>, vector<16xi1>
        %jit3A_273 = arith.constant 2147483647 : i32
        %broadcast_in_dim3A_274 = vector.broadcast %jit3A_273 : i32 to vector<16xi32>
        %select_n3A_275 = arith.select %lt3A_268, %gather3A_272, %broadcast_in_dim3A_274 : vector<16xi1>, vector<16xi32>
        %add3A_276 = arith.constant 2 : i32
        %add3A_277 = vector.broadcast %add3A_276 : i32 to vector<16xi32>
        %add3A_278 = arith.addi %while3A_247, %add3A_277 : vector<16xi32>
        %lt3A_279 = arith.cmpi slt, %add3A_278, %min3A_251 : vector<16xi32>
        %add3A_280 = arith.constant 2 : i32
        %add3A_281 = vector.broadcast %add3A_280 : i32 to vector<16xi32>
        %add3A_282 = arith.addi %sub3A_253, %add3A_281 : vector<16xi32>
        %gather3A_283 = tpu.vector_load_idx %arg8[%add3A_282] masked %lt3A_279 : memref<16384xi32, #tpu.memory_space<vmem>>[vector<16xi32>], vector<16xi32>, vector<16xi1>
        %jit3A_284 = arith.constant 2147483647 : i32
        %broadcast_in_dim3A_285 = vector.broadcast %jit3A_284 : i32 to vector<16xi32>
        %select_n3A_286 = arith.select %lt3A_279, %gather3A_283, %broadcast_in_dim3A_285 : vector<16xi1>, vector<16xi32>
        %add3A_287 = arith.constant 3 : i32
        %add3A_288 = vector.broadcast %add3A_287 : i32 to vector<16xi32>
        %add3A_289 = arith.addi %while3A_247, %add3A_288 : vector<16xi32>
        %lt3A_290 = arith.cmpi slt, %add3A_289, %min3A_251 : vector<16xi32>
        %add3A_291 = arith.constant 3 : i32
        %add3A_292 = vector.broadcast %add3A_291 : i32 to vector<16xi32>
        %add3A_293 = arith.addi %sub3A_253, %add3A_292 : vector<16xi32>
        %gather3A_294 = tpu.vector_load_idx %arg8[%add3A_293] masked %lt3A_290 : memref<16384xi32, #tpu.memory_space<vmem>>[vector<16xi32>], vector<16xi32>, vector<16xi1>
        %jit3A_295 = arith.constant 2147483647 : i32
        %broadcast_in_dim3A_296 = vector.broadcast %jit3A_295 : i32 to vector<16xi32>
        %select_n3A_297 = arith.select %lt3A_290, %gather3A_294, %broadcast_in_dim3A_296 : vector<16xi1>, vector<16xi32>
        %add3A_298 = arith.constant 4 : i32
        %add3A_299 = vector.broadcast %add3A_298 : i32 to vector<16xi32>
        %add3A_300 = arith.addi %while3A_247, %add3A_299 : vector<16xi32>
        %lt3A_301 = arith.cmpi slt, %add3A_300, %min3A_251 : vector<16xi32>
        %add3A_302 = arith.constant 4 : i32
        %add3A_303 = vector.broadcast %add3A_302 : i32 to vector<16xi32>
        %add3A_304 = arith.addi %sub3A_253, %add3A_303 : vector<16xi32>
        %gather3A_305 = tpu.vector_load_idx %arg8[%add3A_304] masked %lt3A_301 : memref<16384xi32, #tpu.memory_space<vmem>>[vector<16xi32>], vector<16xi32>, vector<16xi1>
        %jit3A_306 = arith.constant 2147483647 : i32
        %broadcast_in_dim3A_307 = vector.broadcast %jit3A_306 : i32 to vector<16xi32>
        %select_n3A_308 = arith.select %lt3A_301, %gather3A_305, %broadcast_in_dim3A_307 : vector<16xi1>, vector<16xi32>
        %add3A_309 = arith.constant 5 : i32
        %add3A_310 = vector.broadcast %add3A_309 : i32 to vector<16xi32>
        %add3A_311 = arith.addi %while3A_247, %add3A_310 : vector<16xi32>
        %lt3A_312 = arith.cmpi slt, %add3A_311, %min3A_251 : vector<16xi32>
        %add3A_313 = arith.constant 5 : i32
        %add3A_314 = vector.broadcast %add3A_313 : i32 to vector<16xi32>
        %add3A_315 = arith.addi %sub3A_253, %add3A_314 : vector<16xi32>
        %gather3A_316 = tpu.vector_load_idx %arg8[%add3A_315] masked %lt3A_312 : memref<16384xi32, #tpu.memory_space<vmem>>[vector<16xi32>], vector<16xi32>, vector<16xi1>
        %jit3A_317 = arith.constant 2147483647 : i32
        %broadcast_in_dim3A_318 = vector.broadcast %jit3A_317 : i32 to vector<16xi32>
        %select_n3A_319 = arith.select %lt3A_312, %gather3A_316, %broadcast_in_dim3A_318 : vector<16xi1>, vector<16xi32>
        %add3A_320 = arith.constant 6 : i32
        %add3A_321 = vector.broadcast %add3A_320 : i32 to vector<16xi32>
        %add3A_322 = arith.addi %while3A_247, %add3A_321 : vector<16xi32>
        %lt3A_323 = arith.cmpi slt, %add3A_322, %min3A_251 : vector<16xi32>
        %add3A_324 = arith.constant 6 : i32
        %add3A_325 = vector.broadcast %add3A_324 : i32 to vector<16xi32>
        %add3A_326 = arith.addi %sub3A_253, %add3A_325 : vector<16xi32>
        %gather3A_327 = tpu.vector_load_idx %arg8[%add3A_326] masked %lt3A_323 : memref<16384xi32, #tpu.memory_space<vmem>>[vector<16xi32>], vector<16xi32>, vector<16xi1>
        %jit3A_328 = arith.constant 2147483647 : i32
        %broadcast_in_dim3A_329 = vector.broadcast %jit3A_328 : i32 to vector<16xi32>
        %select_n3A_330 = arith.select %lt3A_323, %gather3A_327, %broadcast_in_dim3A_329 : vector<16xi1>, vector<16xi32>
        %add3A_331 = arith.constant 7 : i32
        %add3A_332 = vector.broadcast %add3A_331 : i32 to vector<16xi32>
        %add3A_333 = arith.addi %while3A_247, %add3A_332 : vector<16xi32>
        %lt3A_334 = arith.cmpi slt, %add3A_333, %min3A_251 : vector<16xi32>
        %add3A_335 = arith.constant 7 : i32
        %add3A_336 = vector.broadcast %add3A_335 : i32 to vector<16xi32>
        %add3A_337 = arith.addi %sub3A_253, %add3A_336 : vector<16xi32>
        %gather3A_338 = tpu.vector_load_idx %arg8[%add3A_337] masked %lt3A_334 : memref<16384xi32, #tpu.memory_space<vmem>>[vector<16xi32>], vector<16xi32>, vector<16xi1>
        %jit3A_339 = arith.constant 2147483647 : i32
        %broadcast_in_dim3A_340 = vector.broadcast %jit3A_339 : i32 to vector<16xi32>
        %select_n3A_341 = arith.select %lt3A_334, %gather3A_338, %broadcast_in_dim3A_340 : vector<16xi1>, vector<16xi32>
        %add3A_342 = arith.constant 8 : i32
        %add3A_343 = vector.broadcast %add3A_342 : i32 to vector<16xi32>
        %add3A_344 = arith.addi %while3A_247, %add3A_343 : vector<16xi32>
        %lt3A_345 = arith.cmpi slt, %add3A_344, %min3A_251 : vector<16xi32>
        %add3A_346 = arith.constant 8 : i32
        %add3A_347 = vector.broadcast %add3A_346 : i32 to vector<16xi32>
        %add3A_348 = arith.addi %sub3A_253, %add3A_347 : vector<16xi32>
        %gather3A_349 = tpu.vector_load_idx %arg8[%add3A_348] masked %lt3A_345 : memref<16384xi32, #tpu.memory_space<vmem>>[vector<16xi32>], vector<16xi32>, vector<16xi1>
        %jit3A_350 = arith.constant 2147483647 : i32
        %broadcast_in_dim3A_351 = vector.broadcast %jit3A_350 : i32 to vector<16xi32>
        %select_n3A_352 = arith.select %lt3A_345, %gather3A_349, %broadcast_in_dim3A_351 : vector<16xi1>, vector<16xi32>
        %add3A_353 = arith.constant 9 : i32
        %add3A_354 = vector.broadcast %add3A_353 : i32 to vector<16xi32>
        %add3A_355 = arith.addi %while3A_247, %add3A_354 : vector<16xi32>
        %lt3A_356 = arith.cmpi slt, %add3A_355, %min3A_251 : vector<16xi32>
        %add3A_357 = arith.constant 9 : i32
        %add3A_358 = vector.broadcast %add3A_357 : i32 to vector<16xi32>
        %add3A_359 = arith.addi %sub3A_253, %add3A_358 : vector<16xi32>
        %gather3A_360 = tpu.vector_load_idx %arg8[%add3A_359] masked %lt3A_356 : memref<16384xi32, #tpu.memory_space<vmem>>[vector<16xi32>], vector<16xi32>, vector<16xi1>
        %jit3A_361 = arith.constant 2147483647 : i32
        %broadcast_in_dim3A_362 = vector.broadcast %jit3A_361 : i32 to vector<16xi32>
        %select_n3A_363 = arith.select %lt3A_356, %gather3A_360, %broadcast_in_dim3A_362 : vector<16xi1>, vector<16xi32>
        %add3A_364 = arith.constant 10 : i32
        %add3A_365 = vector.broadcast %add3A_364 : i32 to vector<16xi32>
        %add3A_366 = arith.addi %while3A_247, %add3A_365 : vector<16xi32>
        %lt3A_367 = arith.cmpi slt, %add3A_366, %min3A_251 : vector<16xi32>
        %add3A_368 = arith.constant 10 : i32
        %add3A_369 = vector.broadcast %add3A_368 : i32 to vector<16xi32>
        %add3A_370 = arith.addi %sub3A_253, %add3A_369 : vector<16xi32>
        %gather3A_371 = tpu.vector_load_idx %arg8[%add3A_370] masked %lt3A_367 : memref<16384xi32, #tpu.memory_space<vmem>>[vector<16xi32>], vector<16xi32>, vector<16xi1>
        %jit3A_372 = arith.constant 2147483647 : i32
        %broadcast_in_dim3A_373 = vector.broadcast %jit3A_372 : i32 to vector<16xi32>
        %select_n3A_374 = arith.select %lt3A_367, %gather3A_371, %broadcast_in_dim3A_373 : vector<16xi1>, vector<16xi32>
        %add3A_375 = arith.constant 11 : i32
        %add3A_376 = vector.broadcast %add3A_375 : i32 to vector<16xi32>
        %add3A_377 = arith.addi %while3A_247, %add3A_376 : vector<16xi32>
        %lt3A_378 = arith.cmpi slt, %add3A_377, %min3A_251 : vector<16xi32>
        %add3A_379 = arith.constant 11 : i32
        %add3A_380 = vector.broadcast %add3A_379 : i32 to vector<16xi32>
        %add3A_381 = arith.addi %sub3A_253, %add3A_380 : vector<16xi32>
        %gather3A_382 = tpu.vector_load_idx %arg8[%add3A_381] masked %lt3A_378 : memref<16384xi32, #tpu.memory_space<vmem>>[vector<16xi32>], vector<16xi32>, vector<16xi1>
        %jit3A_383 = arith.constant 2147483647 : i32
        %broadcast_in_dim3A_384 = vector.broadcast %jit3A_383 : i32 to vector<16xi32>
        %select_n3A_385 = arith.select %lt3A_378, %gather3A_382, %broadcast_in_dim3A_384 : vector<16xi1>, vector<16xi32>
        %add3A_386 = arith.constant 12 : i32
        %add3A_387 = vector.broadcast %add3A_386 : i32 to vector<16xi32>
        %add3A_388 = arith.addi %while3A_247, %add3A_387 : vector<16xi32>
        %lt3A_389 = arith.cmpi slt, %add3A_388, %min3A_251 : vector<16xi32>
        %add3A_390 = arith.constant 12 : i32
        %add3A_391 = vector.broadcast %add3A_390 : i32 to vector<16xi32>
        %add3A_392 = arith.addi %sub3A_253, %add3A_391 : vector<16xi32>
        %gather3A_393 = tpu.vector_load_idx %arg8[%add3A_392] masked %lt3A_389 : memref<16384xi32, #tpu.memory_space<vmem>>[vector<16xi32>], vector<16xi32>, vector<16xi1>
        %jit3A_394 = arith.constant 2147483647 : i32
        %broadcast_in_dim3A_395 = vector.broadcast %jit3A_394 : i32 to vector<16xi32>
        %select_n3A_396 = arith.select %lt3A_389, %gather3A_393, %broadcast_in_dim3A_395 : vector<16xi1>, vector<16xi32>
        %add3A_397 = arith.constant 13 : i32
        %add3A_398 = vector.broadcast %add3A_397 : i32 to vector<16xi32>
        %add3A_399 = arith.addi %while3A_247, %add3A_398 : vector<16xi32>
        %lt3A_400 = arith.cmpi slt, %add3A_399, %min3A_251 : vector<16xi32>
        %add3A_401 = arith.constant 13 : i32
        %add3A_402 = vector.broadcast %add3A_401 : i32 to vector<16xi32>
        %add3A_403 = arith.addi %sub3A_253, %add3A_402 : vector<16xi32>
        %gather3A_404 = tpu.vector_load_idx %arg8[%add3A_403] masked %lt3A_400 : memref<16384xi32, #tpu.memory_space<vmem>>[vector<16xi32>], vector<16xi32>, vector<16xi1>
        %jit3A_405 = arith.constant 2147483647 : i32
        %broadcast_in_dim3A_406 = vector.broadcast %jit3A_405 : i32 to vector<16xi32>
        %select_n3A_407 = arith.select %lt3A_400, %gather3A_404, %broadcast_in_dim3A_406 : vector<16xi1>, vector<16xi32>
        %add3A_408 = arith.constant 14 : i32
        %add3A_409 = vector.broadcast %add3A_408 : i32 to vector<16xi32>
        %add3A_410 = arith.addi %while3A_247, %add3A_409 : vector<16xi32>
        %lt3A_411 = arith.cmpi slt, %add3A_410, %min3A_251 : vector<16xi32>
        %add3A_412 = arith.constant 14 : i32
        %add3A_413 = vector.broadcast %add3A_412 : i32 to vector<16xi32>
        %add3A_414 = arith.addi %sub3A_253, %add3A_413 : vector<16xi32>
        %gather3A_415 = tpu.vector_load_idx %arg8[%add3A_414] masked %lt3A_411 : memref<16384xi32, #tpu.memory_space<vmem>>[vector<16xi32>], vector<16xi32>, vector<16xi1>
        %jit3A_416 = arith.constant 2147483647 : i32
        %broadcast_in_dim3A_417 = vector.broadcast %jit3A_416 : i32 to vector<16xi32>
        %select_n3A_418 = arith.select %lt3A_411, %gather3A_415, %broadcast_in_dim3A_417 : vector<16xi1>, vector<16xi32>
        %add3A_419 = arith.constant 15 : i32
        %add3A_420 = vector.broadcast %add3A_419 : i32 to vector<16xi32>
        %add3A_421 = arith.addi %while3A_247, %add3A_420 : vector<16xi32>
        %lt3A_422 = arith.cmpi slt, %add3A_421, %min3A_251 : vector<16xi32>
        %add3A_423 = arith.constant 15 : i32
        %add3A_424 = vector.broadcast %add3A_423 : i32 to vector<16xi32>
        %add3A_425 = arith.addi %sub3A_253, %add3A_424 : vector<16xi32>
        %gather3A_426 = tpu.vector_load_idx %arg8[%add3A_425] masked %lt3A_422 : memref<16384xi32, #tpu.memory_space<vmem>>[vector<16xi32>], vector<16xi32>, vector<16xi1>
        %jit3A_427 = arith.constant 2147483647 : i32
        %broadcast_in_dim3A_428 = vector.broadcast %jit3A_427 : i32 to vector<16xi32>
        %select_n3A_429 = arith.select %lt3A_422, %gather3A_426, %broadcast_in_dim3A_428 : vector<16xi1>, vector<16xi32>
        %lt3A_430 = arith.cmpi slt, %select_n3A_275, %select_n3A_264 : vector<16xi32>
        %select_n3A_431 = arith.select %lt3A_430, %select_n3A_275, %select_n3A_264 : vector<16xi1>, vector<16xi32>
        %select_n3A_432 = arith.select %lt3A_430, %add3A_267, %add3A_256 : vector<16xi1>, vector<16xi32>
        %lt3A_433 = arith.cmpi slt, %select_n3A_297, %select_n3A_286 : vector<16xi32>
        %select_n3A_434 = arith.select %lt3A_433, %select_n3A_297, %select_n3A_286 : vector<16xi1>, vector<16xi32>
        %select_n3A_435 = arith.select %lt3A_433, %add3A_289, %add3A_278 : vector<16xi1>, vector<16xi32>
        %lt3A_436 = arith.cmpi slt, %select_n3A_319, %select_n3A_308 : vector<16xi32>
        %select_n3A_437 = arith.select %lt3A_436, %select_n3A_319, %select_n3A_308 : vector<16xi1>, vector<16xi32>
        %select_n3A_438 = arith.select %lt3A_436, %add3A_311, %add3A_300 : vector<16xi1>, vector<16xi32>
        %lt3A_439 = arith.cmpi slt, %select_n3A_341, %select_n3A_330 : vector<16xi32>
        %select_n3A_440 = arith.select %lt3A_439, %select_n3A_341, %select_n3A_330 : vector<16xi1>, vector<16xi32>
        %select_n3A_441 = arith.select %lt3A_439, %add3A_333, %add3A_322 : vector<16xi1>, vector<16xi32>
        %lt3A_442 = arith.cmpi slt, %select_n3A_363, %select_n3A_352 : vector<16xi32>
        %select_n3A_443 = arith.select %lt3A_442, %select_n3A_363, %select_n3A_352 : vector<16xi1>, vector<16xi32>
        %select_n3A_444 = arith.select %lt3A_442, %add3A_355, %add3A_344 : vector<16xi1>, vector<16xi32>
        %lt3A_445 = arith.cmpi slt, %select_n3A_385, %select_n3A_374 : vector<16xi32>
        %select_n3A_446 = arith.select %lt3A_445, %select_n3A_385, %select_n3A_374 : vector<16xi1>, vector<16xi32>
        %select_n3A_447 = arith.select %lt3A_445, %add3A_377, %add3A_366 : vector<16xi1>, vector<16xi32>
        %lt3A_448 = arith.cmpi slt, %select_n3A_407, %select_n3A_396 : vector<16xi32>
        %select_n3A_449 = arith.select %lt3A_448, %select_n3A_407, %select_n3A_396 : vector<16xi1>, vector<16xi32>
        %select_n3A_450 = arith.select %lt3A_448, %add3A_399, %add3A_388 : vector<16xi1>, vector<16xi32>
        %lt3A_451 = arith.cmpi slt, %select_n3A_429, %select_n3A_418 : vector<16xi32>
        %select_n3A_452 = arith.select %lt3A_451, %select_n3A_429, %select_n3A_418 : vector<16xi1>, vector<16xi32>
        %select_n3A_453 = arith.select %lt3A_451, %add3A_421, %add3A_410 : vector<16xi1>, vector<16xi32>
        %lt3A_454 = arith.cmpi slt, %select_n3A_434, %select_n3A_431 : vector<16xi32>
        %select_n3A_455 = arith.select %lt3A_454, %select_n3A_434, %select_n3A_431 : vector<16xi1>, vector<16xi32>
        %select_n3A_456 = arith.select %lt3A_454, %select_n3A_435, %select_n3A_432 : vector<16xi1>, vector<16xi32>
        %lt3A_457 = arith.cmpi slt, %select_n3A_440, %select_n3A_437 : vector<16xi32>
        %select_n3A_458 = arith.select %lt3A_457, %select_n3A_440, %select_n3A_437 : vector<16xi1>, vector<16xi32>
        %select_n3A_459 = arith.select %lt3A_457, %select_n3A_441, %select_n3A_438 : vector<16xi1>, vector<16xi32>
        %lt3A_460 = arith.cmpi slt, %select_n3A_446, %select_n3A_443 : vector<16xi32>
        %select_n3A_461 = arith.select %lt3A_460, %select_n3A_446, %select_n3A_443 : vector<16xi1>, vector<16xi32>
        %select_n3A_462 = arith.select %lt3A_460, %select_n3A_447, %select_n3A_444 : vector<16xi1>, vector<16xi32>
        %lt3A_463 = arith.cmpi slt, %select_n3A_452, %select_n3A_449 : vector<16xi32>
        %select_n3A_464 = arith.select %lt3A_463, %select_n3A_452, %select_n3A_449 : vector<16xi1>, vector<16xi32>
        %select_n3A_465 = arith.select %lt3A_463, %select_n3A_453, %select_n3A_450 : vector<16xi1>, vector<16xi32>
        %lt3A_466 = arith.cmpi slt, %select_n3A_458, %select_n3A_455 : vector<16xi32>
        %select_n3A_467 = arith.select %lt3A_466, %select_n3A_458, %select_n3A_455 : vector<16xi1>, vector<16xi32>
        %select_n3A_468 = arith.select %lt3A_466, %select_n3A_459, %select_n3A_456 : vector<16xi1>, vector<16xi32>
        %lt3A_469 = arith.cmpi slt, %select_n3A_464, %select_n3A_461 : vector<16xi32>
        %select_n3A_470 = arith.select %lt3A_469, %select_n3A_464, %select_n3A_461 : vector<16xi1>, vector<16xi32>
        %select_n3A_471 = arith.select %lt3A_469, %select_n3A_465, %select_n3A_462 : vector<16xi1>, vector<16xi32>
        %lt3A_472 = arith.cmpi slt, %select_n3A_470, %select_n3A_467 : vector<16xi32>
        %select_n3A_473 = arith.select %lt3A_472, %select_n3A_470, %select_n3A_467 : vector<16xi1>, vector<16xi32>
        %select_n3A_474 = arith.select %lt3A_472, %select_n3A_471, %select_n3A_468 : vector<16xi1>, vector<16xi32>
        %lt3A_475 = arith.cmpi slt, %select_n3A_473, %while3A_248 : vector<16xi32>
        %select_n3A_476 = arith.select %lt3A_475, %select_n3A_473, %while3A_248 : vector<16xi1>, vector<16xi32>
        %select_n3A_477 = arith.select %lt3A_475, %select_n3A_474, %while3A_249 : vector<16xi1>, vector<16xi32>
        %sub3A_478 = arith.subi %min3A_251, %while3A_247 : vector<16xi32>
        %jit3A_479 = arith.constant 0 : i32
        %jit3A_480 = arith.constant 16 : i32
        %max3A_481 = vector.broadcast %jit3A_479 : i32 to vector<16xi32>
        %max3A_482 = arith.maxsi %max3A_481, %sub3A_478 : vector<16xi32>
        %min3A_483 = vector.broadcast %jit3A_480 : i32 to vector<16xi32>
        %min3A_484 = arith.minsi %min3A_483, %max3A_482 : vector<16xi32>
        %add3A_485 = arith.addi %while3A_247, %min3A_484 : vector<16xi32>
        %lt3A_486 = arith.cmpi slt, %add3A_485, %while3A_246 : vector<16xi32>
        %reduce_or3A = arith.constant 1.000000e+00 : f32
        %reduce_or3A_487 = arith.constant 0.000000e+00 : f32
        %reduce_or3A_488 = vector.broadcast %reduce_or3A : f32 to vector<16xf32>
        %reduce_or3A_489 = vector.broadcast %reduce_or3A_487 : f32 to vector<16xf32>
        %reduce_or3A_490 = arith.select %lt3A_486, %reduce_or3A_488, %reduce_or3A_489 : vector<16xi1>, vector<16xf32>
        %reduce_or3A_491 = arith.constant true
        %reduce_or3A_492 = vector.broadcast %reduce_or3A_491 : i1 to vector<16xi1>
        %reduce_or3A_493 = tpu.scan <max>, %reduce_or3A_490 masked %reduce_or3A_492 : vector<16xf32>, vector<16xi1> -> vector<16xf32>
        %reduce_or3A_494 = vector.extract %reduce_or3A_493[15] : f32 from vector<16xf32>
        %reduce_or3A_495 = arith.constant 0.000000e+00 : f32
        %reduce_or3A_496 = arith.cmpf ogt, %reduce_or3A_494, %reduce_or3A_495 : f32
        %not3A = arith.constant true
        %not3A_497 = arith.xori %reduce_or3A_496, %not3A : i1
        %lt3A_498 = arith.cmpi slt, %add3A_485, %while3A_246 : vector<16xi32>
        %lt3A_499 = vector.broadcast %add3A_236 : i32 to vector<16xi32>
        %lt3A_500 = arith.cmpi slt, %add3A_485, %lt3A_499 : vector<16xi32>
        %and3A_501 = arith.andi %lt3A_498, %lt3A_500 : vector<16xi1>
        %reduce_or3A_502 = arith.constant 1.000000e+00 : f32
        %reduce_or3A_503 = arith.constant 0.000000e+00 : f32
        %reduce_or3A_504 = vector.broadcast %reduce_or3A_502 : f32 to vector<16xf32>
        %reduce_or3A_505 = vector.broadcast %reduce_or3A_503 : f32 to vector<16xf32>
        %reduce_or3A_506 = arith.select %and3A_501, %reduce_or3A_504, %reduce_or3A_505 : vector<16xi1>, vector<16xf32>
        %reduce_or3A_507 = arith.constant true
        %reduce_or3A_508 = vector.broadcast %reduce_or3A_507 : i1 to vector<16xi1>
        %reduce_or3A_509 = tpu.scan <max>, %reduce_or3A_506 masked %reduce_or3A_508 : vector<16xf32>, vector<16xi1> -> vector<16xf32>
        %reduce_or3A_510 = vector.extract %reduce_or3A_509[15] : f32 from vector<16xf32>
        %reduce_or3A_511 = arith.constant 0.000000e+00 : f32
        %reduce_or3A_512 = arith.cmpf ogt, %reduce_or3A_510, %reduce_or3A_511 : f32
        %not3A_513 = arith.constant true
        %not3A_514 = arith.xori %reduce_or3A_512, %not3A_513 : i1
        %not3A_515 = arith.constant true
        %not3A_516 = arith.xori %not3A_497, %not3A_515 : i1
        %and3A_517 = arith.andi %not3A_514, %not3A_516 : i1
        %convert_element_type3A_518 = arith.extui %not3A_497 : i1 to i32
        %cond3A_519 = arith.constant 0 : i32
        %cond3A_520 = arith.cmpi ne, %convert_element_type3A_518, %cond3A_519 : i32
        %cond3A_521:5 = scf.if %cond3A_520 -> (i32, vector<16xi32>, vector<16xi32>, vector<16xi32>, vector<16xi32>) {
          %mul3A_524 = arith.constant 16 : i32
          %mul3A_525 = arith.muli %while3A_245, %mul3A_524 : i32
          %swap3A = arith.index_cast %mul3A_525 : i32 to index
          %swap3A_526 = tpu.vector_load %arg11[%swap3A] {strides = array<i32>} : memref<3200xi32, #tpu.memory_space<vmem>>, vector<16xi32>,
          tpu.vector_store %arg11[%swap3A], %select_n3A_477 {strides = array<i32>} : memref<3200xi32, #tpu.memory_space<vmem>>, vector<16xi32>,
          %add3A_527 = arith.constant 1 : i32
          %add3A_528 = arith.addi %while3A_245, %add3A_527 : i32
          %mul3A_529 = arith.constant 16 : i32
          %mul3A_530 = arith.muli %add3A_528, %mul3A_529 : i32
          %add3A_531 = vector.broadcast %mul3A_530 : i32 to vector<16xi32>
          %add3A_532 = arith.addi %add3A_531, %iota3A : vector<16xi32>
          %gather3A_533 = tpu.vector_load_idx %arg6[%add3A_532] : memref<3232xi32, #tpu.memory_space<vmem>>[vector<16xi32>], vector<16xi32>,
          %add3A_534 = vector.broadcast %mul3A_530 : i32 to vector<16xi32>
          %add3A_535 = arith.addi %add3A_534, %iota3A : vector<16xi32>
          %add3A_536 = arith.constant 1 : i32
          %add3A_537 = vector.broadcast %add3A_536 : i32 to vector<16xi32>
          %add3A_538 = arith.addi %add3A_535, %add3A_537 : vector<16xi32>
          %gather3A_539 = tpu.vector_load_idx %arg6[%add3A_538] : memref<3232xi32, #tpu.memory_space<vmem>>[vector<16xi32>], vector<16xi32>,
          %broadcast_in_dim3A_540 = arith.constant 2147483647 : i32
          %broadcast_in_dim3A_541 = vector.broadcast %broadcast_in_dim3A_540 : i32 to vector<16xi32>
          %broadcast_in_dim3A_542 = arith.constant -1 : i32
          %broadcast_in_dim3A_543 = vector.broadcast %broadcast_in_dim3A_542 : i32 to vector<16xi32>
          scf.yield %add3A_528, %gather3A_539, %gather3A_533, %broadcast_in_dim3A_541, %broadcast_in_dim3A_543 : i32, vector<16xi32>, vector<16xi32>, vector<16xi32>, vector<16xi32>
        } else {
          scf.yield %while3A_245, %while3A_246, %add3A_485, %select_n3A_476, %select_n3A_477 : i32, vector<16xi32>, vector<16xi32>, vector<16xi32>, vector<16xi32>
        }
        %not3A_522 = arith.constant true
        %not3A_523 = arith.xori %and3A_517, %not3A_522 : i1
        scf.yield %not3A_523, %cond3A_521#0, %cond3A_521#1, %cond3A_521#2, %cond3A_521#3, %cond3A_521#4 : i1, i32, vector<16xi32>, vector<16xi32>, vector<16xi32>, vector<16xi32>
      }
      %lt3A_239 = arith.cmpi slt, %add3A_181, %squeeze3A_7 : i32
      %convert_element_type3A_240 = arith.extui %lt3A_239 : i1 to i32
      %cond3A_241 = arith.constant 0 : i32
      %cond3A_242 = arith.cmpi ne, %convert_element_type3A_240, %cond3A_241 : i32
      %cond3A_243:5 = scf.if %cond3A_242 -> (i32, vector<16xi32>, vector<16xi32>, vector<16xi32>, vector<16xi32>) {
        %sub3A_244 = arith.subi %squeeze3A_7, %add3A_181 : i32
        %add3A_245 = arith.constant 1024 : i32
        %add3A_246 = arith.addi %sub3A_244, %add3A_245 : i32
        %sub3A_247 = arith.constant 1 : i32
        %sub3A_248 = arith.subi %add3A_246, %sub3A_247 : i32
        %jit3A_249 = arith.constant 1024 : i32
        %div3A_250 = arith.divsi %sub3A_248, %jit3A_249 : i32
        %sign3A_251 = arith.constant 0 : i32
        %sign3A_252 = arith.cmpi sgt, %sub3A_248, %sign3A_251 : i32
        %sign3A_253 = arith.extui %sign3A_252 : i1 to i32
        %sign3A_254 = arith.constant 0 : i32
        %sign3A_255 = arith.cmpi slt, %sub3A_248, %sign3A_254 : i32
        %sign3A_256 = arith.extui %sign3A_255 : i1 to i32
        %sign3A_257 = arith.subi %sign3A_253, %sign3A_256 : i32
        %sign3A_258 = arith.constant 0 : i32
        %sign3A_259 = arith.cmpi sgt, %jit3A_249, %sign3A_258 : i32
        %sign3A_260 = arith.extui %sign3A_259 : i1 to i32
        %sign3A_261 = arith.constant 0 : i32
        %sign3A_262 = arith.cmpi slt, %jit3A_249, %sign3A_261 : i32
        %sign3A_263 = arith.extui %sign3A_262 : i1 to i32
        %sign3A_264 = arith.subi %sign3A_260, %sign3A_263 : i32
        %ne3A_265 = arith.cmpi ne, %sign3A_257, %sign3A_264 : i32
        %rem3A_266 = arith.remsi %sub3A_248, %jit3A_249 : i32
        %ne3A_267 = arith.constant 0 : i32
        %ne3A_268 = arith.cmpi ne, %rem3A_266, %ne3A_267 : i32
        %and3A_269 = arith.andi %ne3A_265, %ne3A_268 : i1
        %sub3A_270 = arith.constant 1 : i32
        %sub3A_271 = arith.subi %div3A_250, %sub3A_270 : i32
        %select_n3A_272 = arith.select %and3A_269, %sub3A_271, %div3A_250 : i32
        %jit3A_273 = arith.constant 0 : i32
        %jit3A_274 = arith.constant 16 : i32
        %max3A_275 = arith.maxsi %jit3A_273, %select_n3A_272 : i32
        %min3A_276 = arith.minsi %jit3A_274, %max3A_275 : i32
        %while3A_277 = arith.constant 0 : i32
        %while3A_278 = arith.constant 0 : i32
        %while3A_279 = arith.subi %min3A_276, %while3A_278 : i32
        %while3A_280 = arith.addi %while3A_278, %while3A_279 : i32
        %while3A_281 = arith.constant 1 : i32
        %while3A_282 = arith.divsi %while3A_279, %while3A_281 : i32
        %while3A_283 = arith.muli %while3A_282, %while3A_281 : i32
        %while3A_284 = arith.addi %while3A_278, %while3A_283 : i32
        %while3A_285 = arith.constant 1 : i32
        scf.for %while3A_303 = %while3A_278 to %while3A_284 step %while3A_285  : i32 {
          %mul3A_304 = arith.constant 1024 : i32
          %mul3A_305 = arith.muli %while3A_303, %mul3A_304 : i32
          %mul3A_306 = arith.constant 1024 : i32
          %mul3A_307 = arith.muli %while3A_303, %mul3A_306 : i32
          %dma_wait3A_308 = tpu.memref_slice %arg10[%mul3A_307] : memref<16384xi32, #tpu.memory_space<vmem>> -> memref<1024xi32, #tpu.memory_space<vmem>>
          %dma_wait3A_309 = tpu.memref_slice %arg9[%mul3A_305] : memref<16384xi32, #tpu.memory_space<vmem>> -> memref<1024xi32, #tpu.memory_space<vmem>>
          %dma_wait3A_310 = arith.constant 0 : i32
          %dma_wait3A_311 = tpu.memref_slice %arg4[%dma_wait3A_310] : memref<1600000xi32, #tpu.memory_space<hbm>> -> memref<1600000xi32, #tpu.memory_space<hbm>>
          tpu.wait_indirect_dma semaphore(%arg13 : memref<!tpu.dma_semaphore, #tpu.memory_space<semaphore_mem>>) src(%dma_wait3A_311 : memref<1600000xi32, #tpu.memory_space<hbm>>) dst(%dma_wait3A_308 : memref<1024xi32, #tpu.memory_space<vmem>>)
        }
        %while3A_286 = arith.constant 1 : i32
        scf.for %while3A_303 = %while3A_284 to %while3A_280 step %while3A_286  : i32 {
          %mul3A_304 = arith.constant 1024 : i32
          %mul3A_305 = arith.muli %while3A_303, %mul3A_304 : i32
          %mul3A_306 = arith.constant 1024 : i32
          %mul3A_307 = arith.muli %while3A_303, %mul3A_306 : i32
          %dma_wait3A_308 = tpu.memref_slice %arg10[%mul3A_307] : memref<16384xi32, #tpu.memory_space<vmem>> -> memref<1024xi32, #tpu.memory_space<vmem>>
          %dma_wait3A_309 = tpu.memref_slice %arg9[%mul3A_305] : memref<16384xi32, #tpu.memory_space<vmem>> -> memref<1024xi32, #tpu.memory_space<vmem>>
          %dma_wait3A_310 = arith.constant 0 : i32
          %dma_wait3A_311 = tpu.memref_slice %arg4[%dma_wait3A_310] : memref<1600000xi32, #tpu.memory_space<hbm>> -> memref<1600000xi32, #tpu.memory_space<hbm>>
          tpu.wait_indirect_dma semaphore(%arg13 : memref<!tpu.dma_semaphore, #tpu.memory_space<semaphore_mem>>) src(%dma_wait3A_311 : memref<1600000xi32, #tpu.memory_space<hbm>>) dst(%dma_wait3A_308 : memref<1024xi32, #tpu.memory_space<vmem>>)
        }
        %add3A_287 = arith.constant 32768 : i32
        %add3A_288 = arith.addi %add3A_179, %add3A_287 : i32
        %lt3A_289 = arith.cmpi slt, %add3A_288, %squeeze3A_7 : i32
        %convert_element_type3A_290 = arith.extui %lt3A_289 : i1 to i32
        %cond3A_291 = arith.constant 0 : i32
        %cond3A_292 = arith.cmpi ne, %convert_element_type3A_290, %cond3A_291 : i32
        scf.if %cond3A_292 {
          %add3A_303 = arith.constant 32768 : i32
          %add3A_304 = arith.addi %add3A_179, %add3A_303 : i32
          %multiple_of3A_305 = tpu.assume_multiple %add3A_304, 8 : i32
          %dma_wait3A_306 = tpu.memref_slice %arg3[%multiple_of3A_305] : memref<1632776xi32, #tpu.memory_space<hbm>> -> memref<16384xi32, #tpu.memory_space<hbm>>
          %dma_wait3A_307 = tpu.memref_slice %arg3[%multiple_of3A_305] : memref<1632776xi32, #tpu.memory_space<hbm>> -> memref<16384xi32, #tpu.memory_space<hbm>>
          tpu.wait_dma2 semaphore(%arg14 : memref<!tpu.dma_semaphore, #tpu.memory_space<semaphore_mem>>) src(%dma_wait3A_307 : memref<16384xi32, #tpu.memory_space<hbm>>) dst(%arg7 : memref<16384xi32, #tpu.memory_space<vmem>>)
          %add3A_308 = arith.constant 32768 : i32
          %add3A_309 = arith.addi %add3A_179, %add3A_308 : i32
          %sub3A_310 = arith.subi %squeeze3A_7, %add3A_309 : i32
          %add3A_311 = arith.constant 1024 : i32
          %add3A_312 = arith.addi %sub3A_310, %add3A_311 : i32
          %sub3A_313 = arith.constant 1 : i32
          %sub3A_314 = arith.subi %add3A_312, %sub3A_313 : i32
          %jit3A_315 = arith.constant 1024 : i32
          %div3A_316 = arith.divsi %sub3A_314, %jit3A_315 : i32
          %sign3A_317 = arith.constant 0 : i32
          %sign3A_318 = arith.cmpi sgt, %sub3A_314, %sign3A_317 : i32
          %sign3A_319 = arith.extui %sign3A_318 : i1 to i32
          %sign3A_320 = arith.constant 0 : i32
          %sign3A_321 = arith.cmpi slt, %sub3A_314, %sign3A_320 : i32
          %sign3A_322 = arith.extui %sign3A_321 : i1 to i32
          %sign3A_323 = arith.subi %sign3A_319, %sign3A_322 : i32
          %sign3A_324 = arith.constant 0 : i32
          %sign3A_325 = arith.cmpi sgt, %jit3A_315, %sign3A_324 : i32
          %sign3A_326 = arith.extui %sign3A_325 : i1 to i32
          %sign3A_327 = arith.constant 0 : i32
          %sign3A_328 = arith.cmpi slt, %jit3A_315, %sign3A_327 : i32
          %sign3A_329 = arith.extui %sign3A_328 : i1 to i32
          %sign3A_330 = arith.subi %sign3A_326, %sign3A_329 : i32
          %ne3A_331 = arith.cmpi ne, %sign3A_323, %sign3A_330 : i32
          %rem3A_332 = arith.remsi %sub3A_314, %jit3A_315 : i32
          %ne3A_333 = arith.constant 0 : i32
          %ne3A_334 = arith.cmpi ne, %rem3A_332, %ne3A_333 : i32
          %and3A_335 = arith.andi %ne3A_331, %ne3A_334 : i1
          %sub3A_336 = arith.constant 1 : i32
          %sub3A_337 = arith.subi %div3A_316, %sub3A_336 : i32
          %select_n3A_338 = arith.select %and3A_335, %sub3A_337, %div3A_316 : i32
          %jit3A_339 = arith.constant 0 : i32
          %jit3A_340 = arith.constant 16 : i32
          %max3A_341 = arith.maxsi %jit3A_339, %select_n3A_338 : i32
          %min3A_342 = arith.minsi %jit3A_340, %max3A_341 : i32
          %while3A_343 = arith.constant 0 : i32
          %while3A_344 = arith.constant 0 : i32
          %while3A_345 = arith.subi %min3A_342, %while3A_344 : i32
          %while3A_346 = arith.addi %while3A_344, %while3A_345 : i32
          %while3A_347 = arith.constant 1 : i32
          %while3A_348 = arith.divsi %while3A_345, %while3A_347 : i32
          %while3A_349 = arith.muli %while3A_348, %while3A_347 : i32
          %while3A_350 = arith.addi %while3A_344, %while3A_349 : i32
          %while3A_351 = arith.constant 1 : i32
          scf.for %while3A_353 = %while3A_344 to %while3A_350 step %while3A_351  : i32 {
            %mul3A_354 = arith.constant 1024 : i32
            %mul3A_355 = arith.muli %while3A_353, %mul3A_354 : i32
            %mul3A_356 = arith.constant 1024 : i32
            %mul3A_357 = arith.muli %while3A_353, %mul3A_356 : i32
            %dma_start3A_358 = tpu.memref_slice %arg8[%mul3A_357] : memref<16384xi32, #tpu.memory_space<vmem>> -> memref<1024xi32, #tpu.memory_space<vmem>>
            %dma_start3A_359 = tpu.memref_slice %arg7[%mul3A_355] : memref<16384xi32, #tpu.memory_space<vmem>> -> memref<1024xi32, #tpu.memory_space<vmem>>
            %dma_start3A_360 = arith.constant 0 : i32
            %dma_start3A_361 = tpu.memref_slice %arg4[%dma_start3A_360] : memref<1600000xi32, #tpu.memory_space<hbm>> -> memref<1600000xi32, #tpu.memory_space<hbm>>
            tpu.enqueue_indirect_dma source(%dma_start3A_361 : memref<1600000xi32, #tpu.memory_space<hbm>>) target(%dma_start3A_358 : memref<1024xi32, #tpu.memory_space<vmem>>) offsets(%dma_start3A_359 : memref<1024xi32, #tpu.memory_space<vmem>>) semaphore(%arg12 : memref<!tpu.dma_semaphore, #tpu.memory_space<semaphore_mem>>)
          }
          %while3A_352 = arith.constant 1 : i32
          scf.for %while3A_353 = %while3A_350 to %while3A_346 step %while3A_352  : i32 {
            %mul3A_354 = arith.constant 1024 : i32
            %mul3A_355 = arith.muli %while3A_353, %mul3A_354 : i32
            %mul3A_356 = arith.constant 1024 : i32
            %mul3A_357 = arith.muli %while3A_353, %mul3A_356 : i32
            %dma_start3A_358 = tpu.memref_slice %arg8[%mul3A_357] : memref<16384xi32, #tpu.memory_space<vmem>> -> memref<1024xi32, #tpu.memory_space<vmem>>
            %dma_start3A_359 = tpu.memref_slice %arg7[%mul3A_355] : memref<16384xi32, #tpu.memory_space<vmem>> -> memref<1024xi32, #tpu.memory_space<vmem>>
            %dma_start3A_360 = arith.constant 0 : i32
            %dma_start3A_361 = tpu.memref_slice %arg4[%dma_start3A_360] : memref<1600000xi32, #tpu.memory_space<hbm>> -> memref<1600000xi32, #tpu.memory_space<hbm>>
            tpu.enqueue_indirect_dma source(%dma_start3A_361 : memref<1600000xi32, #tpu.memory_space<hbm>>) target(%dma_start3A_358 : memref<1024xi32, #tpu.memory_space<vmem>>) offsets(%dma_start3A_359 : memref<1024xi32, #tpu.memory_space<vmem>>) semaphore(%arg12 : memref<!tpu.dma_semaphore, #tpu.memory_space<semaphore_mem>>)
          }
        } else {
        }
        %add3A_293 = arith.constant 32768 : i32
        %add3A_294 = arith.addi %add3A_181, %add3A_293 : i32
        %lt3A_295 = arith.cmpi slt, %add3A_294, %squeeze3A_7 : i32
        %convert_element_type3A_296 = arith.extui %lt3A_295 : i1 to i32
        %cond3A_297 = arith.constant 0 : i32
        %cond3A_298 = arith.cmpi ne, %convert_element_type3A_296, %cond3A_297 : i32
        scf.if %cond3A_298 {
          %add3A_303 = arith.constant 32768 : i32
          %add3A_304 = arith.addi %add3A_181, %add3A_303 : i32
          %multiple_of3A_305 = tpu.assume_multiple %add3A_304, 8 : i32
          %dma_start3A_306 = tpu.memref_slice %arg3[%multiple_of3A_305] : memref<1632776xi32, #tpu.memory_space<hbm>> -> memref<16384xi32, #tpu.memory_space<hbm>>
          %dma_start3A_307 = tpu.memref_slice %arg3[%multiple_of3A_305] : memref<1632776xi32, #tpu.memory_space<hbm>> -> memref<16384xi32, #tpu.memory_space<hbm>>
          tpu.enqueue_dma source(%dma_start3A_307 : memref<16384xi32, #tpu.memory_space<hbm>>) target(%arg9 : memref<16384xi32, #tpu.memory_space<vmem>>) target_semaphore(%arg15 : memref<!tpu.dma_semaphore, #tpu.memory_space<semaphore_mem>>)
        } else {
        }
        %add3A_299 = arith.constant 16384 : i32
        %add3A_300 = arith.addi %add3A_181, %add3A_299 : i32
        %while3A_301 = arith.constant true
        %while3A_302:6 = scf.while (%while3A_303 = %while3A_301, %while3A_304 = %while3A_238#1, %while3A_305 = %while3A_238#2, %while3A_306 = %while3A_238#3, %while3A_307 = %while3A_238#4, %while3A_308 = %while3A_238#5) : (i1, i32, vector<16xi32>, vector<16xi32>, vector<16xi32>, vector<16xi32>) -> (i1, i32, vector<16xi32>, vector<16xi32>, vector<16xi32>, vector<16xi32>) {
          %lt3A_309 = arith.constant 200 : i32
          %lt3A_310 = arith.cmpi slt, %while3A_304, %lt3A_309 : i32
          %and3A_311 = arith.andi %while3A_303, %lt3A_310 : i1
          scf.condition(%and3A_311) %while3A_303, %while3A_304, %while3A_305, %while3A_306, %while3A_307, %while3A_308 : i1, i32, vector<16xi32>, vector<16xi32>, vector<16xi32>, vector<16xi32>
        } do {
        ^bb0(%while3A_303: i1, %while3A_304: i32, %while3A_305: vector<16xi32>, %while3A_306: vector<16xi32>, %while3A_307: vector<16xi32>, %while3A_308: vector<16xi32>):
          %min3A_309 = vector.broadcast %add3A_300 : i32 to vector<16xi32>
          %min3A_310 = arith.minsi %while3A_305, %min3A_309 : vector<16xi32>
          %sub3A_311 = vector.broadcast %add3A_181 : i32 to vector<16xi32>
          %sub3A_312 = arith.subi %while3A_306, %sub3A_311 : vector<16xi32>
          %add3A_313 = arith.constant 0 : i32
          %add3A_314 = vector.broadcast %add3A_313 : i32 to vector<16xi32>
          %add3A_315 = arith.addi %while3A_306, %add3A_314 : vector<16xi32>
          %lt3A_316 = arith.cmpi slt, %add3A_315, %min3A_310 : vector<16xi32>
          %add3A_317 = arith.constant 0 : i32
          %add3A_318 = vector.broadcast %add3A_317 : i32 to vector<16xi32>
          %add3A_319 = arith.addi %sub3A_312, %add3A_318 : vector<16xi32>
          %gather3A_320 = tpu.vector_load_idx %arg10[%add3A_319] masked %lt3A_316 : memref<16384xi32, #tpu.memory_space<vmem>>[vector<16xi32>], vector<16xi32>, vector<16xi1>
          %jit3A_321 = arith.constant 2147483647 : i32
          %broadcast_in_dim3A_322 = vector.broadcast %jit3A_321 : i32 to vector<16xi32>
          %select_n3A_323 = arith.select %lt3A_316, %gather3A_320, %broadcast_in_dim3A_322 : vector<16xi1>, vector<16xi32>
          %add3A_324 = arith.constant 1 : i32
          %add3A_325 = vector.broadcast %add3A_324 : i32 to vector<16xi32>
          %add3A_326 = arith.addi %while3A_306, %add3A_325 : vector<16xi32>
          %lt3A_327 = arith.cmpi slt, %add3A_326, %min3A_310 : vector<16xi32>
          %add3A_328 = arith.constant 1 : i32
          %add3A_329 = vector.broadcast %add3A_328 : i32 to vector<16xi32>
          %add3A_330 = arith.addi %sub3A_312, %add3A_329 : vector<16xi32>
          %gather3A_331 = tpu.vector_load_idx %arg10[%add3A_330] masked %lt3A_327 : memref<16384xi32, #tpu.memory_space<vmem>>[vector<16xi32>], vector<16xi32>, vector<16xi1>
          %jit3A_332 = arith.constant 2147483647 : i32
          %broadcast_in_dim3A_333 = vector.broadcast %jit3A_332 : i32 to vector<16xi32>
          %select_n3A_334 = arith.select %lt3A_327, %gather3A_331, %broadcast_in_dim3A_333 : vector<16xi1>, vector<16xi32>
          %add3A_335 = arith.constant 2 : i32
          %add3A_336 = vector.broadcast %add3A_335 : i32 to vector<16xi32>
          %add3A_337 = arith.addi %while3A_306, %add3A_336 : vector<16xi32>
          %lt3A_338 = arith.cmpi slt, %add3A_337, %min3A_310 : vector<16xi32>
          %add3A_339 = arith.constant 2 : i32
          %add3A_340 = vector.broadcast %add3A_339 : i32 to vector<16xi32>
          %add3A_341 = arith.addi %sub3A_312, %add3A_340 : vector<16xi32>
          %gather3A_342 = tpu.vector_load_idx %arg10[%add3A_341] masked %lt3A_338 : memref<16384xi32, #tpu.memory_space<vmem>>[vector<16xi32>], vector<16xi32>, vector<16xi1>
          %jit3A_343 = arith.constant 2147483647 : i32
          %broadcast_in_dim3A_344 = vector.broadcast %jit3A_343 : i32 to vector<16xi32>
          %select_n3A_345 = arith.select %lt3A_338, %gather3A_342, %broadcast_in_dim3A_344 : vector<16xi1>, vector<16xi32>
          %add3A_346 = arith.constant 3 : i32
          %add3A_347 = vector.broadcast %add3A_346 : i32 to vector<16xi32>
          %add3A_348 = arith.addi %while3A_306, %add3A_347 : vector<16xi32>
          %lt3A_349 = arith.cmpi slt, %add3A_348, %min3A_310 : vector<16xi32>
          %add3A_350 = arith.constant 3 : i32
          %add3A_351 = vector.broadcast %add3A_350 : i32 to vector<16xi32>
          %add3A_352 = arith.addi %sub3A_312, %add3A_351 : vector<16xi32>
          %gather3A_353 = tpu.vector_load_idx %arg10[%add3A_352] masked %lt3A_349 : memref<16384xi32, #tpu.memory_space<vmem>>[vector<16xi32>], vector<16xi32>, vector<16xi1>
          %jit3A_354 = arith.constant 2147483647 : i32
          %broadcast_in_dim3A_355 = vector.broadcast %jit3A_354 : i32 to vector<16xi32>
          %select_n3A_356 = arith.select %lt3A_349, %gather3A_353, %broadcast_in_dim3A_355 : vector<16xi1>, vector<16xi32>
          %add3A_357 = arith.constant 4 : i32
          %add3A_358 = vector.broadcast %add3A_357 : i32 to vector<16xi32>
          %add3A_359 = arith.addi %while3A_306, %add3A_358 : vector<16xi32>
          %lt3A_360 = arith.cmpi slt, %add3A_359, %min3A_310 : vector<16xi32>
          %add3A_361 = arith.constant 4 : i32
          %add3A_362 = vector.broadcast %add3A_361 : i32 to vector<16xi32>
          %add3A_363 = arith.addi %sub3A_312, %add3A_362 : vector<16xi32>
          %gather3A_364 = tpu.vector_load_idx %arg10[%add3A_363] masked %lt3A_360 : memref<16384xi32, #tpu.memory_space<vmem>>[vector<16xi32>], vector<16xi32>, vector<16xi1>
          %jit3A_365 = arith.constant 2147483647 : i32
          %broadcast_in_dim3A_366 = vector.broadcast %jit3A_365 : i32 to vector<16xi32>
          %select_n3A_367 = arith.select %lt3A_360, %gather3A_364, %broadcast_in_dim3A_366 : vector<16xi1>, vector<16xi32>
          %add3A_368 = arith.constant 5 : i32
          %add3A_369 = vector.broadcast %add3A_368 : i32 to vector<16xi32>
          %add3A_370 = arith.addi %while3A_306, %add3A_369 : vector<16xi32>
          %lt3A_371 = arith.cmpi slt, %add3A_370, %min3A_310 : vector<16xi32>
          %add3A_372 = arith.constant 5 : i32
          %add3A_373 = vector.broadcast %add3A_372 : i32 to vector<16xi32>
          %add3A_374 = arith.addi %sub3A_312, %add3A_373 : vector<16xi32>
          %gather3A_375 = tpu.vector_load_idx %arg10[%add3A_374] masked %lt3A_371 : memref<16384xi32, #tpu.memory_space<vmem>>[vector<16xi32>], vector<16xi32>, vector<16xi1>
          %jit3A_376 = arith.constant 2147483647 : i32
          %broadcast_in_dim3A_377 = vector.broadcast %jit3A_376 : i32 to vector<16xi32>
          %select_n3A_378 = arith.select %lt3A_371, %gather3A_375, %broadcast_in_dim3A_377 : vector<16xi1>, vector<16xi32>
          %add3A_379 = arith.constant 6 : i32
          %add3A_380 = vector.broadcast %add3A_379 : i32 to vector<16xi32>
          %add3A_381 = arith.addi %while3A_306, %add3A_380 : vector<16xi32>
          %lt3A_382 = arith.cmpi slt, %add3A_381, %min3A_310 : vector<16xi32>
          %add3A_383 = arith.constant 6 : i32
          %add3A_384 = vector.broadcast %add3A_383 : i32 to vector<16xi32>
          %add3A_385 = arith.addi %sub3A_312, %add3A_384 : vector<16xi32>
          %gather3A_386 = tpu.vector_load_idx %arg10[%add3A_385] masked %lt3A_382 : memref<16384xi32, #tpu.memory_space<vmem>>[vector<16xi32>], vector<16xi32>, vector<16xi1>
          %jit3A_387 = arith.constant 2147483647 : i32
          %broadcast_in_dim3A_388 = vector.broadcast %jit3A_387 : i32 to vector<16xi32>
          %select_n3A_389 = arith.select %lt3A_382, %gather3A_386, %broadcast_in_dim3A_388 : vector<16xi1>, vector<16xi32>
          %add3A_390 = arith.constant 7 : i32
          %add3A_391 = vector.broadcast %add3A_390 : i32 to vector<16xi32>
          %add3A_392 = arith.addi %while3A_306, %add3A_391 : vector<16xi32>
          %lt3A_393 = arith.cmpi slt, %add3A_392, %min3A_310 : vector<16xi32>
          %add3A_394 = arith.constant 7 : i32
          %add3A_395 = vector.broadcast %add3A_394 : i32 to vector<16xi32>
          %add3A_396 = arith.addi %sub3A_312, %add3A_395 : vector<16xi32>
          %gather3A_397 = tpu.vector_load_idx %arg10[%add3A_396] masked %lt3A_393 : memref<16384xi32, #tpu.memory_space<vmem>>[vector<16xi32>], vector<16xi32>, vector<16xi1>
          %jit3A_398 = arith.constant 2147483647 : i32
          %broadcast_in_dim3A_399 = vector.broadcast %jit3A_398 : i32 to vector<16xi32>
          %select_n3A_400 = arith.select %lt3A_393, %gather3A_397, %broadcast_in_dim3A_399 : vector<16xi1>, vector<16xi32>
          %add3A_401 = arith.constant 8 : i32
          %add3A_402 = vector.broadcast %add3A_401 : i32 to vector<16xi32>
          %add3A_403 = arith.addi %while3A_306, %add3A_402 : vector<16xi32>
          %lt3A_404 = arith.cmpi slt, %add3A_403, %min3A_310 : vector<16xi32>
          %add3A_405 = arith.constant 8 : i32
          %add3A_406 = vector.broadcast %add3A_405 : i32 to vector<16xi32>
          %add3A_407 = arith.addi %sub3A_312, %add3A_406 : vector<16xi32>
          %gather3A_408 = tpu.vector_load_idx %arg10[%add3A_407] masked %lt3A_404 : memref<16384xi32, #tpu.memory_space<vmem>>[vector<16xi32>], vector<16xi32>, vector<16xi1>
          %jit3A_409 = arith.constant 2147483647 : i32
          %broadcast_in_dim3A_410 = vector.broadcast %jit3A_409 : i32 to vector<16xi32>
          %select_n3A_411 = arith.select %lt3A_404, %gather3A_408, %broadcast_in_dim3A_410 : vector<16xi1>, vector<16xi32>
          %add3A_412 = arith.constant 9 : i32
          %add3A_413 = vector.broadcast %add3A_412 : i32 to vector<16xi32>
          %add3A_414 = arith.addi %while3A_306, %add3A_413 : vector<16xi32>
          %lt3A_415 = arith.cmpi slt, %add3A_414, %min3A_310 : vector<16xi32>
          %add3A_416 = arith.constant 9 : i32
          %add3A_417 = vector.broadcast %add3A_416 : i32 to vector<16xi32>
          %add3A_418 = arith.addi %sub3A_312, %add3A_417 : vector<16xi32>
          %gather3A_419 = tpu.vector_load_idx %arg10[%add3A_418] masked %lt3A_415 : memref<16384xi32, #tpu.memory_space<vmem>>[vector<16xi32>], vector<16xi32>, vector<16xi1>
          %jit3A_420 = arith.constant 2147483647 : i32
          %broadcast_in_dim3A_421 = vector.broadcast %jit3A_420 : i32 to vector<16xi32>
          %select_n3A_422 = arith.select %lt3A_415, %gather3A_419, %broadcast_in_dim3A_421 : vector<16xi1>, vector<16xi32>
          %add3A_423 = arith.constant 10 : i32
          %add3A_424 = vector.broadcast %add3A_423 : i32 to vector<16xi32>
          %add3A_425 = arith.addi %while3A_306, %add3A_424 : vector<16xi32>
          %lt3A_426 = arith.cmpi slt, %add3A_425, %min3A_310 : vector<16xi32>
          %add3A_427 = arith.constant 10 : i32
          %add3A_428 = vector.broadcast %add3A_427 : i32 to vector<16xi32>
          %add3A_429 = arith.addi %sub3A_312, %add3A_428 : vector<16xi32>
          %gather3A_430 = tpu.vector_load_idx %arg10[%add3A_429] masked %lt3A_426 : memref<16384xi32, #tpu.memory_space<vmem>>[vector<16xi32>], vector<16xi32>, vector<16xi1>
          %jit3A_431 = arith.constant 2147483647 : i32
          %broadcast_in_dim3A_432 = vector.broadcast %jit3A_431 : i32 to vector<16xi32>
          %select_n3A_433 = arith.select %lt3A_426, %gather3A_430, %broadcast_in_dim3A_432 : vector<16xi1>, vector<16xi32>
          %add3A_434 = arith.constant 11 : i32
          %add3A_435 = vector.broadcast %add3A_434 : i32 to vector<16xi32>
          %add3A_436 = arith.addi %while3A_306, %add3A_435 : vector<16xi32>
          %lt3A_437 = arith.cmpi slt, %add3A_436, %min3A_310 : vector<16xi32>
          %add3A_438 = arith.constant 11 : i32
          %add3A_439 = vector.broadcast %add3A_438 : i32 to vector<16xi32>
          %add3A_440 = arith.addi %sub3A_312, %add3A_439 : vector<16xi32>
          %gather3A_441 = tpu.vector_load_idx %arg10[%add3A_440] masked %lt3A_437 : memref<16384xi32, #tpu.memory_space<vmem>>[vector<16xi32>], vector<16xi32>, vector<16xi1>
          %jit3A_442 = arith.constant 2147483647 : i32
          %broadcast_in_dim3A_443 = vector.broadcast %jit3A_442 : i32 to vector<16xi32>
          %select_n3A_444 = arith.select %lt3A_437, %gather3A_441, %broadcast_in_dim3A_443 : vector<16xi1>, vector<16xi32>
          %add3A_445 = arith.constant 12 : i32
          %add3A_446 = vector.broadcast %add3A_445 : i32 to vector<16xi32>
          %add3A_447 = arith.addi %while3A_306, %add3A_446 : vector<16xi32>
          %lt3A_448 = arith.cmpi slt, %add3A_447, %min3A_310 : vector<16xi32>
          %add3A_449 = arith.constant 12 : i32
          %add3A_450 = vector.broadcast %add3A_449 : i32 to vector<16xi32>
          %add3A_451 = arith.addi %sub3A_312, %add3A_450 : vector<16xi32>
          %gather3A_452 = tpu.vector_load_idx %arg10[%add3A_451] masked %lt3A_448 : memref<16384xi32, #tpu.memory_space<vmem>>[vector<16xi32>], vector<16xi32>, vector<16xi1>
          %jit3A_453 = arith.constant 2147483647 : i32
          %broadcast_in_dim3A_454 = vector.broadcast %jit3A_453 : i32 to vector<16xi32>
          %select_n3A_455 = arith.select %lt3A_448, %gather3A_452, %broadcast_in_dim3A_454 : vector<16xi1>, vector<16xi32>
          %add3A_456 = arith.constant 13 : i32
          %add3A_457 = vector.broadcast %add3A_456 : i32 to vector<16xi32>
          %add3A_458 = arith.addi %while3A_306, %add3A_457 : vector<16xi32>
          %lt3A_459 = arith.cmpi slt, %add3A_458, %min3A_310 : vector<16xi32>
          %add3A_460 = arith.constant 13 : i32
          %add3A_461 = vector.broadcast %add3A_460 : i32 to vector<16xi32>
          %add3A_462 = arith.addi %sub3A_312, %add3A_461 : vector<16xi32>
          %gather3A_463 = tpu.vector_load_idx %arg10[%add3A_462] masked %lt3A_459 : memref<16384xi32, #tpu.memory_space<vmem>>[vector<16xi32>], vector<16xi32>, vector<16xi1>
          %jit3A_464 = arith.constant 2147483647 : i32
          %broadcast_in_dim3A_465 = vector.broadcast %jit3A_464 : i32 to vector<16xi32>
          %select_n3A_466 = arith.select %lt3A_459, %gather3A_463, %broadcast_in_dim3A_465 : vector<16xi1>, vector<16xi32>
          %add3A_467 = arith.constant 14 : i32
          %add3A_468 = vector.broadcast %add3A_467 : i32 to vector<16xi32>
          %add3A_469 = arith.addi %while3A_306, %add3A_468 : vector<16xi32>
          %lt3A_470 = arith.cmpi slt, %add3A_469, %min3A_310 : vector<16xi32>
          %add3A_471 = arith.constant 14 : i32
          %add3A_472 = vector.broadcast %add3A_471 : i32 to vector<16xi32>
          %add3A_473 = arith.addi %sub3A_312, %add3A_472 : vector<16xi32>
          %gather3A_474 = tpu.vector_load_idx %arg10[%add3A_473] masked %lt3A_470 : memref<16384xi32, #tpu.memory_space<vmem>>[vector<16xi32>], vector<16xi32>, vector<16xi1>
          %jit3A_475 = arith.constant 2147483647 : i32
          %broadcast_in_dim3A_476 = vector.broadcast %jit3A_475 : i32 to vector<16xi32>
          %select_n3A_477 = arith.select %lt3A_470, %gather3A_474, %broadcast_in_dim3A_476 : vector<16xi1>, vector<16xi32>
          %add3A_478 = arith.constant 15 : i32
          %add3A_479 = vector.broadcast %add3A_478 : i32 to vector<16xi32>
          %add3A_480 = arith.addi %while3A_306, %add3A_479 : vector<16xi32>
          %lt3A_481 = arith.cmpi slt, %add3A_480, %min3A_310 : vector<16xi32>
          %add3A_482 = arith.constant 15 : i32
          %add3A_483 = vector.broadcast %add3A_482 : i32 to vector<16xi32>
          %add3A_484 = arith.addi %sub3A_312, %add3A_483 : vector<16xi32>
          %gather3A_485 = tpu.vector_load_idx %arg10[%add3A_484] masked %lt3A_481 : memref<16384xi32, #tpu.memory_space<vmem>>[vector<16xi32>], vector<16xi32>, vector<16xi1>
          %jit3A_486 = arith.constant 2147483647 : i32
          %broadcast_in_dim3A_487 = vector.broadcast %jit3A_486 : i32 to vector<16xi32>
          %select_n3A_488 = arith.select %lt3A_481, %gather3A_485, %broadcast_in_dim3A_487 : vector<16xi1>, vector<16xi32>
          %lt3A_489 = arith.cmpi slt, %select_n3A_334, %select_n3A_323 : vector<16xi32>
          %select_n3A_490 = arith.select %lt3A_489, %select_n3A_334, %select_n3A_323 : vector<16xi1>, vector<16xi32>
          %select_n3A_491 = arith.select %lt3A_489, %add3A_326, %add3A_315 : vector<16xi1>, vector<16xi32>
          %lt3A_492 = arith.cmpi slt, %select_n3A_356, %select_n3A_345 : vector<16xi32>
          %select_n3A_493 = arith.select %lt3A_492, %select_n3A_356, %select_n3A_345 : vector<16xi1>, vector<16xi32>
          %select_n3A_494 = arith.select %lt3A_492, %add3A_348, %add3A_337 : vector<16xi1>, vector<16xi32>
          %lt3A_495 = arith.cmpi slt, %select_n3A_378, %select_n3A_367 : vector<16xi32>
          %select_n3A_496 = arith.select %lt3A_495, %select_n3A_378, %select_n3A_367 : vector<16xi1>, vector<16xi32>
          %select_n3A_497 = arith.select %lt3A_495, %add3A_370, %add3A_359 : vector<16xi1>, vector<16xi32>
          %lt3A_498 = arith.cmpi slt, %select_n3A_400, %select_n3A_389 : vector<16xi32>
          %select_n3A_499 = arith.select %lt3A_498, %select_n3A_400, %select_n3A_389 : vector<16xi1>, vector<16xi32>
          %select_n3A_500 = arith.select %lt3A_498, %add3A_392, %add3A_381 : vector<16xi1>, vector<16xi32>
          %lt3A_501 = arith.cmpi slt, %select_n3A_422, %select_n3A_411 : vector<16xi32>
          %select_n3A_502 = arith.select %lt3A_501, %select_n3A_422, %select_n3A_411 : vector<16xi1>, vector<16xi32>
          %select_n3A_503 = arith.select %lt3A_501, %add3A_414, %add3A_403 : vector<16xi1>, vector<16xi32>
          %lt3A_504 = arith.cmpi slt, %select_n3A_444, %select_n3A_433 : vector<16xi32>
          %select_n3A_505 = arith.select %lt3A_504, %select_n3A_444, %select_n3A_433 : vector<16xi1>, vector<16xi32>
          %select_n3A_506 = arith.select %lt3A_504, %add3A_436, %add3A_425 : vector<16xi1>, vector<16xi32>
          %lt3A_507 = arith.cmpi slt, %select_n3A_466, %select_n3A_455 : vector<16xi32>
          %select_n3A_508 = arith.select %lt3A_507, %select_n3A_466, %select_n3A_455 : vector<16xi1>, vector<16xi32>
          %select_n3A_509 = arith.select %lt3A_507, %add3A_458, %add3A_447 : vector<16xi1>, vector<16xi32>
          %lt3A_510 = arith.cmpi slt, %select_n3A_488, %select_n3A_477 : vector<16xi32>
          %select_n3A_511 = arith.select %lt3A_510, %select_n3A_488, %select_n3A_477 : vector<16xi1>, vector<16xi32>
          %select_n3A_512 = arith.select %lt3A_510, %add3A_480, %add3A_469 : vector<16xi1>, vector<16xi32>
          %lt3A_513 = arith.cmpi slt, %select_n3A_493, %select_n3A_490 : vector<16xi32>
          %select_n3A_514 = arith.select %lt3A_513, %select_n3A_493, %select_n3A_490 : vector<16xi1>, vector<16xi32>
          %select_n3A_515 = arith.select %lt3A_513, %select_n3A_494, %select_n3A_491 : vector<16xi1>, vector<16xi32>
          %lt3A_516 = arith.cmpi slt, %select_n3A_499, %select_n3A_496 : vector<16xi32>
          %select_n3A_517 = arith.select %lt3A_516, %select_n3A_499, %select_n3A_496 : vector<16xi1>, vector<16xi32>
          %select_n3A_518 = arith.select %lt3A_516, %select_n3A_500, %select_n3A_497 : vector<16xi1>, vector<16xi32>
          %lt3A_519 = arith.cmpi slt, %select_n3A_505, %select_n3A_502 : vector<16xi32>
          %select_n3A_520 = arith.select %lt3A_519, %select_n3A_505, %select_n3A_502 : vector<16xi1>, vector<16xi32>
          %select_n3A_521 = arith.select %lt3A_519, %select_n3A_506, %select_n3A_503 : vector<16xi1>, vector<16xi32>
          %lt3A_522 = arith.cmpi slt, %select_n3A_511, %select_n3A_508 : vector<16xi32>
          %select_n3A_523 = arith.select %lt3A_522, %select_n3A_511, %select_n3A_508 : vector<16xi1>, vector<16xi32>
          %select_n3A_524 = arith.select %lt3A_522, %select_n3A_512, %select_n3A_509 : vector<16xi1>, vector<16xi32>
          %lt3A_525 = arith.cmpi slt, %select_n3A_517, %select_n3A_514 : vector<16xi32>
          %select_n3A_526 = arith.select %lt3A_525, %select_n3A_517, %select_n3A_514 : vector<16xi1>, vector<16xi32>
          %select_n3A_527 = arith.select %lt3A_525, %select_n3A_518, %select_n3A_515 : vector<16xi1>, vector<16xi32>
          %lt3A_528 = arith.cmpi slt, %select_n3A_523, %select_n3A_520 : vector<16xi32>
          %select_n3A_529 = arith.select %lt3A_528, %select_n3A_523, %select_n3A_520 : vector<16xi1>, vector<16xi32>
          %select_n3A_530 = arith.select %lt3A_528, %select_n3A_524, %select_n3A_521 : vector<16xi1>, vector<16xi32>
          %lt3A_531 = arith.cmpi slt, %select_n3A_529, %select_n3A_526 : vector<16xi32>
          %select_n3A_532 = arith.select %lt3A_531, %select_n3A_529, %select_n3A_526 : vector<16xi1>, vector<16xi32>
          %select_n3A_533 = arith.select %lt3A_531, %select_n3A_530, %select_n3A_527 : vector<16xi1>, vector<16xi32>
          %lt3A_534 = arith.cmpi slt, %select_n3A_532, %while3A_307 : vector<16xi32>
          %select_n3A_535 = arith.select %lt3A_534, %select_n3A_532, %while3A_307 : vector<16xi1>, vector<16xi32>
          %select_n3A_536 = arith.select %lt3A_534, %select_n3A_533, %while3A_308 : vector<16xi1>, vector<16xi32>
          %sub3A_537 = arith.subi %min3A_310, %while3A_306 : vector<16xi32>
          %jit3A_538 = arith.constant 0 : i32
          %jit3A_539 = arith.constant 16 : i32
          %max3A_540 = vector.broadcast %jit3A_538 : i32 to vector<16xi32>
          %max3A_541 = arith.maxsi %max3A_540, %sub3A_537 : vector<16xi32>
          %min3A_542 = vector.broadcast %jit3A_539 : i32 to vector<16xi32>
          %min3A_543 = arith.minsi %min3A_542, %max3A_541 : vector<16xi32>
          %add3A_544 = arith.addi %while3A_306, %min3A_543 : vector<16xi32>
          %lt3A_545 = arith.cmpi slt, %add3A_544, %while3A_305 : vector<16xi32>
          %reduce_or3A = arith.constant 1.000000e+00 : f32
          %reduce_or3A_546 = arith.constant 0.000000e+00 : f32
          %reduce_or3A_547 = vector.broadcast %reduce_or3A : f32 to vector<16xf32>
          %reduce_or3A_548 = vector.broadcast %reduce_or3A_546 : f32 to vector<16xf32>
          %reduce_or3A_549 = arith.select %lt3A_545, %reduce_or3A_547, %reduce_or3A_548 : vector<16xi1>, vector<16xf32>
          %reduce_or3A_550 = arith.constant true
          %reduce_or3A_551 = vector.broadcast %reduce_or3A_550 : i1 to vector<16xi1>
          %reduce_or3A_552 = tpu.scan <max>, %reduce_or3A_549 masked %reduce_or3A_551 : vector<16xf32>, vector<16xi1> -> vector<16xf32>
          %reduce_or3A_553 = vector.extract %reduce_or3A_552[15] : f32 from vector<16xf32>
          %reduce_or3A_554 = arith.constant 0.000000e+00 : f32
          %reduce_or3A_555 = arith.cmpf ogt, %reduce_or3A_553, %reduce_or3A_554 : f32
          %not3A = arith.constant true
          %not3A_556 = arith.xori %reduce_or3A_555, %not3A : i1
          %lt3A_557 = arith.cmpi slt, %add3A_544, %while3A_305 : vector<16xi32>
          %lt3A_558 = vector.broadcast %add3A_300 : i32 to vector<16xi32>
          %lt3A_559 = arith.cmpi slt, %add3A_544, %lt3A_558 : vector<16xi32>
          %and3A_560 = arith.andi %lt3A_557, %lt3A_559 : vector<16xi1>
          %reduce_or3A_561 = arith.constant 1.000000e+00 : f32
          %reduce_or3A_562 = arith.constant 0.000000e+00 : f32
          %reduce_or3A_563 = vector.broadcast %reduce_or3A_561 : f32 to vector<16xf32>
          %reduce_or3A_564 = vector.broadcast %reduce_or3A_562 : f32 to vector<16xf32>
          %reduce_or3A_565 = arith.select %and3A_560, %reduce_or3A_563, %reduce_or3A_564 : vector<16xi1>, vector<16xf32>
          %reduce_or3A_566 = arith.constant true
          %reduce_or3A_567 = vector.broadcast %reduce_or3A_566 : i1 to vector<16xi1>
          %reduce_or3A_568 = tpu.scan <max>, %reduce_or3A_565 masked %reduce_or3A_567 : vector<16xf32>, vector<16xi1> -> vector<16xf32>
          %reduce_or3A_569 = vector.extract %reduce_or3A_568[15] : f32 from vector<16xf32>
          %reduce_or3A_570 = arith.constant 0.000000e+00 : f32
          %reduce_or3A_571 = arith.cmpf ogt, %reduce_or3A_569, %reduce_or3A_570 : f32
          %not3A_572 = arith.constant true
          %not3A_573 = arith.xori %reduce_or3A_571, %not3A_572 : i1
          %not3A_574 = arith.constant true
          %not3A_575 = arith.xori %not3A_556, %not3A_574 : i1
          %and3A_576 = arith.andi %not3A_573, %not3A_575 : i1
          %convert_element_type3A_577 = arith.extui %not3A_556 : i1 to i32
          %cond3A_578 = arith.constant 0 : i32
          %cond3A_579 = arith.cmpi ne, %convert_element_type3A_577, %cond3A_578 : i32
          %cond3A_580:5 = scf.if %cond3A_579 -> (i32, vector<16xi32>, vector<16xi32>, vector<16xi32>, vector<16xi32>) {
            %mul3A_583 = arith.constant 16 : i32
            %mul3A_584 = arith.muli %while3A_304, %mul3A_583 : i32
            %swap3A = arith.index_cast %mul3A_584 : i32 to index
            %swap3A_585 = tpu.vector_load %arg11[%swap3A] {strides = array<i32>} : memref<3200xi32, #tpu.memory_space<vmem>>, vector<16xi32>,
            tpu.vector_store %arg11[%swap3A], %select_n3A_536 {strides = array<i32>} : memref<3200xi32, #tpu.memory_space<vmem>>, vector<16xi32>,
            %add3A_586 = arith.constant 1 : i32
            %add3A_587 = arith.addi %while3A_304, %add3A_586 : i32
            %mul3A_588 = arith.constant 16 : i32
            %mul3A_589 = arith.muli %add3A_587, %mul3A_588 : i32
            %add3A_590 = vector.broadcast %mul3A_589 : i32 to vector<16xi32>
            %add3A_591 = arith.addi %add3A_590, %iota3A : vector<16xi32>
            %gather3A_592 = tpu.vector_load_idx %arg6[%add3A_591] : memref<3232xi32, #tpu.memory_space<vmem>>[vector<16xi32>], vector<16xi32>,
            %add3A_593 = vector.broadcast %mul3A_589 : i32 to vector<16xi32>
            %add3A_594 = arith.addi %add3A_593, %iota3A : vector<16xi32>
            %add3A_595 = arith.constant 1 : i32
            %add3A_596 = vector.broadcast %add3A_595 : i32 to vector<16xi32>
            %add3A_597 = arith.addi %add3A_594, %add3A_596 : vector<16xi32>
            %gather3A_598 = tpu.vector_load_idx %arg6[%add3A_597] : memref<3232xi32, #tpu.memory_space<vmem>>[vector<16xi32>], vector<16xi32>,
            %broadcast_in_dim3A_599 = arith.constant 2147483647 : i32
            %broadcast_in_dim3A_600 = vector.broadcast %broadcast_in_dim3A_599 : i32 to vector<16xi32>
            %broadcast_in_dim3A_601 = arith.constant -1 : i32
            %broadcast_in_dim3A_602 = vector.broadcast %broadcast_in_dim3A_601 : i32 to vector<16xi32>
            scf.yield %add3A_587, %gather3A_598, %gather3A_592, %broadcast_in_dim3A_600, %broadcast_in_dim3A_602 : i32, vector<16xi32>, vector<16xi32>, vector<16xi32>, vector<16xi32>
          } else {
            scf.yield %while3A_304, %while3A_305, %add3A_544, %select_n3A_535, %select_n3A_536 : i32, vector<16xi32>, vector<16xi32>, vector<16xi32>, vector<16xi32>
          }
          %not3A_581 = arith.constant true
          %not3A_582 = arith.xori %and3A_576, %not3A_581 : i1
          scf.yield %not3A_582, %cond3A_580#0, %cond3A_580#1, %cond3A_580#2, %cond3A_580#3, %cond3A_580#4 : i1, i32, vector<16xi32>, vector<16xi32>, vector<16xi32>, vector<16xi32>
        }
        scf.yield %while3A_302#1, %while3A_302#2, %while3A_302#3, %while3A_302#4, %while3A_302#5 : i32, vector<16xi32>, vector<16xi32>, vector<16xi32>, vector<16xi32>
      } else {
        scf.yield %while3A_238#1, %while3A_238#2, %while3A_238#3, %while3A_238#4, %while3A_238#5 : i32, vector<16xi32>, vector<16xi32>, vector<16xi32>, vector<16xi32>
      }
      scf.yield %cond3A_243#0, %cond3A_243#1, %cond3A_243#2, %cond3A_243#3, %cond3A_243#4 : i32, vector<16xi32>, vector<16xi32>, vector<16xi32>, vector<16xi32>
    }
    %while3A_146 = arith.constant 1 : i32
    %while3A_147:5 = scf.for %while3A_171 = %while3A_143 to %while3A_139 step %while3A_146 iter_args(%while3A_172 = %while3A_145#0, %while3A_173 = %while3A_145#1, %while3A_174 = %while3A_145#2, %while3A_175 = %while3A_145#3, %while3A_176 = %while3A_145#4) -> (i32, vector<16xi32>, vector<16xi32>, vector<16xi32>, vector<16xi32>)  : i32 {
      %mul3A_177 = arith.constant 32768 : i32
      %mul3A_178 = arith.muli %while3A_171, %mul3A_177 : i32
      %add3A_179 = arith.addi %mul3A_29, %mul3A_178 : i32
      %add3A_180 = arith.constant 16384 : i32
      %add3A_181 = arith.addi %add3A_179, %add3A_180 : i32
      %lt3A_182 = arith.cmpi slt, %add3A_181, %squeeze3A_7 : i32
      %convert_element_type3A_183 = arith.extui %lt3A_182 : i1 to i32
      %cond3A_184 = arith.constant 0 : i32
      %cond3A_185 = arith.cmpi ne, %convert_element_type3A_183, %cond3A_184 : i32
      scf.if %cond3A_185 {
        %multiple_of3A_244 = tpu.assume_multiple %add3A_181, 8 : i32
        %dma_wait3A_245 = tpu.memref_slice %arg3[%multiple_of3A_244] : memref<1632776xi32, #tpu.memory_space<hbm>> -> memref<16384xi32, #tpu.memory_space<hbm>>
        %dma_wait3A_246 = tpu.memref_slice %arg3[%multiple_of3A_244] : memref<1632776xi32, #tpu.memory_space<hbm>> -> memref<16384xi32, #tpu.memory_space<hbm>>
        tpu.wait_dma2 semaphore(%arg15 : memref<!tpu.dma_semaphore, #tpu.memory_space<semaphore_mem>>) src(%dma_wait3A_246 : memref<16384xi32, #tpu.memory_space<hbm>>) dst(%arg9 : memref<16384xi32, #tpu.memory_space<vmem>>)
        %sub3A_247 = arith.subi %squeeze3A_7, %add3A_181 : i32
        %add3A_248 = arith.constant 1024 : i32
        %add3A_249 = arith.addi %sub3A_247, %add3A_248 : i32
        %sub3A_250 = arith.constant 1 : i32
        %sub3A_251 = arith.subi %add3A_249, %sub3A_250 : i32
        %jit3A_252 = arith.constant 1024 : i32
        %div3A_253 = arith.divsi %sub3A_251, %jit3A_252 : i32
        %sign3A_254 = arith.constant 0 : i32
        %sign3A_255 = arith.cmpi sgt, %sub3A_251, %sign3A_254 : i32
        %sign3A_256 = arith.extui %sign3A_255 : i1 to i32
        %sign3A_257 = arith.constant 0 : i32
        %sign3A_258 = arith.cmpi slt, %sub3A_251, %sign3A_257 : i32
        %sign3A_259 = arith.extui %sign3A_258 : i1 to i32
        %sign3A_260 = arith.subi %sign3A_256, %sign3A_259 : i32
        %sign3A_261 = arith.constant 0 : i32
        %sign3A_262 = arith.cmpi sgt, %jit3A_252, %sign3A_261 : i32
        %sign3A_263 = arith.extui %sign3A_262 : i1 to i32
        %sign3A_264 = arith.constant 0 : i32
        %sign3A_265 = arith.cmpi slt, %jit3A_252, %sign3A_264 : i32
        %sign3A_266 = arith.extui %sign3A_265 : i1 to i32
        %sign3A_267 = arith.subi %sign3A_263, %sign3A_266 : i32
        %ne3A_268 = arith.cmpi ne, %sign3A_260, %sign3A_267 : i32
        %rem3A_269 = arith.remsi %sub3A_251, %jit3A_252 : i32
        %ne3A_270 = arith.constant 0 : i32
        %ne3A_271 = arith.cmpi ne, %rem3A_269, %ne3A_270 : i32
        %and3A_272 = arith.andi %ne3A_268, %ne3A_271 : i1
        %sub3A_273 = arith.constant 1 : i32
        %sub3A_274 = arith.subi %div3A_253, %sub3A_273 : i32
        %select_n3A_275 = arith.select %and3A_272, %sub3A_274, %div3A_253 : i32
        %jit3A_276 = arith.constant 0 : i32
        %jit3A_277 = arith.constant 16 : i32
        %max3A_278 = arith.maxsi %jit3A_276, %select_n3A_275 : i32
        %min3A_279 = arith.minsi %jit3A_277, %max3A_278 : i32
        %while3A_280 = arith.constant 0 : i32
        %while3A_281 = arith.constant 0 : i32
        %while3A_282 = arith.subi %min3A_279, %while3A_281 : i32
        %while3A_283 = arith.addi %while3A_281, %while3A_282 : i32
        %while3A_284 = arith.constant 1 : i32
        %while3A_285 = arith.divsi %while3A_282, %while3A_284 : i32
        %while3A_286 = arith.muli %while3A_285, %while3A_284 : i32
        %while3A_287 = arith.addi %while3A_281, %while3A_286 : i32
        %while3A_288 = arith.constant 1 : i32
        scf.for %while3A_290 = %while3A_281 to %while3A_287 step %while3A_288  : i32 {
          %mul3A_291 = arith.constant 1024 : i32
          %mul3A_292 = arith.muli %while3A_290, %mul3A_291 : i32
          %mul3A_293 = arith.constant 1024 : i32
          %mul3A_294 = arith.muli %while3A_290, %mul3A_293 : i32
          %dma_start3A_295 = tpu.memref_slice %arg10[%mul3A_294] : memref<16384xi32, #tpu.memory_space<vmem>> -> memref<1024xi32, #tpu.memory_space<vmem>>
          %dma_start3A_296 = tpu.memref_slice %arg9[%mul3A_292] : memref<16384xi32, #tpu.memory_space<vmem>> -> memref<1024xi32, #tpu.memory_space<vmem>>
          %dma_start3A_297 = arith.constant 0 : i32
          %dma_start3A_298 = tpu.memref_slice %arg4[%dma_start3A_297] : memref<1600000xi32, #tpu.memory_space<hbm>> -> memref<1600000xi32, #tpu.memory_space<hbm>>
          tpu.enqueue_indirect_dma source(%dma_start3A_298 : memref<1600000xi32, #tpu.memory_space<hbm>>) target(%dma_start3A_295 : memref<1024xi32, #tpu.memory_space<vmem>>) offsets(%dma_start3A_296 : memref<1024xi32, #tpu.memory_space<vmem>>) semaphore(%arg13 : memref<!tpu.dma_semaphore, #tpu.memory_space<semaphore_mem>>)
        }
        %while3A_289 = arith.constant 1 : i32
        scf.for %while3A_290 = %while3A_287 to %while3A_283 step %while3A_289  : i32 {
          %mul3A_291 = arith.constant 1024 : i32
          %mul3A_292 = arith.muli %while3A_290, %mul3A_291 : i32
          %mul3A_293 = arith.constant 1024 : i32
          %mul3A_294 = arith.muli %while3A_290, %mul3A_293 : i32
          %dma_start3A_295 = tpu.memref_slice %arg10[%mul3A_294] : memref<16384xi32, #tpu.memory_space<vmem>> -> memref<1024xi32, #tpu.memory_space<vmem>>
          %dma_start3A_296 = tpu.memref_slice %arg9[%mul3A_292] : memref<16384xi32, #tpu.memory_space<vmem>> -> memref<1024xi32, #tpu.memory_space<vmem>>
          %dma_start3A_297 = arith.constant 0 : i32
          %dma_start3A_298 = tpu.memref_slice %arg4[%dma_start3A_297] : memref<1600000xi32, #tpu.memory_space<hbm>> -> memref<1600000xi32, #tpu.memory_space<hbm>>
          tpu.enqueue_indirect_dma source(%dma_start3A_298 : memref<1600000xi32, #tpu.memory_space<hbm>>) target(%dma_start3A_295 : memref<1024xi32, #tpu.memory_space<vmem>>) offsets(%dma_start3A_296 : memref<1024xi32, #tpu.memory_space<vmem>>) semaphore(%arg13 : memref<!tpu.dma_semaphore, #tpu.memory_space<semaphore_mem>>)
        }
      } else {
      }
      %sub3A_186 = arith.subi %squeeze3A_7, %add3A_179 : i32
      %add3A_187 = arith.constant 1024 : i32
      %add3A_188 = arith.addi %sub3A_186, %add3A_187 : i32
      %sub3A_189 = arith.constant 1 : i32
      %sub3A_190 = arith.subi %add3A_188, %sub3A_189 : i32
      %jit3A_191 = arith.constant 1024 : i32
      %div3A_192 = arith.divsi %sub3A_190, %jit3A_191 : i32
      %sign3A_193 = arith.constant 0 : i32
      %sign3A_194 = arith.cmpi sgt, %sub3A_190, %sign3A_193 : i32
      %sign3A_195 = arith.extui %sign3A_194 : i1 to i32
      %sign3A_196 = arith.constant 0 : i32
      %sign3A_197 = arith.cmpi slt, %sub3A_190, %sign3A_196 : i32
      %sign3A_198 = arith.extui %sign3A_197 : i1 to i32
      %sign3A_199 = arith.subi %sign3A_195, %sign3A_198 : i32
      %sign3A_200 = arith.constant 0 : i32
      %sign3A_201 = arith.cmpi sgt, %jit3A_191, %sign3A_200 : i32
      %sign3A_202 = arith.extui %sign3A_201 : i1 to i32
      %sign3A_203 = arith.constant 0 : i32
      %sign3A_204 = arith.cmpi slt, %jit3A_191, %sign3A_203 : i32
      %sign3A_205 = arith.extui %sign3A_204 : i1 to i32
      %sign3A_206 = arith.subi %sign3A_202, %sign3A_205 : i32
      %ne3A_207 = arith.cmpi ne, %sign3A_199, %sign3A_206 : i32
      %rem3A_208 = arith.remsi %sub3A_190, %jit3A_191 : i32
      %ne3A_209 = arith.constant 0 : i32
      %ne3A_210 = arith.cmpi ne, %rem3A_208, %ne3A_209 : i32
      %and3A_211 = arith.andi %ne3A_207, %ne3A_210 : i1
      %sub3A_212 = arith.constant 1 : i32
      %sub3A_213 = arith.subi %div3A_192, %sub3A_212 : i32
      %select_n3A_214 = arith.select %and3A_211, %sub3A_213, %div3A_192 : i32
      %jit3A_215 = arith.constant 0 : i32
      %jit3A_216 = arith.constant 16 : i32
      %max3A_217 = arith.maxsi %jit3A_215, %select_n3A_214 : i32
      %min3A_218 = arith.minsi %jit3A_216, %max3A_217 : i32
      %while3A_219 = arith.constant 0 : i32
      %while3A_220 = arith.constant 0 : i32
      %while3A_221 = arith.subi %min3A_218, %while3A_220 : i32
      %while3A_222 = arith.addi %while3A_220, %while3A_221 : i32
      %while3A_223 = arith.constant 1 : i32
      %while3A_224 = arith.divsi %while3A_221, %while3A_223 : i32
      %while3A_225 = arith.muli %while3A_224, %while3A_223 : i32
      %while3A_226 = arith.addi %while3A_220, %while3A_225 : i32
      %while3A_227 = arith.constant 1 : i32
      scf.for %while3A_244 = %while3A_220 to %while3A_226 step %while3A_227  : i32 {
        %mul3A_245 = arith.constant 1024 : i32
        %mul3A_246 = arith.muli %while3A_244, %mul3A_245 : i32
        %mul3A_247 = arith.constant 1024 : i32
        %mul3A_248 = arith.muli %while3A_244, %mul3A_247 : i32
        %dma_wait3A_249 = tpu.memref_slice %arg8[%mul3A_248] : memref<16384xi32, #tpu.memory_space<vmem>> -> memref<1024xi32, #tpu.memory_space<vmem>>
        %dma_wait3A_250 = tpu.memref_slice %arg7[%mul3A_246] : memref<16384xi32, #tpu.memory_space<vmem>> -> memref<1024xi32, #tpu.memory_space<vmem>>
        %dma_wait3A_251 = arith.constant 0 : i32
        %dma_wait3A_252 = tpu.memref_slice %arg4[%dma_wait3A_251] : memref<1600000xi32, #tpu.memory_space<hbm>> -> memref<1600000xi32, #tpu.memory_space<hbm>>
        tpu.wait_indirect_dma semaphore(%arg12 : memref<!tpu.dma_semaphore, #tpu.memory_space<semaphore_mem>>) src(%dma_wait3A_252 : memref<1600000xi32, #tpu.memory_space<hbm>>) dst(%dma_wait3A_249 : memref<1024xi32, #tpu.memory_space<vmem>>)
      }
      %while3A_228 = arith.constant 1 : i32
      scf.for %while3A_244 = %while3A_226 to %while3A_222 step %while3A_228  : i32 {
        %mul3A_245 = arith.constant 1024 : i32
        %mul3A_246 = arith.muli %while3A_244, %mul3A_245 : i32
        %mul3A_247 = arith.constant 1024 : i32
        %mul3A_248 = arith.muli %while3A_244, %mul3A_247 : i32
        %dma_wait3A_249 = tpu.memref_slice %arg8[%mul3A_248] : memref<16384xi32, #tpu.memory_space<vmem>> -> memref<1024xi32, #tpu.memory_space<vmem>>
        %dma_wait3A_250 = tpu.memref_slice %arg7[%mul3A_246] : memref<16384xi32, #tpu.memory_space<vmem>> -> memref<1024xi32, #tpu.memory_space<vmem>>
        %dma_wait3A_251 = arith.constant 0 : i32
        %dma_wait3A_252 = tpu.memref_slice %arg4[%dma_wait3A_251] : memref<1600000xi32, #tpu.memory_space<hbm>> -> memref<1600000xi32, #tpu.memory_space<hbm>>
        tpu.wait_indirect_dma semaphore(%arg12 : memref<!tpu.dma_semaphore, #tpu.memory_space<semaphore_mem>>) src(%dma_wait3A_252 : memref<1600000xi32, #tpu.memory_space<hbm>>) dst(%dma_wait3A_249 : memref<1024xi32, #tpu.memory_space<vmem>>)
      }
      %add3A_229 = arith.constant 32768 : i32
      %add3A_230 = arith.addi %add3A_179, %add3A_229 : i32
      %lt3A_231 = arith.cmpi slt, %add3A_230, %squeeze3A_7 : i32
      %convert_element_type3A_232 = arith.extui %lt3A_231 : i1 to i32
      %cond3A_233 = arith.constant 0 : i32
      %cond3A_234 = arith.cmpi ne, %convert_element_type3A_232, %cond3A_233 : i32
      scf.if %cond3A_234 {
        %add3A_244 = arith.constant 32768 : i32
        %add3A_245 = arith.addi %add3A_179, %add3A_244 : i32
        %multiple_of3A_246 = tpu.assume_multiple %add3A_245, 8 : i32
        %dma_start3A_247 = tpu.memref_slice %arg3[%multiple_of3A_246] : memref<1632776xi32, #tpu.memory_space<hbm>> -> memref<16384xi32, #tpu.memory_space<hbm>>
        %dma_start3A_248 = tpu.memref_slice %arg3[%multiple_of3A_246] : memref<1632776xi32, #tpu.memory_space<hbm>> -> memref<16384xi32, #tpu.memory_space<hbm>>
        tpu.enqueue_dma source(%dma_start3A_248 : memref<16384xi32, #tpu.memory_space<hbm>>) target(%arg7 : memref<16384xi32, #tpu.memory_space<vmem>>) target_semaphore(%arg14 : memref<!tpu.dma_semaphore, #tpu.memory_space<semaphore_mem>>)
      } else {
      }
      %add3A_235 = arith.constant 16384 : i32
      %add3A_236 = arith.addi %add3A_179, %add3A_235 : i32
      %while3A_237 = arith.constant true
      %while3A_238:6 = scf.while (%while3A_244 = %while3A_237, %while3A_245 = %while3A_172, %while3A_246 = %while3A_173, %while3A_247 = %while3A_174, %while3A_248 = %while3A_175, %while3A_249 = %while3A_176) : (i1, i32, vector<16xi32>, vector<16xi32>, vector<16xi32>, vector<16xi32>) -> (i1, i32, vector<16xi32>, vector<16xi32>, vector<16xi32>, vector<16xi32>) {
        %lt3A_250 = arith.constant 200 : i32
        %lt3A_251 = arith.cmpi slt, %while3A_245, %lt3A_250 : i32
        %and3A_252 = arith.andi %while3A_244, %lt3A_251 : i1
        scf.condition(%and3A_252) %while3A_244, %while3A_245, %while3A_246, %while3A_247, %while3A_248, %while3A_249 : i1, i32, vector<16xi32>, vector<16xi32>, vector<16xi32>, vector<16xi32>
      } do {
      ^bb0(%while3A_244: i1, %while3A_245: i32, %while3A_246: vector<16xi32>, %while3A_247: vector<16xi32>, %while3A_248: vector<16xi32>, %while3A_249: vector<16xi32>):
        %min3A_250 = vector.broadcast %add3A_236 : i32 to vector<16xi32>
        %min3A_251 = arith.minsi %while3A_246, %min3A_250 : vector<16xi32>
        %sub3A_252 = vector.broadcast %add3A_179 : i32 to vector<16xi32>
        %sub3A_253 = arith.subi %while3A_247, %sub3A_252 : vector<16xi32>
        %add3A_254 = arith.constant 0 : i32
        %add3A_255 = vector.broadcast %add3A_254 : i32 to vector<16xi32>
        %add3A_256 = arith.addi %while3A_247, %add3A_255 : vector<16xi32>
        %lt3A_257 = arith.cmpi slt, %add3A_256, %min3A_251 : vector<16xi32>
        %add3A_258 = arith.constant 0 : i32
        %add3A_259 = vector.broadcast %add3A_258 : i32 to vector<16xi32>
        %add3A_260 = arith.addi %sub3A_253, %add3A_259 : vector<16xi32>
        %gather3A_261 = tpu.vector_load_idx %arg8[%add3A_260] masked %lt3A_257 : memref<16384xi32, #tpu.memory_space<vmem>>[vector<16xi32>], vector<16xi32>, vector<16xi1>
        %jit3A_262 = arith.constant 2147483647 : i32
        %broadcast_in_dim3A_263 = vector.broadcast %jit3A_262 : i32 to vector<16xi32>
        %select_n3A_264 = arith.select %lt3A_257, %gather3A_261, %broadcast_in_dim3A_263 : vector<16xi1>, vector<16xi32>
        %add3A_265 = arith.constant 1 : i32
        %add3A_266 = vector.broadcast %add3A_265 : i32 to vector<16xi32>
        %add3A_267 = arith.addi %while3A_247, %add3A_266 : vector<16xi32>
        %lt3A_268 = arith.cmpi slt, %add3A_267, %min3A_251 : vector<16xi32>
        %add3A_269 = arith.constant 1 : i32
        %add3A_270 = vector.broadcast %add3A_269 : i32 to vector<16xi32>
        %add3A_271 = arith.addi %sub3A_253, %add3A_270 : vector<16xi32>
        %gather3A_272 = tpu.vector_load_idx %arg8[%add3A_271] masked %lt3A_268 : memref<16384xi32, #tpu.memory_space<vmem>>[vector<16xi32>], vector<16xi32>, vector<16xi1>
        %jit3A_273 = arith.constant 2147483647 : i32
        %broadcast_in_dim3A_274 = vector.broadcast %jit3A_273 : i32 to vector<16xi32>
        %select_n3A_275 = arith.select %lt3A_268, %gather3A_272, %broadcast_in_dim3A_274 : vector<16xi1>, vector<16xi32>
        %add3A_276 = arith.constant 2 : i32
        %add3A_277 = vector.broadcast %add3A_276 : i32 to vector<16xi32>
        %add3A_278 = arith.addi %while3A_247, %add3A_277 : vector<16xi32>
        %lt3A_279 = arith.cmpi slt, %add3A_278, %min3A_251 : vector<16xi32>
        %add3A_280 = arith.constant 2 : i32
        %add3A_281 = vector.broadcast %add3A_280 : i32 to vector<16xi32>
        %add3A_282 = arith.addi %sub3A_253, %add3A_281 : vector<16xi32>
        %gather3A_283 = tpu.vector_load_idx %arg8[%add3A_282] masked %lt3A_279 : memref<16384xi32, #tpu.memory_space<vmem>>[vector<16xi32>], vector<16xi32>, vector<16xi1>
        %jit3A_284 = arith.constant 2147483647 : i32
        %broadcast_in_dim3A_285 = vector.broadcast %jit3A_284 : i32 to vector<16xi32>
        %select_n3A_286 = arith.select %lt3A_279, %gather3A_283, %broadcast_in_dim3A_285 : vector<16xi1>, vector<16xi32>
        %add3A_287 = arith.constant 3 : i32
        %add3A_288 = vector.broadcast %add3A_287 : i32 to vector<16xi32>
        %add3A_289 = arith.addi %while3A_247, %add3A_288 : vector<16xi32>
        %lt3A_290 = arith.cmpi slt, %add3A_289, %min3A_251 : vector<16xi32>
        %add3A_291 = arith.constant 3 : i32
        %add3A_292 = vector.broadcast %add3A_291 : i32 to vector<16xi32>
        %add3A_293 = arith.addi %sub3A_253, %add3A_292 : vector<16xi32>
        %gather3A_294 = tpu.vector_load_idx %arg8[%add3A_293] masked %lt3A_290 : memref<16384xi32, #tpu.memory_space<vmem>>[vector<16xi32>], vector<16xi32>, vector<16xi1>
        %jit3A_295 = arith.constant 2147483647 : i32
        %broadcast_in_dim3A_296 = vector.broadcast %jit3A_295 : i32 to vector<16xi32>
        %select_n3A_297 = arith.select %lt3A_290, %gather3A_294, %broadcast_in_dim3A_296 : vector<16xi1>, vector<16xi32>
        %add3A_298 = arith.constant 4 : i32
        %add3A_299 = vector.broadcast %add3A_298 : i32 to vector<16xi32>
        %add3A_300 = arith.addi %while3A_247, %add3A_299 : vector<16xi32>
        %lt3A_301 = arith.cmpi slt, %add3A_300, %min3A_251 : vector<16xi32>
        %add3A_302 = arith.constant 4 : i32
        %add3A_303 = vector.broadcast %add3A_302 : i32 to vector<16xi32>
        %add3A_304 = arith.addi %sub3A_253, %add3A_303 : vector<16xi32>
        %gather3A_305 = tpu.vector_load_idx %arg8[%add3A_304] masked %lt3A_301 : memref<16384xi32, #tpu.memory_space<vmem>>[vector<16xi32>], vector<16xi32>, vector<16xi1>
        %jit3A_306 = arith.constant 2147483647 : i32
        %broadcast_in_dim3A_307 = vector.broadcast %jit3A_306 : i32 to vector<16xi32>
        %select_n3A_308 = arith.select %lt3A_301, %gather3A_305, %broadcast_in_dim3A_307 : vector<16xi1>, vector<16xi32>
        %add3A_309 = arith.constant 5 : i32
        %add3A_310 = vector.broadcast %add3A_309 : i32 to vector<16xi32>
        %add3A_311 = arith.addi %while3A_247, %add3A_310 : vector<16xi32>
        %lt3A_312 = arith.cmpi slt, %add3A_311, %min3A_251 : vector<16xi32>
        %add3A_313 = arith.constant 5 : i32
        %add3A_314 = vector.broadcast %add3A_313 : i32 to vector<16xi32>
        %add3A_315 = arith.addi %sub3A_253, %add3A_314 : vector<16xi32>
        %gather3A_316 = tpu.vector_load_idx %arg8[%add3A_315] masked %lt3A_312 : memref<16384xi32, #tpu.memory_space<vmem>>[vector<16xi32>], vector<16xi32>, vector<16xi1>
        %jit3A_317 = arith.constant 2147483647 : i32
        %broadcast_in_dim3A_318 = vector.broadcast %jit3A_317 : i32 to vector<16xi32>
        %select_n3A_319 = arith.select %lt3A_312, %gather3A_316, %broadcast_in_dim3A_318 : vector<16xi1>, vector<16xi32>
        %add3A_320 = arith.constant 6 : i32
        %add3A_321 = vector.broadcast %add3A_320 : i32 to vector<16xi32>
        %add3A_322 = arith.addi %while3A_247, %add3A_321 : vector<16xi32>
        %lt3A_323 = arith.cmpi slt, %add3A_322, %min3A_251 : vector<16xi32>
        %add3A_324 = arith.constant 6 : i32
        %add3A_325 = vector.broadcast %add3A_324 : i32 to vector<16xi32>
        %add3A_326 = arith.addi %sub3A_253, %add3A_325 : vector<16xi32>
        %gather3A_327 = tpu.vector_load_idx %arg8[%add3A_326] masked %lt3A_323 : memref<16384xi32, #tpu.memory_space<vmem>>[vector<16xi32>], vector<16xi32>, vector<16xi1>
        %jit3A_328 = arith.constant 2147483647 : i32
        %broadcast_in_dim3A_329 = vector.broadcast %jit3A_328 : i32 to vector<16xi32>
        %select_n3A_330 = arith.select %lt3A_323, %gather3A_327, %broadcast_in_dim3A_329 : vector<16xi1>, vector<16xi32>
        %add3A_331 = arith.constant 7 : i32
        %add3A_332 = vector.broadcast %add3A_331 : i32 to vector<16xi32>
        %add3A_333 = arith.addi %while3A_247, %add3A_332 : vector<16xi32>
        %lt3A_334 = arith.cmpi slt, %add3A_333, %min3A_251 : vector<16xi32>
        %add3A_335 = arith.constant 7 : i32
        %add3A_336 = vector.broadcast %add3A_335 : i32 to vector<16xi32>
        %add3A_337 = arith.addi %sub3A_253, %add3A_336 : vector<16xi32>
        %gather3A_338 = tpu.vector_load_idx %arg8[%add3A_337] masked %lt3A_334 : memref<16384xi32, #tpu.memory_space<vmem>>[vector<16xi32>], vector<16xi32>, vector<16xi1>
        %jit3A_339 = arith.constant 2147483647 : i32
        %broadcast_in_dim3A_340 = vector.broadcast %jit3A_339 : i32 to vector<16xi32>
        %select_n3A_341 = arith.select %lt3A_334, %gather3A_338, %broadcast_in_dim3A_340 : vector<16xi1>, vector<16xi32>
        %add3A_342 = arith.constant 8 : i32
        %add3A_343 = vector.broadcast %add3A_342 : i32 to vector<16xi32>
        %add3A_344 = arith.addi %while3A_247, %add3A_343 : vector<16xi32>
        %lt3A_345 = arith.cmpi slt, %add3A_344, %min3A_251 : vector<16xi32>
        %add3A_346 = arith.constant 8 : i32
        %add3A_347 = vector.broadcast %add3A_346 : i32 to vector<16xi32>
        %add3A_348 = arith.addi %sub3A_253, %add3A_347 : vector<16xi32>
        %gather3A_349 = tpu.vector_load_idx %arg8[%add3A_348] masked %lt3A_345 : memref<16384xi32, #tpu.memory_space<vmem>>[vector<16xi32>], vector<16xi32>, vector<16xi1>
        %jit3A_350 = arith.constant 2147483647 : i32
        %broadcast_in_dim3A_351 = vector.broadcast %jit3A_350 : i32 to vector<16xi32>
        %select_n3A_352 = arith.select %lt3A_345, %gather3A_349, %broadcast_in_dim3A_351 : vector<16xi1>, vector<16xi32>
        %add3A_353 = arith.constant 9 : i32
        %add3A_354 = vector.broadcast %add3A_353 : i32 to vector<16xi32>
        %add3A_355 = arith.addi %while3A_247, %add3A_354 : vector<16xi32>
        %lt3A_356 = arith.cmpi slt, %add3A_355, %min3A_251 : vector<16xi32>
        %add3A_357 = arith.constant 9 : i32
        %add3A_358 = vector.broadcast %add3A_357 : i32 to vector<16xi32>
        %add3A_359 = arith.addi %sub3A_253, %add3A_358 : vector<16xi32>
        %gather3A_360 = tpu.vector_load_idx %arg8[%add3A_359] masked %lt3A_356 : memref<16384xi32, #tpu.memory_space<vmem>>[vector<16xi32>], vector<16xi32>, vector<16xi1>
        %jit3A_361 = arith.constant 2147483647 : i32
        %broadcast_in_dim3A_362 = vector.broadcast %jit3A_361 : i32 to vector<16xi32>
        %select_n3A_363 = arith.select %lt3A_356, %gather3A_360, %broadcast_in_dim3A_362 : vector<16xi1>, vector<16xi32>
        %add3A_364 = arith.constant 10 : i32
        %add3A_365 = vector.broadcast %add3A_364 : i32 to vector<16xi32>
        %add3A_366 = arith.addi %while3A_247, %add3A_365 : vector<16xi32>
        %lt3A_367 = arith.cmpi slt, %add3A_366, %min3A_251 : vector<16xi32>
        %add3A_368 = arith.constant 10 : i32
        %add3A_369 = vector.broadcast %add3A_368 : i32 to vector<16xi32>
        %add3A_370 = arith.addi %sub3A_253, %add3A_369 : vector<16xi32>
        %gather3A_371 = tpu.vector_load_idx %arg8[%add3A_370] masked %lt3A_367 : memref<16384xi32, #tpu.memory_space<vmem>>[vector<16xi32>], vector<16xi32>, vector<16xi1>
        %jit3A_372 = arith.constant 2147483647 : i32
        %broadcast_in_dim3A_373 = vector.broadcast %jit3A_372 : i32 to vector<16xi32>
        %select_n3A_374 = arith.select %lt3A_367, %gather3A_371, %broadcast_in_dim3A_373 : vector<16xi1>, vector<16xi32>
        %add3A_375 = arith.constant 11 : i32
        %add3A_376 = vector.broadcast %add3A_375 : i32 to vector<16xi32>
        %add3A_377 = arith.addi %while3A_247, %add3A_376 : vector<16xi32>
        %lt3A_378 = arith.cmpi slt, %add3A_377, %min3A_251 : vector<16xi32>
        %add3A_379 = arith.constant 11 : i32
        %add3A_380 = vector.broadcast %add3A_379 : i32 to vector<16xi32>
        %add3A_381 = arith.addi %sub3A_253, %add3A_380 : vector<16xi32>
        %gather3A_382 = tpu.vector_load_idx %arg8[%add3A_381] masked %lt3A_378 : memref<16384xi32, #tpu.memory_space<vmem>>[vector<16xi32>], vector<16xi32>, vector<16xi1>
        %jit3A_383 = arith.constant 2147483647 : i32
        %broadcast_in_dim3A_384 = vector.broadcast %jit3A_383 : i32 to vector<16xi32>
        %select_n3A_385 = arith.select %lt3A_378, %gather3A_382, %broadcast_in_dim3A_384 : vector<16xi1>, vector<16xi32>
        %add3A_386 = arith.constant 12 : i32
        %add3A_387 = vector.broadcast %add3A_386 : i32 to vector<16xi32>
        %add3A_388 = arith.addi %while3A_247, %add3A_387 : vector<16xi32>
        %lt3A_389 = arith.cmpi slt, %add3A_388, %min3A_251 : vector<16xi32>
        %add3A_390 = arith.constant 12 : i32
        %add3A_391 = vector.broadcast %add3A_390 : i32 to vector<16xi32>
        %add3A_392 = arith.addi %sub3A_253, %add3A_391 : vector<16xi32>
        %gather3A_393 = tpu.vector_load_idx %arg8[%add3A_392] masked %lt3A_389 : memref<16384xi32, #tpu.memory_space<vmem>>[vector<16xi32>], vector<16xi32>, vector<16xi1>
        %jit3A_394 = arith.constant 2147483647 : i32
        %broadcast_in_dim3A_395 = vector.broadcast %jit3A_394 : i32 to vector<16xi32>
        %select_n3A_396 = arith.select %lt3A_389, %gather3A_393, %broadcast_in_dim3A_395 : vector<16xi1>, vector<16xi32>
        %add3A_397 = arith.constant 13 : i32
        %add3A_398 = vector.broadcast %add3A_397 : i32 to vector<16xi32>
        %add3A_399 = arith.addi %while3A_247, %add3A_398 : vector<16xi32>
        %lt3A_400 = arith.cmpi slt, %add3A_399, %min3A_251 : vector<16xi32>
        %add3A_401 = arith.constant 13 : i32
        %add3A_402 = vector.broadcast %add3A_401 : i32 to vector<16xi32>
        %add3A_403 = arith.addi %sub3A_253, %add3A_402 : vector<16xi32>
        %gather3A_404 = tpu.vector_load_idx %arg8[%add3A_403] masked %lt3A_400 : memref<16384xi32, #tpu.memory_space<vmem>>[vector<16xi32>], vector<16xi32>, vector<16xi1>
        %jit3A_405 = arith.constant 2147483647 : i32
        %broadcast_in_dim3A_406 = vector.broadcast %jit3A_405 : i32 to vector<16xi32>
        %select_n3A_407 = arith.select %lt3A_400, %gather3A_404, %broadcast_in_dim3A_406 : vector<16xi1>, vector<16xi32>
        %add3A_408 = arith.constant 14 : i32
        %add3A_409 = vector.broadcast %add3A_408 : i32 to vector<16xi32>
        %add3A_410 = arith.addi %while3A_247, %add3A_409 : vector<16xi32>
        %lt3A_411 = arith.cmpi slt, %add3A_410, %min3A_251 : vector<16xi32>
        %add3A_412 = arith.constant 14 : i32
        %add3A_413 = vector.broadcast %add3A_412 : i32 to vector<16xi32>
        %add3A_414 = arith.addi %sub3A_253, %add3A_413 : vector<16xi32>
        %gather3A_415 = tpu.vector_load_idx %arg8[%add3A_414] masked %lt3A_411 : memref<16384xi32, #tpu.memory_space<vmem>>[vector<16xi32>], vector<16xi32>, vector<16xi1>
        %jit3A_416 = arith.constant 2147483647 : i32
        %broadcast_in_dim3A_417 = vector.broadcast %jit3A_416 : i32 to vector<16xi32>
        %select_n3A_418 = arith.select %lt3A_411, %gather3A_415, %broadcast_in_dim3A_417 : vector<16xi1>, vector<16xi32>
        %add3A_419 = arith.constant 15 : i32
        %add3A_420 = vector.broadcast %add3A_419 : i32 to vector<16xi32>
        %add3A_421 = arith.addi %while3A_247, %add3A_420 : vector<16xi32>
        %lt3A_422 = arith.cmpi slt, %add3A_421, %min3A_251 : vector<16xi32>
        %add3A_423 = arith.constant 15 : i32
        %add3A_424 = vector.broadcast %add3A_423 : i32 to vector<16xi32>
        %add3A_425 = arith.addi %sub3A_253, %add3A_424 : vector<16xi32>
        %gather3A_426 = tpu.vector_load_idx %arg8[%add3A_425] masked %lt3A_422 : memref<16384xi32, #tpu.memory_space<vmem>>[vector<16xi32>], vector<16xi32>, vector<16xi1>
        %jit3A_427 = arith.constant 2147483647 : i32
        %broadcast_in_dim3A_428 = vector.broadcast %jit3A_427 : i32 to vector<16xi32>
        %select_n3A_429 = arith.select %lt3A_422, %gather3A_426, %broadcast_in_dim3A_428 : vector<16xi1>, vector<16xi32>
        %lt3A_430 = arith.cmpi slt, %select_n3A_275, %select_n3A_264 : vector<16xi32>
        %select_n3A_431 = arith.select %lt3A_430, %select_n3A_275, %select_n3A_264 : vector<16xi1>, vector<16xi32>
        %select_n3A_432 = arith.select %lt3A_430, %add3A_267, %add3A_256 : vector<16xi1>, vector<16xi32>
        %lt3A_433 = arith.cmpi slt, %select_n3A_297, %select_n3A_286 : vector<16xi32>
        %select_n3A_434 = arith.select %lt3A_433, %select_n3A_297, %select_n3A_286 : vector<16xi1>, vector<16xi32>
        %select_n3A_435 = arith.select %lt3A_433, %add3A_289, %add3A_278 : vector<16xi1>, vector<16xi32>
        %lt3A_436 = arith.cmpi slt, %select_n3A_319, %select_n3A_308 : vector<16xi32>
        %select_n3A_437 = arith.select %lt3A_436, %select_n3A_319, %select_n3A_308 : vector<16xi1>, vector<16xi32>
        %select_n3A_438 = arith.select %lt3A_436, %add3A_311, %add3A_300 : vector<16xi1>, vector<16xi32>
        %lt3A_439 = arith.cmpi slt, %select_n3A_341, %select_n3A_330 : vector<16xi32>
        %select_n3A_440 = arith.select %lt3A_439, %select_n3A_341, %select_n3A_330 : vector<16xi1>, vector<16xi32>
        %select_n3A_441 = arith.select %lt3A_439, %add3A_333, %add3A_322 : vector<16xi1>, vector<16xi32>
        %lt3A_442 = arith.cmpi slt, %select_n3A_363, %select_n3A_352 : vector<16xi32>
        %select_n3A_443 = arith.select %lt3A_442, %select_n3A_363, %select_n3A_352 : vector<16xi1>, vector<16xi32>
        %select_n3A_444 = arith.select %lt3A_442, %add3A_355, %add3A_344 : vector<16xi1>, vector<16xi32>
        %lt3A_445 = arith.cmpi slt, %select_n3A_385, %select_n3A_374 : vector<16xi32>
        %select_n3A_446 = arith.select %lt3A_445, %select_n3A_385, %select_n3A_374 : vector<16xi1>, vector<16xi32>
        %select_n3A_447 = arith.select %lt3A_445, %add3A_377, %add3A_366 : vector<16xi1>, vector<16xi32>
        %lt3A_448 = arith.cmpi slt, %select_n3A_407, %select_n3A_396 : vector<16xi32>
        %select_n3A_449 = arith.select %lt3A_448, %select_n3A_407, %select_n3A_396 : vector<16xi1>, vector<16xi32>
        %select_n3A_450 = arith.select %lt3A_448, %add3A_399, %add3A_388 : vector<16xi1>, vector<16xi32>
        %lt3A_451 = arith.cmpi slt, %select_n3A_429, %select_n3A_418 : vector<16xi32>
        %select_n3A_452 = arith.select %lt3A_451, %select_n3A_429, %select_n3A_418 : vector<16xi1>, vector<16xi32>
        %select_n3A_453 = arith.select %lt3A_451, %add3A_421, %add3A_410 : vector<16xi1>, vector<16xi32>
        %lt3A_454 = arith.cmpi slt, %select_n3A_434, %select_n3A_431 : vector<16xi32>
        %select_n3A_455 = arith.select %lt3A_454, %select_n3A_434, %select_n3A_431 : vector<16xi1>, vector<16xi32>
        %select_n3A_456 = arith.select %lt3A_454, %select_n3A_435, %select_n3A_432 : vector<16xi1>, vector<16xi32>
        %lt3A_457 = arith.cmpi slt, %select_n3A_440, %select_n3A_437 : vector<16xi32>
        %select_n3A_458 = arith.select %lt3A_457, %select_n3A_440, %select_n3A_437 : vector<16xi1>, vector<16xi32>
        %select_n3A_459 = arith.select %lt3A_457, %select_n3A_441, %select_n3A_438 : vector<16xi1>, vector<16xi32>
        %lt3A_460 = arith.cmpi slt, %select_n3A_446, %select_n3A_443 : vector<16xi32>
        %select_n3A_461 = arith.select %lt3A_460, %select_n3A_446, %select_n3A_443 : vector<16xi1>, vector<16xi32>
        %select_n3A_462 = arith.select %lt3A_460, %select_n3A_447, %select_n3A_444 : vector<16xi1>, vector<16xi32>
        %lt3A_463 = arith.cmpi slt, %select_n3A_452, %select_n3A_449 : vector<16xi32>
        %select_n3A_464 = arith.select %lt3A_463, %select_n3A_452, %select_n3A_449 : vector<16xi1>, vector<16xi32>
        %select_n3A_465 = arith.select %lt3A_463, %select_n3A_453, %select_n3A_450 : vector<16xi1>, vector<16xi32>
        %lt3A_466 = arith.cmpi slt, %select_n3A_458, %select_n3A_455 : vector<16xi32>
        %select_n3A_467 = arith.select %lt3A_466, %select_n3A_458, %select_n3A_455 : vector<16xi1>, vector<16xi32>
        %select_n3A_468 = arith.select %lt3A_466, %select_n3A_459, %select_n3A_456 : vector<16xi1>, vector<16xi32>
        %lt3A_469 = arith.cmpi slt, %select_n3A_464, %select_n3A_461 : vector<16xi32>
        %select_n3A_470 = arith.select %lt3A_469, %select_n3A_464, %select_n3A_461 : vector<16xi1>, vector<16xi32>
        %select_n3A_471 = arith.select %lt3A_469, %select_n3A_465, %select_n3A_462 : vector<16xi1>, vector<16xi32>
        %lt3A_472 = arith.cmpi slt, %select_n3A_470, %select_n3A_467 : vector<16xi32>
        %select_n3A_473 = arith.select %lt3A_472, %select_n3A_470, %select_n3A_467 : vector<16xi1>, vector<16xi32>
        %select_n3A_474 = arith.select %lt3A_472, %select_n3A_471, %select_n3A_468 : vector<16xi1>, vector<16xi32>
        %lt3A_475 = arith.cmpi slt, %select_n3A_473, %while3A_248 : vector<16xi32>
        %select_n3A_476 = arith.select %lt3A_475, %select_n3A_473, %while3A_248 : vector<16xi1>, vector<16xi32>
        %select_n3A_477 = arith.select %lt3A_475, %select_n3A_474, %while3A_249 : vector<16xi1>, vector<16xi32>
        %sub3A_478 = arith.subi %min3A_251, %while3A_247 : vector<16xi32>
        %jit3A_479 = arith.constant 0 : i32
        %jit3A_480 = arith.constant 16 : i32
        %max3A_481 = vector.broadcast %jit3A_479 : i32 to vector<16xi32>
        %max3A_482 = arith.maxsi %max3A_481, %sub3A_478 : vector<16xi32>
        %min3A_483 = vector.broadcast %jit3A_480 : i32 to vector<16xi32>
        %min3A_484 = arith.minsi %min3A_483, %max3A_482 : vector<16xi32>
        %add3A_485 = arith.addi %while3A_247, %min3A_484 : vector<16xi32>
        %lt3A_486 = arith.cmpi slt, %add3A_485, %while3A_246 : vector<16xi32>
        %reduce_or3A = arith.constant 1.000000e+00 : f32
        %reduce_or3A_487 = arith.constant 0.000000e+00 : f32
        %reduce_or3A_488 = vector.broadcast %reduce_or3A : f32 to vector<16xf32>
        %reduce_or3A_489 = vector.broadcast %reduce_or3A_487 : f32 to vector<16xf32>
        %reduce_or3A_490 = arith.select %lt3A_486, %reduce_or3A_488, %reduce_or3A_489 : vector<16xi1>, vector<16xf32>
        %reduce_or3A_491 = arith.constant true
        %reduce_or3A_492 = vector.broadcast %reduce_or3A_491 : i1 to vector<16xi1>
        %reduce_or3A_493 = tpu.scan <max>, %reduce_or3A_490 masked %reduce_or3A_492 : vector<16xf32>, vector<16xi1> -> vector<16xf32>
        %reduce_or3A_494 = vector.extract %reduce_or3A_493[15] : f32 from vector<16xf32>
        %reduce_or3A_495 = arith.constant 0.000000e+00 : f32
        %reduce_or3A_496 = arith.cmpf ogt, %reduce_or3A_494, %reduce_or3A_495 : f32
        %not3A = arith.constant true
        %not3A_497 = arith.xori %reduce_or3A_496, %not3A : i1
        %lt3A_498 = arith.cmpi slt, %add3A_485, %while3A_246 : vector<16xi32>
        %lt3A_499 = vector.broadcast %add3A_236 : i32 to vector<16xi32>
        %lt3A_500 = arith.cmpi slt, %add3A_485, %lt3A_499 : vector<16xi32>
        %and3A_501 = arith.andi %lt3A_498, %lt3A_500 : vector<16xi1>
        %reduce_or3A_502 = arith.constant 1.000000e+00 : f32
        %reduce_or3A_503 = arith.constant 0.000000e+00 : f32
        %reduce_or3A_504 = vector.broadcast %reduce_or3A_502 : f32 to vector<16xf32>
        %reduce_or3A_505 = vector.broadcast %reduce_or3A_503 : f32 to vector<16xf32>
        %reduce_or3A_506 = arith.select %and3A_501, %reduce_or3A_504, %reduce_or3A_505 : vector<16xi1>, vector<16xf32>
        %reduce_or3A_507 = arith.constant true
        %reduce_or3A_508 = vector.broadcast %reduce_or3A_507 : i1 to vector<16xi1>
        %reduce_or3A_509 = tpu.scan <max>, %reduce_or3A_506 masked %reduce_or3A_508 : vector<16xf32>, vector<16xi1> -> vector<16xf32>
        %reduce_or3A_510 = vector.extract %reduce_or3A_509[15] : f32 from vector<16xf32>
        %reduce_or3A_511 = arith.constant 0.000000e+00 : f32
        %reduce_or3A_512 = arith.cmpf ogt, %reduce_or3A_510, %reduce_or3A_511 : f32
        %not3A_513 = arith.constant true
        %not3A_514 = arith.xori %reduce_or3A_512, %not3A_513 : i1
        %not3A_515 = arith.constant true
        %not3A_516 = arith.xori %not3A_497, %not3A_515 : i1
        %and3A_517 = arith.andi %not3A_514, %not3A_516 : i1
        %convert_element_type3A_518 = arith.extui %not3A_497 : i1 to i32
        %cond3A_519 = arith.constant 0 : i32
        %cond3A_520 = arith.cmpi ne, %convert_element_type3A_518, %cond3A_519 : i32
        %cond3A_521:5 = scf.if %cond3A_520 -> (i32, vector<16xi32>, vector<16xi32>, vector<16xi32>, vector<16xi32>) {
          %mul3A_524 = arith.constant 16 : i32
          %mul3A_525 = arith.muli %while3A_245, %mul3A_524 : i32
          %swap3A = arith.index_cast %mul3A_525 : i32 to index
          %swap3A_526 = tpu.vector_load %arg11[%swap3A] {strides = array<i32>} : memref<3200xi32, #tpu.memory_space<vmem>>, vector<16xi32>,
          tpu.vector_store %arg11[%swap3A], %select_n3A_477 {strides = array<i32>} : memref<3200xi32, #tpu.memory_space<vmem>>, vector<16xi32>,
          %add3A_527 = arith.constant 1 : i32
          %add3A_528 = arith.addi %while3A_245, %add3A_527 : i32
          %mul3A_529 = arith.constant 16 : i32
          %mul3A_530 = arith.muli %add3A_528, %mul3A_529 : i32
          %add3A_531 = vector.broadcast %mul3A_530 : i32 to vector<16xi32>
          %add3A_532 = arith.addi %add3A_531, %iota3A : vector<16xi32>
          %gather3A_533 = tpu.vector_load_idx %arg6[%add3A_532] : memref<3232xi32, #tpu.memory_space<vmem>>[vector<16xi32>], vector<16xi32>,
          %add3A_534 = vector.broadcast %mul3A_530 : i32 to vector<16xi32>
          %add3A_535 = arith.addi %add3A_534, %iota3A : vector<16xi32>
          %add3A_536 = arith.constant 1 : i32
          %add3A_537 = vector.broadcast %add3A_536 : i32 to vector<16xi32>
          %add3A_538 = arith.addi %add3A_535, %add3A_537 : vector<16xi32>
          %gather3A_539 = tpu.vector_load_idx %arg6[%add3A_538] : memref<3232xi32, #tpu.memory_space<vmem>>[vector<16xi32>], vector<16xi32>,
          %broadcast_in_dim3A_540 = arith.constant 2147483647 : i32
          %broadcast_in_dim3A_541 = vector.broadcast %broadcast_in_dim3A_540 : i32 to vector<16xi32>
          %broadcast_in_dim3A_542 = arith.constant -1 : i32
          %broadcast_in_dim3A_543 = vector.broadcast %broadcast_in_dim3A_542 : i32 to vector<16xi32>
          scf.yield %add3A_528, %gather3A_539, %gather3A_533, %broadcast_in_dim3A_541, %broadcast_in_dim3A_543 : i32, vector<16xi32>, vector<16xi32>, vector<16xi32>, vector<16xi32>
        } else {
          scf.yield %while3A_245, %while3A_246, %add3A_485, %select_n3A_476, %select_n3A_477 : i32, vector<16xi32>, vector<16xi32>, vector<16xi32>, vector<16xi32>
        }
        %not3A_522 = arith.constant true
        %not3A_523 = arith.xori %and3A_517, %not3A_522 : i1
        scf.yield %not3A_523, %cond3A_521#0, %cond3A_521#1, %cond3A_521#2, %cond3A_521#3, %cond3A_521#4 : i1, i32, vector<16xi32>, vector<16xi32>, vector<16xi32>, vector<16xi32>
      }
      %lt3A_239 = arith.cmpi slt, %add3A_181, %squeeze3A_7 : i32
      %convert_element_type3A_240 = arith.extui %lt3A_239 : i1 to i32
      %cond3A_241 = arith.constant 0 : i32
      %cond3A_242 = arith.cmpi ne, %convert_element_type3A_240, %cond3A_241 : i32
      %cond3A_243:5 = scf.if %cond3A_242 -> (i32, vector<16xi32>, vector<16xi32>, vector<16xi32>, vector<16xi32>) {
        %sub3A_244 = arith.subi %squeeze3A_7, %add3A_181 : i32
        %add3A_245 = arith.constant 1024 : i32
        %add3A_246 = arith.addi %sub3A_244, %add3A_245 : i32
        %sub3A_247 = arith.constant 1 : i32
        %sub3A_248 = arith.subi %add3A_246, %sub3A_247 : i32
        %jit3A_249 = arith.constant 1024 : i32
        %div3A_250 = arith.divsi %sub3A_248, %jit3A_249 : i32
        %sign3A_251 = arith.constant 0 : i32
        %sign3A_252 = arith.cmpi sgt, %sub3A_248, %sign3A_251 : i32
        %sign3A_253 = arith.extui %sign3A_252 : i1 to i32
        %sign3A_254 = arith.constant 0 : i32
        %sign3A_255 = arith.cmpi slt, %sub3A_248, %sign3A_254 : i32
        %sign3A_256 = arith.extui %sign3A_255 : i1 to i32
        %sign3A_257 = arith.subi %sign3A_253, %sign3A_256 : i32
        %sign3A_258 = arith.constant 0 : i32
        %sign3A_259 = arith.cmpi sgt, %jit3A_249, %sign3A_258 : i32
        %sign3A_260 = arith.extui %sign3A_259 : i1 to i32
        %sign3A_261 = arith.constant 0 : i32
        %sign3A_262 = arith.cmpi slt, %jit3A_249, %sign3A_261 : i32
        %sign3A_263 = arith.extui %sign3A_262 : i1 to i32
        %sign3A_264 = arith.subi %sign3A_260, %sign3A_263 : i32
        %ne3A_265 = arith.cmpi ne, %sign3A_257, %sign3A_264 : i32
        %rem3A_266 = arith.remsi %sub3A_248, %jit3A_249 : i32
        %ne3A_267 = arith.constant 0 : i32
        %ne3A_268 = arith.cmpi ne, %rem3A_266, %ne3A_267 : i32
        %and3A_269 = arith.andi %ne3A_265, %ne3A_268 : i1
        %sub3A_270 = arith.constant 1 : i32
        %sub3A_271 = arith.subi %div3A_250, %sub3A_270 : i32
        %select_n3A_272 = arith.select %and3A_269, %sub3A_271, %div3A_250 : i32
        %jit3A_273 = arith.constant 0 : i32
        %jit3A_274 = arith.constant 16 : i32
        %max3A_275 = arith.maxsi %jit3A_273, %select_n3A_272 : i32
        %min3A_276 = arith.minsi %jit3A_274, %max3A_275 : i32
        %while3A_277 = arith.constant 0 : i32
        %while3A_278 = arith.constant 0 : i32
        %while3A_279 = arith.subi %min3A_276, %while3A_278 : i32
        %while3A_280 = arith.addi %while3A_278, %while3A_279 : i32
        %while3A_281 = arith.constant 1 : i32
        %while3A_282 = arith.divsi %while3A_279, %while3A_281 : i32
        %while3A_283 = arith.muli %while3A_282, %while3A_281 : i32
        %while3A_284 = arith.addi %while3A_278, %while3A_283 : i32
        %while3A_285 = arith.constant 1 : i32
        scf.for %while3A_303 = %while3A_278 to %while3A_284 step %while3A_285  : i32 {
          %mul3A_304 = arith.constant 1024 : i32
          %mul3A_305 = arith.muli %while3A_303, %mul3A_304 : i32
          %mul3A_306 = arith.constant 1024 : i32
          %mul3A_307 = arith.muli %while3A_303, %mul3A_306 : i32
          %dma_wait3A_308 = tpu.memref_slice %arg10[%mul3A_307] : memref<16384xi32, #tpu.memory_space<vmem>> -> memref<1024xi32, #tpu.memory_space<vmem>>
          %dma_wait3A_309 = tpu.memref_slice %arg9[%mul3A_305] : memref<16384xi32, #tpu.memory_space<vmem>> -> memref<1024xi32, #tpu.memory_space<vmem>>
          %dma_wait3A_310 = arith.constant 0 : i32
          %dma_wait3A_311 = tpu.memref_slice %arg4[%dma_wait3A_310] : memref<1600000xi32, #tpu.memory_space<hbm>> -> memref<1600000xi32, #tpu.memory_space<hbm>>
          tpu.wait_indirect_dma semaphore(%arg13 : memref<!tpu.dma_semaphore, #tpu.memory_space<semaphore_mem>>) src(%dma_wait3A_311 : memref<1600000xi32, #tpu.memory_space<hbm>>) dst(%dma_wait3A_308 : memref<1024xi32, #tpu.memory_space<vmem>>)
        }
        %while3A_286 = arith.constant 1 : i32
        scf.for %while3A_303 = %while3A_284 to %while3A_280 step %while3A_286  : i32 {
          %mul3A_304 = arith.constant 1024 : i32
          %mul3A_305 = arith.muli %while3A_303, %mul3A_304 : i32
          %mul3A_306 = arith.constant 1024 : i32
          %mul3A_307 = arith.muli %while3A_303, %mul3A_306 : i32
          %dma_wait3A_308 = tpu.memref_slice %arg10[%mul3A_307] : memref<16384xi32, #tpu.memory_space<vmem>> -> memref<1024xi32, #tpu.memory_space<vmem>>
          %dma_wait3A_309 = tpu.memref_slice %arg9[%mul3A_305] : memref<16384xi32, #tpu.memory_space<vmem>> -> memref<1024xi32, #tpu.memory_space<vmem>>
          %dma_wait3A_310 = arith.constant 0 : i32
          %dma_wait3A_311 = tpu.memref_slice %arg4[%dma_wait3A_310] : memref<1600000xi32, #tpu.memory_space<hbm>> -> memref<1600000xi32, #tpu.memory_space<hbm>>
          tpu.wait_indirect_dma semaphore(%arg13 : memref<!tpu.dma_semaphore, #tpu.memory_space<semaphore_mem>>) src(%dma_wait3A_311 : memref<1600000xi32, #tpu.memory_space<hbm>>) dst(%dma_wait3A_308 : memref<1024xi32, #tpu.memory_space<vmem>>)
        }
        %add3A_287 = arith.constant 32768 : i32
        %add3A_288 = arith.addi %add3A_179, %add3A_287 : i32
        %lt3A_289 = arith.cmpi slt, %add3A_288, %squeeze3A_7 : i32
        %convert_element_type3A_290 = arith.extui %lt3A_289 : i1 to i32
        %cond3A_291 = arith.constant 0 : i32
        %cond3A_292 = arith.cmpi ne, %convert_element_type3A_290, %cond3A_291 : i32
        scf.if %cond3A_292 {
          %add3A_303 = arith.constant 32768 : i32
          %add3A_304 = arith.addi %add3A_179, %add3A_303 : i32
          %multiple_of3A_305 = tpu.assume_multiple %add3A_304, 8 : i32
          %dma_wait3A_306 = tpu.memref_slice %arg3[%multiple_of3A_305] : memref<1632776xi32, #tpu.memory_space<hbm>> -> memref<16384xi32, #tpu.memory_space<hbm>>
          %dma_wait3A_307 = tpu.memref_slice %arg3[%multiple_of3A_305] : memref<1632776xi32, #tpu.memory_space<hbm>> -> memref<16384xi32, #tpu.memory_space<hbm>>
          tpu.wait_dma2 semaphore(%arg14 : memref<!tpu.dma_semaphore, #tpu.memory_space<semaphore_mem>>) src(%dma_wait3A_307 : memref<16384xi32, #tpu.memory_space<hbm>>) dst(%arg7 : memref<16384xi32, #tpu.memory_space<vmem>>)
          %add3A_308 = arith.constant 32768 : i32
          %add3A_309 = arith.addi %add3A_179, %add3A_308 : i32
          %sub3A_310 = arith.subi %squeeze3A_7, %add3A_309 : i32
          %add3A_311 = arith.constant 1024 : i32
          %add3A_312 = arith.addi %sub3A_310, %add3A_311 : i32
          %sub3A_313 = arith.constant 1 : i32
          %sub3A_314 = arith.subi %add3A_312, %sub3A_313 : i32
          %jit3A_315 = arith.constant 1024 : i32
          %div3A_316 = arith.divsi %sub3A_314, %jit3A_315 : i32
          %sign3A_317 = arith.constant 0 : i32
          %sign3A_318 = arith.cmpi sgt, %sub3A_314, %sign3A_317 : i32
          %sign3A_319 = arith.extui %sign3A_318 : i1 to i32
          %sign3A_320 = arith.constant 0 : i32
          %sign3A_321 = arith.cmpi slt, %sub3A_314, %sign3A_320 : i32
          %sign3A_322 = arith.extui %sign3A_321 : i1 to i32
          %sign3A_323 = arith.subi %sign3A_319, %sign3A_322 : i32
          %sign3A_324 = arith.constant 0 : i32
          %sign3A_325 = arith.cmpi sgt, %jit3A_315, %sign3A_324 : i32
          %sign3A_326 = arith.extui %sign3A_325 : i1 to i32
          %sign3A_327 = arith.constant 0 : i32
          %sign3A_328 = arith.cmpi slt, %jit3A_315, %sign3A_327 : i32
          %sign3A_329 = arith.extui %sign3A_328 : i1 to i32
          %sign3A_330 = arith.subi %sign3A_326, %sign3A_329 : i32
          %ne3A_331 = arith.cmpi ne, %sign3A_323, %sign3A_330 : i32
          %rem3A_332 = arith.remsi %sub3A_314, %jit3A_315 : i32
          %ne3A_333 = arith.constant 0 : i32
          %ne3A_334 = arith.cmpi ne, %rem3A_332, %ne3A_333 : i32
          %and3A_335 = arith.andi %ne3A_331, %ne3A_334 : i1
          %sub3A_336 = arith.constant 1 : i32
          %sub3A_337 = arith.subi %div3A_316, %sub3A_336 : i32
          %select_n3A_338 = arith.select %and3A_335, %sub3A_337, %div3A_316 : i32
          %jit3A_339 = arith.constant 0 : i32
          %jit3A_340 = arith.constant 16 : i32
          %max3A_341 = arith.maxsi %jit3A_339, %select_n3A_338 : i32
          %min3A_342 = arith.minsi %jit3A_340, %max3A_341 : i32
          %while3A_343 = arith.constant 0 : i32
          %while3A_344 = arith.constant 0 : i32
          %while3A_345 = arith.subi %min3A_342, %while3A_344 : i32
          %while3A_346 = arith.addi %while3A_344, %while3A_345 : i32
          %while3A_347 = arith.constant 1 : i32
          %while3A_348 = arith.divsi %while3A_345, %while3A_347 : i32
          %while3A_349 = arith.muli %while3A_348, %while3A_347 : i32
          %while3A_350 = arith.addi %while3A_344, %while3A_349 : i32
          %while3A_351 = arith.constant 1 : i32
          scf.for %while3A_353 = %while3A_344 to %while3A_350 step %while3A_351  : i32 {
            %mul3A_354 = arith.constant 1024 : i32
            %mul3A_355 = arith.muli %while3A_353, %mul3A_354 : i32
            %mul3A_356 = arith.constant 1024 : i32
            %mul3A_357 = arith.muli %while3A_353, %mul3A_356 : i32
            %dma_start3A_358 = tpu.memref_slice %arg8[%mul3A_357] : memref<16384xi32, #tpu.memory_space<vmem>> -> memref<1024xi32, #tpu.memory_space<vmem>>
            %dma_start3A_359 = tpu.memref_slice %arg7[%mul3A_355] : memref<16384xi32, #tpu.memory_space<vmem>> -> memref<1024xi32, #tpu.memory_space<vmem>>
            %dma_start3A_360 = arith.constant 0 : i32
            %dma_start3A_361 = tpu.memref_slice %arg4[%dma_start3A_360] : memref<1600000xi32, #tpu.memory_space<hbm>> -> memref<1600000xi32, #tpu.memory_space<hbm>>
            tpu.enqueue_indirect_dma source(%dma_start3A_361 : memref<1600000xi32, #tpu.memory_space<hbm>>) target(%dma_start3A_358 : memref<1024xi32, #tpu.memory_space<vmem>>) offsets(%dma_start3A_359 : memref<1024xi32, #tpu.memory_space<vmem>>) semaphore(%arg12 : memref<!tpu.dma_semaphore, #tpu.memory_space<semaphore_mem>>)
          }
          %while3A_352 = arith.constant 1 : i32
          scf.for %while3A_353 = %while3A_350 to %while3A_346 step %while3A_352  : i32 {
            %mul3A_354 = arith.constant 1024 : i32
            %mul3A_355 = arith.muli %while3A_353, %mul3A_354 : i32
            %mul3A_356 = arith.constant 1024 : i32
            %mul3A_357 = arith.muli %while3A_353, %mul3A_356 : i32
            %dma_start3A_358 = tpu.memref_slice %arg8[%mul3A_357] : memref<16384xi32, #tpu.memory_space<vmem>> -> memref<1024xi32, #tpu.memory_space<vmem>>
            %dma_start3A_359 = tpu.memref_slice %arg7[%mul3A_355] : memref<16384xi32, #tpu.memory_space<vmem>> -> memref<1024xi32, #tpu.memory_space<vmem>>
            %dma_start3A_360 = arith.constant 0 : i32
            %dma_start3A_361 = tpu.memref_slice %arg4[%dma_start3A_360] : memref<1600000xi32, #tpu.memory_space<hbm>> -> memref<1600000xi32, #tpu.memory_space<hbm>>
            tpu.enqueue_indirect_dma source(%dma_start3A_361 : memref<1600000xi32, #tpu.memory_space<hbm>>) target(%dma_start3A_358 : memref<1024xi32, #tpu.memory_space<vmem>>) offsets(%dma_start3A_359 : memref<1024xi32, #tpu.memory_space<vmem>>) semaphore(%arg12 : memref<!tpu.dma_semaphore, #tpu.memory_space<semaphore_mem>>)
          }
        } else {
        }
        %add3A_293 = arith.constant 32768 : i32
        %add3A_294 = arith.addi %add3A_181, %add3A_293 : i32
        %lt3A_295 = arith.cmpi slt, %add3A_294, %squeeze3A_7 : i32
        %convert_element_type3A_296 = arith.extui %lt3A_295 : i1 to i32
        %cond3A_297 = arith.constant 0 : i32
        %cond3A_298 = arith.cmpi ne, %convert_element_type3A_296, %cond3A_297 : i32
        scf.if %cond3A_298 {
          %add3A_303 = arith.constant 32768 : i32
          %add3A_304 = arith.addi %add3A_181, %add3A_303 : i32
          %multiple_of3A_305 = tpu.assume_multiple %add3A_304, 8 : i32
          %dma_start3A_306 = tpu.memref_slice %arg3[%multiple_of3A_305] : memref<1632776xi32, #tpu.memory_space<hbm>> -> memref<16384xi32, #tpu.memory_space<hbm>>
          %dma_start3A_307 = tpu.memref_slice %arg3[%multiple_of3A_305] : memref<1632776xi32, #tpu.memory_space<hbm>> -> memref<16384xi32, #tpu.memory_space<hbm>>
          tpu.enqueue_dma source(%dma_start3A_307 : memref<16384xi32, #tpu.memory_space<hbm>>) target(%arg9 : memref<16384xi32, #tpu.memory_space<vmem>>) target_semaphore(%arg15 : memref<!tpu.dma_semaphore, #tpu.memory_space<semaphore_mem>>)
        } else {
        }
        %add3A_299 = arith.constant 16384 : i32
        %add3A_300 = arith.addi %add3A_181, %add3A_299 : i32
        %while3A_301 = arith.constant true
        %while3A_302:6 = scf.while (%while3A_303 = %while3A_301, %while3A_304 = %while3A_238#1, %while3A_305 = %while3A_238#2, %while3A_306 = %while3A_238#3, %while3A_307 = %while3A_238#4, %while3A_308 = %while3A_238#5) : (i1, i32, vector<16xi32>, vector<16xi32>, vector<16xi32>, vector<16xi32>) -> (i1, i32, vector<16xi32>, vector<16xi32>, vector<16xi32>, vector<16xi32>) {
          %lt3A_309 = arith.constant 200 : i32
          %lt3A_310 = arith.cmpi slt, %while3A_304, %lt3A_309 : i32
          %and3A_311 = arith.andi %while3A_303, %lt3A_310 : i1
          scf.condition(%and3A_311) %while3A_303, %while3A_304, %while3A_305, %while3A_306, %while3A_307, %while3A_308 : i1, i32, vector<16xi32>, vector<16xi32>, vector<16xi32>, vector<16xi32>
        } do {
        ^bb0(%while3A_303: i1, %while3A_304: i32, %while3A_305: vector<16xi32>, %while3A_306: vector<16xi32>, %while3A_307: vector<16xi32>, %while3A_308: vector<16xi32>):
          %min3A_309 = vector.broadcast %add3A_300 : i32 to vector<16xi32>
          %min3A_310 = arith.minsi %while3A_305, %min3A_309 : vector<16xi32>
          %sub3A_311 = vector.broadcast %add3A_181 : i32 to vector<16xi32>
          %sub3A_312 = arith.subi %while3A_306, %sub3A_311 : vector<16xi32>
          %add3A_313 = arith.constant 0 : i32
          %add3A_314 = vector.broadcast %add3A_313 : i32 to vector<16xi32>
          %add3A_315 = arith.addi %while3A_306, %add3A_314 : vector<16xi32>
          %lt3A_316 = arith.cmpi slt, %add3A_315, %min3A_310 : vector<16xi32>
          %add3A_317 = arith.constant 0 : i32
          %add3A_318 = vector.broadcast %add3A_317 : i32 to vector<16xi32>
          %add3A_319 = arith.addi %sub3A_312, %add3A_318 : vector<16xi32>
          %gather3A_320 = tpu.vector_load_idx %arg10[%add3A_319] masked %lt3A_316 : memref<16384xi32, #tpu.memory_space<vmem>>[vector<16xi32>], vector<16xi32>, vector<16xi1>
          %jit3A_321 = arith.constant 2147483647 : i32
          %broadcast_in_dim3A_322 = vector.broadcast %jit3A_321 : i32 to vector<16xi32>
          %select_n3A_323 = arith.select %lt3A_316, %gather3A_320, %broadcast_in_dim3A_322 : vector<16xi1>, vector<16xi32>
          %add3A_324 = arith.constant 1 : i32
          %add3A_325 = vector.broadcast %add3A_324 : i32 to vector<16xi32>
          %add3A_326 = arith.addi %while3A_306, %add3A_325 : vector<16xi32>
          %lt3A_327 = arith.cmpi slt, %add3A_326, %min3A_310 : vector<16xi32>
          %add3A_328 = arith.constant 1 : i32
          %add3A_329 = vector.broadcast %add3A_328 : i32 to vector<16xi32>
          %add3A_330 = arith.addi %sub3A_312, %add3A_329 : vector<16xi32>
          %gather3A_331 = tpu.vector_load_idx %arg10[%add3A_330] masked %lt3A_327 : memref<16384xi32, #tpu.memory_space<vmem>>[vector<16xi32>], vector<16xi32>, vector<16xi1>
          %jit3A_332 = arith.constant 2147483647 : i32
          %broadcast_in_dim3A_333 = vector.broadcast %jit3A_332 : i32 to vector<16xi32>
          %select_n3A_334 = arith.select %lt3A_327, %gather3A_331, %broadcast_in_dim3A_333 : vector<16xi1>, vector<16xi32>
          %add3A_335 = arith.constant 2 : i32
          %add3A_336 = vector.broadcast %add3A_335 : i32 to vector<16xi32>
          %add3A_337 = arith.addi %while3A_306, %add3A_336 : vector<16xi32>
          %lt3A_338 = arith.cmpi slt, %add3A_337, %min3A_310 : vector<16xi32>
          %add3A_339 = arith.constant 2 : i32
          %add3A_340 = vector.broadcast %add3A_339 : i32 to vector<16xi32>
          %add3A_341 = arith.addi %sub3A_312, %add3A_340 : vector<16xi32>
          %gather3A_342 = tpu.vector_load_idx %arg10[%add3A_341] masked %lt3A_338 : memref<16384xi32, #tpu.memory_space<vmem>>[vector<16xi32>], vector<16xi32>, vector<16xi1>
          %jit3A_343 = arith.constant 2147483647 : i32
          %broadcast_in_dim3A_344 = vector.broadcast %jit3A_343 : i32 to vector<16xi32>
          %select_n3A_345 = arith.select %lt3A_338, %gather3A_342, %broadcast_in_dim3A_344 : vector<16xi1>, vector<16xi32>
          %add3A_346 = arith.constant 3 : i32
          %add3A_347 = vector.broadcast %add3A_346 : i32 to vector<16xi32>
          %add3A_348 = arith.addi %while3A_306, %add3A_347 : vector<16xi32>
          %lt3A_349 = arith.cmpi slt, %add3A_348, %min3A_310 : vector<16xi32>
          %add3A_350 = arith.constant 3 : i32
          %add3A_351 = vector.broadcast %add3A_350 : i32 to vector<16xi32>
          %add3A_352 = arith.addi %sub3A_312, %add3A_351 : vector<16xi32>
          %gather3A_353 = tpu.vector_load_idx %arg10[%add3A_352] masked %lt3A_349 : memref<16384xi32, #tpu.memory_space<vmem>>[vector<16xi32>], vector<16xi32>, vector<16xi1>
          %jit3A_354 = arith.constant 2147483647 : i32
          %broadcast_in_dim3A_355 = vector.broadcast %jit3A_354 : i32 to vector<16xi32>
          %select_n3A_356 = arith.select %lt3A_349, %gather3A_353, %broadcast_in_dim3A_355 : vector<16xi1>, vector<16xi32>
          %add3A_357 = arith.constant 4 : i32
          %add3A_358 = vector.broadcast %add3A_357 : i32 to vector<16xi32>
          %add3A_359 = arith.addi %while3A_306, %add3A_358 : vector<16xi32>
          %lt3A_360 = arith.cmpi slt, %add3A_359, %min3A_310 : vector<16xi32>
          %add3A_361 = arith.constant 4 : i32
          %add3A_362 = vector.broadcast %add3A_361 : i32 to vector<16xi32>
          %add3A_363 = arith.addi %sub3A_312, %add3A_362 : vector<16xi32>
          %gather3A_364 = tpu.vector_load_idx %arg10[%add3A_363] masked %lt3A_360 : memref<16384xi32, #tpu.memory_space<vmem>>[vector<16xi32>], vector<16xi32>, vector<16xi1>
          %jit3A_365 = arith.constant 2147483647 : i32
          %broadcast_in_dim3A_366 = vector.broadcast %jit3A_365 : i32 to vector<16xi32>
          %select_n3A_367 = arith.select %lt3A_360, %gather3A_364, %broadcast_in_dim3A_366 : vector<16xi1>, vector<16xi32>
          %add3A_368 = arith.constant 5 : i32
          %add3A_369 = vector.broadcast %add3A_368 : i32 to vector<16xi32>
          %add3A_370 = arith.addi %while3A_306, %add3A_369 : vector<16xi32>
          %lt3A_371 = arith.cmpi slt, %add3A_370, %min3A_310 : vector<16xi32>
          %add3A_372 = arith.constant 5 : i32
          %add3A_373 = vector.broadcast %add3A_372 : i32 to vector<16xi32>
          %add3A_374 = arith.addi %sub3A_312, %add3A_373 : vector<16xi32>
          %gather3A_375 = tpu.vector_load_idx %arg10[%add3A_374] masked %lt3A_371 : memref<16384xi32, #tpu.memory_space<vmem>>[vector<16xi32>], vector<16xi32>, vector<16xi1>
          %jit3A_376 = arith.constant 2147483647 : i32
          %broadcast_in_dim3A_377 = vector.broadcast %jit3A_376 : i32 to vector<16xi32>
          %select_n3A_378 = arith.select %lt3A_371, %gather3A_375, %broadcast_in_dim3A_377 : vector<16xi1>, vector<16xi32>
          %add3A_379 = arith.constant 6 : i32
          %add3A_380 = vector.broadcast %add3A_379 : i32 to vector<16xi32>
          %add3A_381 = arith.addi %while3A_306, %add3A_380 : vector<16xi32>
          %lt3A_382 = arith.cmpi slt, %add3A_381, %min3A_310 : vector<16xi32>
          %add3A_383 = arith.constant 6 : i32
          %add3A_384 = vector.broadcast %add3A_383 : i32 to vector<16xi32>
          %add3A_385 = arith.addi %sub3A_312, %add3A_384 : vector<16xi32>
          %gather3A_386 = tpu.vector_load_idx %arg10[%add3A_385] masked %lt3A_382 : memref<16384xi32, #tpu.memory_space<vmem>>[vector<16xi32>], vector<16xi32>, vector<16xi1>
          %jit3A_387 = arith.constant 2147483647 : i32
          %broadcast_in_dim3A_388 = vector.broadcast %jit3A_387 : i32 to vector<16xi32>
          %select_n3A_389 = arith.select %lt3A_382, %gather3A_386, %broadcast_in_dim3A_388 : vector<16xi1>, vector<16xi32>
          %add3A_390 = arith.constant 7 : i32
          %add3A_391 = vector.broadcast %add3A_390 : i32 to vector<16xi32>
          %add3A_392 = arith.addi %while3A_306, %add3A_391 : vector<16xi32>
          %lt3A_393 = arith.cmpi slt, %add3A_392, %min3A_310 : vector<16xi32>
          %add3A_394 = arith.constant 7 : i32
          %add3A_395 = vector.broadcast %add3A_394 : i32 to vector<16xi32>
          %add3A_396 = arith.addi %sub3A_312, %add3A_395 : vector<16xi32>
          %gather3A_397 = tpu.vector_load_idx %arg10[%add3A_396] masked %lt3A_393 : memref<16384xi32, #tpu.memory_space<vmem>>[vector<16xi32>], vector<16xi32>, vector<16xi1>
          %jit3A_398 = arith.constant 2147483647 : i32
          %broadcast_in_dim3A_399 = vector.broadcast %jit3A_398 : i32 to vector<16xi32>
          %select_n3A_400 = arith.select %lt3A_393, %gather3A_397, %broadcast_in_dim3A_399 : vector<16xi1>, vector<16xi32>
          %add3A_401 = arith.constant 8 : i32
          %add3A_402 = vector.broadcast %add3A_401 : i32 to vector<16xi32>
          %add3A_403 = arith.addi %while3A_306, %add3A_402 : vector<16xi32>
          %lt3A_404 = arith.cmpi slt, %add3A_403, %min3A_310 : vector<16xi32>
          %add3A_405 = arith.constant 8 : i32
          %add3A_406 = vector.broadcast %add3A_405 : i32 to vector<16xi32>
          %add3A_407 = arith.addi %sub3A_312, %add3A_406 : vector<16xi32>
          %gather3A_408 = tpu.vector_load_idx %arg10[%add3A_407] masked %lt3A_404 : memref<16384xi32, #tpu.memory_space<vmem>>[vector<16xi32>], vector<16xi32>, vector<16xi1>
          %jit3A_409 = arith.constant 2147483647 : i32
          %broadcast_in_dim3A_410 = vector.broadcast %jit3A_409 : i32 to vector<16xi32>
          %select_n3A_411 = arith.select %lt3A_404, %gather3A_408, %broadcast_in_dim3A_410 : vector<16xi1>, vector<16xi32>
          %add3A_412 = arith.constant 9 : i32
          %add3A_413 = vector.broadcast %add3A_412 : i32 to vector<16xi32>
          %add3A_414 = arith.addi %while3A_306, %add3A_413 : vector<16xi32>
          %lt3A_415 = arith.cmpi slt, %add3A_414, %min3A_310 : vector<16xi32>
          %add3A_416 = arith.constant 9 : i32
          %add3A_417 = vector.broadcast %add3A_416 : i32 to vector<16xi32>
          %add3A_418 = arith.addi %sub3A_312, %add3A_417 : vector<16xi32>
          %gather3A_419 = tpu.vector_load_idx %arg10[%add3A_418] masked %lt3A_415 : memref<16384xi32, #tpu.memory_space<vmem>>[vector<16xi32>], vector<16xi32>, vector<16xi1>
          %jit3A_420 = arith.constant 2147483647 : i32
          %broadcast_in_dim3A_421 = vector.broadcast %jit3A_420 : i32 to vector<16xi32>
          %select_n3A_422 = arith.select %lt3A_415, %gather3A_419, %broadcast_in_dim3A_421 : vector<16xi1>, vector<16xi32>
          %add3A_423 = arith.constant 10 : i32
          %add3A_424 = vector.broadcast %add3A_423 : i32 to vector<16xi32>
          %add3A_425 = arith.addi %while3A_306, %add3A_424 : vector<16xi32>
          %lt3A_426 = arith.cmpi slt, %add3A_425, %min3A_310 : vector<16xi32>
          %add3A_427 = arith.constant 10 : i32
          %add3A_428 = vector.broadcast %add3A_427 : i32 to vector<16xi32>
          %add3A_429 = arith.addi %sub3A_312, %add3A_428 : vector<16xi32>
          %gather3A_430 = tpu.vector_load_idx %arg10[%add3A_429] masked %lt3A_426 : memref<16384xi32, #tpu.memory_space<vmem>>[vector<16xi32>], vector<16xi32>, vector<16xi1>
          %jit3A_431 = arith.constant 2147483647 : i32
          %broadcast_in_dim3A_432 = vector.broadcast %jit3A_431 : i32 to vector<16xi32>
          %select_n3A_433 = arith.select %lt3A_426, %gather3A_430, %broadcast_in_dim3A_432 : vector<16xi1>, vector<16xi32>
          %add3A_434 = arith.constant 11 : i32
          %add3A_435 = vector.broadcast %add3A_434 : i32 to vector<16xi32>
          %add3A_436 = arith.addi %while3A_306, %add3A_435 : vector<16xi32>
          %lt3A_437 = arith.cmpi slt, %add3A_436, %min3A_310 : vector<16xi32>
          %add3A_438 = arith.constant 11 : i32
          %add3A_439 = vector.broadcast %add3A_438 : i32 to vector<16xi32>
          %add3A_440 = arith.addi %sub3A_312, %add3A_439 : vector<16xi32>
          %gather3A_441 = tpu.vector_load_idx %arg10[%add3A_440] masked %lt3A_437 : memref<16384xi32, #tpu.memory_space<vmem>>[vector<16xi32>], vector<16xi32>, vector<16xi1>
          %jit3A_442 = arith.constant 2147483647 : i32
          %broadcast_in_dim3A_443 = vector.broadcast %jit3A_442 : i32 to vector<16xi32>
          %select_n3A_444 = arith.select %lt3A_437, %gather3A_441, %broadcast_in_dim3A_443 : vector<16xi1>, vector<16xi32>
          %add3A_445 = arith.constant 12 : i32
          %add3A_446 = vector.broadcast %add3A_445 : i32 to vector<16xi32>
          %add3A_447 = arith.addi %while3A_306, %add3A_446 : vector<16xi32>
          %lt3A_448 = arith.cmpi slt, %add3A_447, %min3A_310 : vector<16xi32>
          %add3A_449 = arith.constant 12 : i32
          %add3A_450 = vector.broadcast %add3A_449 : i32 to vector<16xi32>
          %add3A_451 = arith.addi %sub3A_312, %add3A_450 : vector<16xi32>
          %gather3A_452 = tpu.vector_load_idx %arg10[%add3A_451] masked %lt3A_448 : memref<16384xi32, #tpu.memory_space<vmem>>[vector<16xi32>], vector<16xi32>, vector<16xi1>
          %jit3A_453 = arith.constant 2147483647 : i32
          %broadcast_in_dim3A_454 = vector.broadcast %jit3A_453 : i32 to vector<16xi32>
          %select_n3A_455 = arith.select %lt3A_448, %gather3A_452, %broadcast_in_dim3A_454 : vector<16xi1>, vector<16xi32>
          %add3A_456 = arith.constant 13 : i32
          %add3A_457 = vector.broadcast %add3A_456 : i32 to vector<16xi32>
          %add3A_458 = arith.addi %while3A_306, %add3A_457 : vector<16xi32>
          %lt3A_459 = arith.cmpi slt, %add3A_458, %min3A_310 : vector<16xi32>
          %add3A_460 = arith.constant 13 : i32
          %add3A_461 = vector.broadcast %add3A_460 : i32 to vector<16xi32>
          %add3A_462 = arith.addi %sub3A_312, %add3A_461 : vector<16xi32>
          %gather3A_463 = tpu.vector_load_idx %arg10[%add3A_462] masked %lt3A_459 : memref<16384xi32, #tpu.memory_space<vmem>>[vector<16xi32>], vector<16xi32>, vector<16xi1>
          %jit3A_464 = arith.constant 2147483647 : i32
          %broadcast_in_dim3A_465 = vector.broadcast %jit3A_464 : i32 to vector<16xi32>
          %select_n3A_466 = arith.select %lt3A_459, %gather3A_463, %broadcast_in_dim3A_465 : vector<16xi1>, vector<16xi32>
          %add3A_467 = arith.constant 14 : i32
          %add3A_468 = vector.broadcast %add3A_467 : i32 to vector<16xi32>
          %add3A_469 = arith.addi %while3A_306, %add3A_468 : vector<16xi32>
          %lt3A_470 = arith.cmpi slt, %add3A_469, %min3A_310 : vector<16xi32>
          %add3A_471 = arith.constant 14 : i32
          %add3A_472 = vector.broadcast %add3A_471 : i32 to vector<16xi32>
          %add3A_473 = arith.addi %sub3A_312, %add3A_472 : vector<16xi32>
          %gather3A_474 = tpu.vector_load_idx %arg10[%add3A_473] masked %lt3A_470 : memref<16384xi32, #tpu.memory_space<vmem>>[vector<16xi32>], vector<16xi32>, vector<16xi1>
          %jit3A_475 = arith.constant 2147483647 : i32
          %broadcast_in_dim3A_476 = vector.broadcast %jit3A_475 : i32 to vector<16xi32>
          %select_n3A_477 = arith.select %lt3A_470, %gather3A_474, %broadcast_in_dim3A_476 : vector<16xi1>, vector<16xi32>
          %add3A_478 = arith.constant 15 : i32
          %add3A_479 = vector.broadcast %add3A_478 : i32 to vector<16xi32>
          %add3A_480 = arith.addi %while3A_306, %add3A_479 : vector<16xi32>
          %lt3A_481 = arith.cmpi slt, %add3A_480, %min3A_310 : vector<16xi32>
          %add3A_482 = arith.constant 15 : i32
          %add3A_483 = vector.broadcast %add3A_482 : i32 to vector<16xi32>
          %add3A_484 = arith.addi %sub3A_312, %add3A_483 : vector<16xi32>
          %gather3A_485 = tpu.vector_load_idx %arg10[%add3A_484] masked %lt3A_481 : memref<16384xi32, #tpu.memory_space<vmem>>[vector<16xi32>], vector<16xi32>, vector<16xi1>
          %jit3A_486 = arith.constant 2147483647 : i32
          %broadcast_in_dim3A_487 = vector.broadcast %jit3A_486 : i32 to vector<16xi32>
          %select_n3A_488 = arith.select %lt3A_481, %gather3A_485, %broadcast_in_dim3A_487 : vector<16xi1>, vector<16xi32>
          %lt3A_489 = arith.cmpi slt, %select_n3A_334, %select_n3A_323 : vector<16xi32>
          %select_n3A_490 = arith.select %lt3A_489, %select_n3A_334, %select_n3A_323 : vector<16xi1>, vector<16xi32>
          %select_n3A_491 = arith.select %lt3A_489, %add3A_326, %add3A_315 : vector<16xi1>, vector<16xi32>
          %lt3A_492 = arith.cmpi slt, %select_n3A_356, %select_n3A_345 : vector<16xi32>
          %select_n3A_493 = arith.select %lt3A_492, %select_n3A_356, %select_n3A_345 : vector<16xi1>, vector<16xi32>
          %select_n3A_494 = arith.select %lt3A_492, %add3A_348, %add3A_337 : vector<16xi1>, vector<16xi32>
          %lt3A_495 = arith.cmpi slt, %select_n3A_378, %select_n3A_367 : vector<16xi32>
          %select_n3A_496 = arith.select %lt3A_495, %select_n3A_378, %select_n3A_367 : vector<16xi1>, vector<16xi32>
          %select_n3A_497 = arith.select %lt3A_495, %add3A_370, %add3A_359 : vector<16xi1>, vector<16xi32>
          %lt3A_498 = arith.cmpi slt, %select_n3A_400, %select_n3A_389 : vector<16xi32>
          %select_n3A_499 = arith.select %lt3A_498, %select_n3A_400, %select_n3A_389 : vector<16xi1>, vector<16xi32>
          %select_n3A_500 = arith.select %lt3A_498, %add3A_392, %add3A_381 : vector<16xi1>, vector<16xi32>
          %lt3A_501 = arith.cmpi slt, %select_n3A_422, %select_n3A_411 : vector<16xi32>
          %select_n3A_502 = arith.select %lt3A_501, %select_n3A_422, %select_n3A_411 : vector<16xi1>, vector<16xi32>
          %select_n3A_503 = arith.select %lt3A_501, %add3A_414, %add3A_403 : vector<16xi1>, vector<16xi32>
          %lt3A_504 = arith.cmpi slt, %select_n3A_444, %select_n3A_433 : vector<16xi32>
          %select_n3A_505 = arith.select %lt3A_504, %select_n3A_444, %select_n3A_433 : vector<16xi1>, vector<16xi32>
          %select_n3A_506 = arith.select %lt3A_504, %add3A_436, %add3A_425 : vector<16xi1>, vector<16xi32>
          %lt3A_507 = arith.cmpi slt, %select_n3A_466, %select_n3A_455 : vector<16xi32>
          %select_n3A_508 = arith.select %lt3A_507, %select_n3A_466, %select_n3A_455 : vector<16xi1>, vector<16xi32>
          %select_n3A_509 = arith.select %lt3A_507, %add3A_458, %add3A_447 : vector<16xi1>, vector<16xi32>
          %lt3A_510 = arith.cmpi slt, %select_n3A_488, %select_n3A_477 : vector<16xi32>
          %select_n3A_511 = arith.select %lt3A_510, %select_n3A_488, %select_n3A_477 : vector<16xi1>, vector<16xi32>
          %select_n3A_512 = arith.select %lt3A_510, %add3A_480, %add3A_469 : vector<16xi1>, vector<16xi32>
          %lt3A_513 = arith.cmpi slt, %select_n3A_493, %select_n3A_490 : vector<16xi32>
          %select_n3A_514 = arith.select %lt3A_513, %select_n3A_493, %select_n3A_490 : vector<16xi1>, vector<16xi32>
          %select_n3A_515 = arith.select %lt3A_513, %select_n3A_494, %select_n3A_491 : vector<16xi1>, vector<16xi32>
          %lt3A_516 = arith.cmpi slt, %select_n3A_499, %select_n3A_496 : vector<16xi32>
          %select_n3A_517 = arith.select %lt3A_516, %select_n3A_499, %select_n3A_496 : vector<16xi1>, vector<16xi32>
          %select_n3A_518 = arith.select %lt3A_516, %select_n3A_500, %select_n3A_497 : vector<16xi1>, vector<16xi32>
          %lt3A_519 = arith.cmpi slt, %select_n3A_505, %select_n3A_502 : vector<16xi32>
          %select_n3A_520 = arith.select %lt3A_519, %select_n3A_505, %select_n3A_502 : vector<16xi1>, vector<16xi32>
          %select_n3A_521 = arith.select %lt3A_519, %select_n3A_506, %select_n3A_503 : vector<16xi1>, vector<16xi32>
          %lt3A_522 = arith.cmpi slt, %select_n3A_511, %select_n3A_508 : vector<16xi32>
          %select_n3A_523 = arith.select %lt3A_522, %select_n3A_511, %select_n3A_508 : vector<16xi1>, vector<16xi32>
          %select_n3A_524 = arith.select %lt3A_522, %select_n3A_512, %select_n3A_509 : vector<16xi1>, vector<16xi32>
          %lt3A_525 = arith.cmpi slt, %select_n3A_517, %select_n3A_514 : vector<16xi32>
          %select_n3A_526 = arith.select %lt3A_525, %select_n3A_517, %select_n3A_514 : vector<16xi1>, vector<16xi32>
          %select_n3A_527 = arith.select %lt3A_525, %select_n3A_518, %select_n3A_515 : vector<16xi1>, vector<16xi32>
          %lt3A_528 = arith.cmpi slt, %select_n3A_523, %select_n3A_520 : vector<16xi32>
          %select_n3A_529 = arith.select %lt3A_528, %select_n3A_523, %select_n3A_520 : vector<16xi1>, vector<16xi32>
          %select_n3A_530 = arith.select %lt3A_528, %select_n3A_524, %select_n3A_521 : vector<16xi1>, vector<16xi32>
          %lt3A_531 = arith.cmpi slt, %select_n3A_529, %select_n3A_526 : vector<16xi32>
          %select_n3A_532 = arith.select %lt3A_531, %select_n3A_529, %select_n3A_526 : vector<16xi1>, vector<16xi32>
          %select_n3A_533 = arith.select %lt3A_531, %select_n3A_530, %select_n3A_527 : vector<16xi1>, vector<16xi32>
          %lt3A_534 = arith.cmpi slt, %select_n3A_532, %while3A_307 : vector<16xi32>
          %select_n3A_535 = arith.select %lt3A_534, %select_n3A_532, %while3A_307 : vector<16xi1>, vector<16xi32>
          %select_n3A_536 = arith.select %lt3A_534, %select_n3A_533, %while3A_308 : vector<16xi1>, vector<16xi32>
          %sub3A_537 = arith.subi %min3A_310, %while3A_306 : vector<16xi32>
          %jit3A_538 = arith.constant 0 : i32
          %jit3A_539 = arith.constant 16 : i32
          %max3A_540 = vector.broadcast %jit3A_538 : i32 to vector<16xi32>
          %max3A_541 = arith.maxsi %max3A_540, %sub3A_537 : vector<16xi32>
          %min3A_542 = vector.broadcast %jit3A_539 : i32 to vector<16xi32>
          %min3A_543 = arith.minsi %min3A_542, %max3A_541 : vector<16xi32>
          %add3A_544 = arith.addi %while3A_306, %min3A_543 : vector<16xi32>
          %lt3A_545 = arith.cmpi slt, %add3A_544, %while3A_305 : vector<16xi32>
          %reduce_or3A = arith.constant 1.000000e+00 : f32
          %reduce_or3A_546 = arith.constant 0.000000e+00 : f32
          %reduce_or3A_547 = vector.broadcast %reduce_or3A : f32 to vector<16xf32>
          %reduce_or3A_548 = vector.broadcast %reduce_or3A_546 : f32 to vector<16xf32>
          %reduce_or3A_549 = arith.select %lt3A_545, %reduce_or3A_547, %reduce_or3A_548 : vector<16xi1>, vector<16xf32>
          %reduce_or3A_550 = arith.constant true
          %reduce_or3A_551 = vector.broadcast %reduce_or3A_550 : i1 to vector<16xi1>
          %reduce_or3A_552 = tpu.scan <max>, %reduce_or3A_549 masked %reduce_or3A_551 : vector<16xf32>, vector<16xi1> -> vector<16xf32>
          %reduce_or3A_553 = vector.extract %reduce_or3A_552[15] : f32 from vector<16xf32>
          %reduce_or3A_554 = arith.constant 0.000000e+00 : f32
          %reduce_or3A_555 = arith.cmpf ogt, %reduce_or3A_553, %reduce_or3A_554 : f32
          %not3A = arith.constant true
          %not3A_556 = arith.xori %reduce_or3A_555, %not3A : i1
          %lt3A_557 = arith.cmpi slt, %add3A_544, %while3A_305 : vector<16xi32>
          %lt3A_558 = vector.broadcast %add3A_300 : i32 to vector<16xi32>
          %lt3A_559 = arith.cmpi slt, %add3A_544, %lt3A_558 : vector<16xi32>
          %and3A_560 = arith.andi %lt3A_557, %lt3A_559 : vector<16xi1>
          %reduce_or3A_561 = arith.constant 1.000000e+00 : f32
          %reduce_or3A_562 = arith.constant 0.000000e+00 : f32
          %reduce_or3A_563 = vector.broadcast %reduce_or3A_561 : f32 to vector<16xf32>
          %reduce_or3A_564 = vector.broadcast %reduce_or3A_562 : f32 to vector<16xf32>
          %reduce_or3A_565 = arith.select %and3A_560, %reduce_or3A_563, %reduce_or3A_564 : vector<16xi1>, vector<16xf32>
          %reduce_or3A_566 = arith.constant true
          %reduce_or3A_567 = vector.broadcast %reduce_or3A_566 : i1 to vector<16xi1>
          %reduce_or3A_568 = tpu.scan <max>, %reduce_or3A_565 masked %reduce_or3A_567 : vector<16xf32>, vector<16xi1> -> vector<16xf32>
          %reduce_or3A_569 = vector.extract %reduce_or3A_568[15] : f32 from vector<16xf32>
          %reduce_or3A_570 = arith.constant 0.000000e+00 : f32
          %reduce_or3A_571 = arith.cmpf ogt, %reduce_or3A_569, %reduce_or3A_570 : f32
          %not3A_572 = arith.constant true
          %not3A_573 = arith.xori %reduce_or3A_571, %not3A_572 : i1
          %not3A_574 = arith.constant true
          %not3A_575 = arith.xori %not3A_556, %not3A_574 : i1
          %and3A_576 = arith.andi %not3A_573, %not3A_575 : i1
          %convert_element_type3A_577 = arith.extui %not3A_556 : i1 to i32
          %cond3A_578 = arith.constant 0 : i32
          %cond3A_579 = arith.cmpi ne, %convert_element_type3A_577, %cond3A_578 : i32
          %cond3A_580:5 = scf.if %cond3A_579 -> (i32, vector<16xi32>, vector<16xi32>, vector<16xi32>, vector<16xi32>) {
            %mul3A_583 = arith.constant 16 : i32
            %mul3A_584 = arith.muli %while3A_304, %mul3A_583 : i32
            %swap3A = arith.index_cast %mul3A_584 : i32 to index
            %swap3A_585 = tpu.vector_load %arg11[%swap3A] {strides = array<i32>} : memref<3200xi32, #tpu.memory_space<vmem>>, vector<16xi32>,
            tpu.vector_store %arg11[%swap3A], %select_n3A_536 {strides = array<i32>} : memref<3200xi32, #tpu.memory_space<vmem>>, vector<16xi32>,
            %add3A_586 = arith.constant 1 : i32
            %add3A_587 = arith.addi %while3A_304, %add3A_586 : i32
            %mul3A_588 = arith.constant 16 : i32
            %mul3A_589 = arith.muli %add3A_587, %mul3A_588 : i32
            %add3A_590 = vector.broadcast %mul3A_589 : i32 to vector<16xi32>
            %add3A_591 = arith.addi %add3A_590, %iota3A : vector<16xi32>
            %gather3A_592 = tpu.vector_load_idx %arg6[%add3A_591] : memref<3232xi32, #tpu.memory_space<vmem>>[vector<16xi32>], vector<16xi32>,
            %add3A_593 = vector.broadcast %mul3A_589 : i32 to vector<16xi32>
            %add3A_594 = arith.addi %add3A_593, %iota3A : vector<16xi32>
            %add3A_595 = arith.constant 1 : i32
            %add3A_596 = vector.broadcast %add3A_595 : i32 to vector<16xi32>
            %add3A_597 = arith.addi %add3A_594, %add3A_596 : vector<16xi32>
            %gather3A_598 = tpu.vector_load_idx %arg6[%add3A_597] : memref<3232xi32, #tpu.memory_space<vmem>>[vector<16xi32>], vector<16xi32>,
            %broadcast_in_dim3A_599 = arith.constant 2147483647 : i32
            %broadcast_in_dim3A_600 = vector.broadcast %broadcast_in_dim3A_599 : i32 to vector<16xi32>
            %broadcast_in_dim3A_601 = arith.constant -1 : i32
            %broadcast_in_dim3A_602 = vector.broadcast %broadcast_in_dim3A_601 : i32 to vector<16xi32>
            scf.yield %add3A_587, %gather3A_598, %gather3A_592, %broadcast_in_dim3A_600, %broadcast_in_dim3A_602 : i32, vector<16xi32>, vector<16xi32>, vector<16xi32>, vector<16xi32>
          } else {
            scf.yield %while3A_304, %while3A_305, %add3A_544, %select_n3A_535, %select_n3A_536 : i32, vector<16xi32>, vector<16xi32>, vector<16xi32>, vector<16xi32>
          }
          %not3A_581 = arith.constant true
          %not3A_582 = arith.xori %and3A_576, %not3A_581 : i1
          scf.yield %not3A_582, %cond3A_580#0, %cond3A_580#1, %cond3A_580#2, %cond3A_580#3, %cond3A_580#4 : i1, i32, vector<16xi32>, vector<16xi32>, vector<16xi32>, vector<16xi32>
        }
        scf.yield %while3A_302#1, %while3A_302#2, %while3A_302#3, %while3A_302#4, %while3A_302#5 : i32, vector<16xi32>, vector<16xi32>, vector<16xi32>, vector<16xi32>
      } else {
        scf.yield %while3A_238#1, %while3A_238#2, %while3A_238#3, %while3A_238#4, %while3A_238#5 : i32, vector<16xi32>, vector<16xi32>, vector<16xi32>, vector<16xi32>
      }
      scf.yield %cond3A_243#0, %cond3A_243#1, %cond3A_243#2, %cond3A_243#3, %cond3A_243#4 : i32, vector<16xi32>, vector<16xi32>, vector<16xi32>, vector<16xi32>
    }
    %scan3A = arith.constant 0 : i32
    %scan3A_148 = arith.constant 0 : i32
    %scan3A_149 = arith.constant 200 : i32
    %scan3A_150 = arith.addi %scan3A_148, %scan3A_149 : i32
    %scan3A_151 = arith.constant 1 : i32
    scf.for %scan3A_171 = %scan3A_148 to %scan3A_150 step %scan3A_151  : i32 {
      %mul3A_172 = arith.constant 16 : i32
      %mul3A_173 = arith.muli %scan3A_171, %mul3A_172 : i32
      %get3A_174 = arith.index_cast %mul3A_173 : i32 to index
      %get3A_175 = tpu.vector_load %arg11[%get3A_174] {strides = array<i32>} : memref<3200xi32, #tpu.memory_space<vmem>>, vector<16xi32>,
      %add3A_176 = arith.addi %mul3A_2, %mul3A_173 : i32
      %add3A_177 = vector.broadcast %add3A_176 : i32 to vector<16xi32>
      %add3A_178 = arith.addi %add3A_177, %iota3A : vector<16xi32>
      %ge3A = arith.constant 0 : i32
      %ge3A_179 = vector.broadcast %ge3A : i32 to vector<16xi32>
      %ge3A_180 = arith.cmpi sge, %get3A_175, %ge3A_179 : vector<16xi32>
      %select_n3A_181 = arith.select %ge3A_180, %get3A_175, %add3A_178 : vector<16xi1>, vector<16xi32>
      %swap3A = arith.index_cast %mul3A_173 : i32 to index
      %swap3A_182 = tpu.vector_load %arg7[%swap3A] {strides = array<i32>} : memref<16384xi32, #tpu.memory_space<vmem>>, vector<16xi32>,
      tpu.vector_store %arg7[%swap3A], %select_n3A_181 {strides = array<i32>} : memref<16384xi32, #tpu.memory_space<vmem>>, vector<16xi32>,
    }
    %scan3A_152 = arith.constant 200 : i32
    %scan3A_153 = arith.constant 0 : i32
    %scan3A_154 = arith.constant 0 : i32
    %scan3A_155 = arith.constant 5 : i32
    %scan3A_156 = arith.addi %scan3A_154, %scan3A_155 : i32
    %scan3A_157 = arith.constant 1 : i32
    scf.for %scan3A_171 = %scan3A_154 to %scan3A_156 step %scan3A_157  : i32 {
      %mul3A_172 = arith.constant 640 : i32
      %mul3A_173 = arith.muli %scan3A_171, %mul3A_172 : i32
      %mul3A_174 = arith.constant 640 : i32
      %mul3A_175 = arith.muli %scan3A_171, %mul3A_174 : i32
      %dma_start3A_176 = tpu.memref_slice %arg8[%mul3A_175] : memref<16384xi32, #tpu.memory_space<vmem>> -> memref<640xi32, #tpu.memory_space<vmem>>
      %dma_start3A_177 = tpu.memref_slice %arg7[%mul3A_173] : memref<16384xi32, #tpu.memory_space<vmem>> -> memref<640xi32, #tpu.memory_space<vmem>>
      %dma_start3A_178 = arith.constant 0 : i32
      %dma_start3A_179 = tpu.memref_slice %arg3[%dma_start3A_178] : memref<1632776xi32, #tpu.memory_space<hbm>> -> memref<1632776xi32, #tpu.memory_space<hbm>>
      tpu.enqueue_indirect_dma source(%dma_start3A_179 : memref<1632776xi32, #tpu.memory_space<hbm>>) target(%dma_start3A_176 : memref<640xi32, #tpu.memory_space<vmem>>) offsets(%dma_start3A_177 : memref<640xi32, #tpu.memory_space<vmem>>) semaphore(%arg12 : memref<!tpu.dma_semaphore, #tpu.memory_space<semaphore_mem>>)
    }
    %scan3A_158 = arith.constant 5 : i32
    %scan3A_159 = arith.constant 0 : i32
    %scan3A_160 = arith.constant 0 : i32
    %scan3A_161 = arith.constant 5 : i32
    %scan3A_162 = arith.addi %scan3A_160, %scan3A_161 : i32
    %scan3A_163 = arith.constant 1 : i32
    scf.for %scan3A_171 = %scan3A_160 to %scan3A_162 step %scan3A_163  : i32 {
      %mul3A_172 = arith.constant 640 : i32
      %mul3A_173 = arith.muli %scan3A_171, %mul3A_172 : i32
      %mul3A_174 = arith.constant 640 : i32
      %mul3A_175 = arith.muli %scan3A_171, %mul3A_174 : i32
      %dma_wait3A_176 = tpu.memref_slice %arg8[%mul3A_175] : memref<16384xi32, #tpu.memory_space<vmem>> -> memref<640xi32, #tpu.memory_space<vmem>>
      %dma_wait3A_177 = tpu.memref_slice %arg7[%mul3A_173] : memref<16384xi32, #tpu.memory_space<vmem>> -> memref<640xi32, #tpu.memory_space<vmem>>
      %dma_wait3A_178 = arith.constant 0 : i32
      %dma_wait3A_179 = tpu.memref_slice %arg3[%dma_wait3A_178] : memref<1632776xi32, #tpu.memory_space<hbm>> -> memref<1632776xi32, #tpu.memory_space<hbm>>
      tpu.wait_indirect_dma semaphore(%arg12 : memref<!tpu.dma_semaphore, #tpu.memory_space<semaphore_mem>>) src(%dma_wait3A_179 : memref<1632776xi32, #tpu.memory_space<hbm>>) dst(%dma_wait3A_176 : memref<640xi32, #tpu.memory_space<vmem>>)
    }
    %scan3A_164 = arith.constant 5 : i32
    %scan3A_165 = arith.constant 0 : i32
    %scan3A_166 = arith.constant 0 : i32
    %scan3A_167 = arith.constant 200 : i32
    %scan3A_168 = arith.addi %scan3A_166, %scan3A_167 : i32
    %scan3A_169 = arith.constant 1 : i32
    scf.for %scan3A_171 = %scan3A_166 to %scan3A_168 step %scan3A_169  : i32 {
      %mul3A_172 = arith.constant 16 : i32
      %mul3A_173 = arith.muli %scan3A_171, %mul3A_172 : i32
      %get3A_174 = arith.index_cast %mul3A_173 : i32 to index
      %get3A_175 = tpu.vector_load %arg11[%get3A_174] {strides = array<i32>} : memref<3200xi32, #tpu.memory_space<vmem>>, vector<16xi32>,
      %get3A_176 = arith.index_cast %mul3A_173 : i32 to index
      %get3A_177 = tpu.vector_load %arg8[%get3A_176] {strides = array<i32>} : memref<16384xi32, #tpu.memory_space<vmem>>, vector<16xi32>,
      %ge3A = arith.constant 0 : i32
      %ge3A_178 = vector.broadcast %ge3A : i32 to vector<16xi32>
      %ge3A_179 = arith.cmpi sge, %get3A_175, %ge3A_178 : vector<16xi32>
      %jit3A_180 = arith.constant 0 : i32
      %broadcast_in_dim3A_181 = vector.broadcast %jit3A_180 : i32 to vector<16xi32>
      %select_n3A_182 = arith.select %ge3A_179, %get3A_177, %broadcast_in_dim3A_181 : vector<16xi1>, vector<16xi32>
      %swap3A = arith.index_cast %mul3A_173 : i32 to index
      %swap3A_183 = tpu.vector_load %arg11[%swap3A] {strides = array<i32>} : memref<3200xi32, #tpu.memory_space<vmem>>, vector<16xi32>,
      tpu.vector_store %arg11[%swap3A], %select_n3A_182 {strides = array<i32>} : memref<3200xi32, #tpu.memory_space<vmem>>, vector<16xi32>,
    }
    %scan3A_170 = arith.constant 200 : i32
    "tpu.region"() ({
      %run_scoped3A = tpu.sem_alloc : memref<!tpu.dma_semaphore, #tpu.memory_space<semaphore_mem>>
      %dma_start3A_171 = tpu.memref_slice %arg5[%mul3A_2] : memref<102400xi32, #tpu.memory_space<hbm>> -> memref<3200xi32, #tpu.memory_space<hbm>>
      %dma_start3A_172 = tpu.memref_slice %arg5[%mul3A_2] : memref<102400xi32, #tpu.memory_space<hbm>> -> memref<3200xi32, #tpu.memory_space<hbm>>
      tpu.enqueue_dma source(%arg11 : memref<3200xi32, #tpu.memory_space<vmem>>) target(%dma_start3A_172 : memref<3200xi32, #tpu.memory_space<hbm>>) target_semaphore(%run_scoped3A : memref<!tpu.dma_semaphore, #tpu.memory_space<semaphore_mem>>)
      %dma_wait3A_173 = tpu.memref_slice %arg5[%mul3A_2] : memref<102400xi32, #tpu.memory_space<hbm>> -> memref<3200xi32, #tpu.memory_space<hbm>>
      %dma_wait3A_174 = tpu.memref_slice %arg5[%mul3A_2] : memref<102400xi32, #tpu.memory_space<hbm>> -> memref<3200xi32, #tpu.memory_space<hbm>>
      tpu.wait_dma2 semaphore(%run_scoped3A : memref<!tpu.dma_semaphore, #tpu.memory_space<semaphore_mem>>) src(%arg11 : memref<3200xi32, #tpu.memory_space<vmem>>) dst(%dma_wait3A_174 : memref<3200xi32, #tpu.memory_space<hbm>>)
      tpu.yield
    }) : () -> ()
    return
  }
}

</mosaic_0001>

<sc_bundles>
// kernel: kernel.3.cloned.1.call-start
scs
__scs_entry_jumppad:
0x0: {  	(pc) =	sbr.rel $0x88, $3  }
0x1: {  	(tag) =	ssettag $0x0;
	lr =	simm.s32 $0x1  }
0x2: {  	[smem:$0x3F9E] =	sst lr;
	_ =	strace $0xD0000000  }
0x3: {  	_ = 	snop  }
0x4: {  	_ = 	snop  }
0x5: {  	_ = 	snop  }
0x6: {  	_ = 	snop  }
0x7: {  	_ = 	snop  }
__scs_overlays_trampoline_lowered:
0x8: {  	[smem:$0x3FAD] =	sst s0  }
0x9: {  	[smem:$0x3FAE] =	sst s1  }
0xa: {  	[smem:$0x3FAF] =	sst s2  }
0xb: {  	[smem:$0x3FB0] =	sst s3  }
0xc: {  	[smem:$0x3FB1] =	sst s4  }
0xd: {  	[smem:$0x3FB2] =	sst s5  }
0xe: {  	[smem:$0x3FB3] =	sst s6  }
0xf: {  	[smem:$0x3FB4] =	sst s7  }
0x10: {  	[smem:$0x3FB5] =	sst s8  }
0x11: {  	[smem:$0x3FB6] =	sst s9;
	s0 =	simm.s32 @!p0 $0x0  }
0x12: {  	s1 =	sld [smem:$0x3F9C];
	s0 =	simm.s32 @p0 $0x1  }
0x13: {  	[smem:$0x3FB7] =	sst s0;
	s0 =	simm.s32 @!p1 $0x0  }
0x14: {  	s2 =	sld [smem:$0x3F9B];
	s0 =	simm.s32 @p1 $0x1  }
0x15: {  	[smem:$0x3FB8] =	sst s0;
	s0 =	simm.s32 @!p2 $0x0  }
0x16: {  	s3 =	sld [smem:$0x3FDB];
	s0 =	simm.s32 @p2 $0x1  }
0x17: {  	s4 =	simm.s32 $0x1BF5;
	[smem:$0x3FBA] =	sst s0  }
0x18: {  	s0 =	sld [smem:$0x3F9D];
	_ =	swait.ge [sflag:s4], $0x0  }
0x19: {  	s7 =	sld [smem:$0x3F9E]  }
0x1a: {  	s8 =	sadd.s32 $0xFFFFE003, lr  }
0x1b: {  	s9 =	sadd.s32 $0xFFFFFEF7, lr;
	s5 =	simm.s32 $0xFFFFFFFF;
	p2 =	slt.u32 s8, $0xFFFFF086  }
0x1c: {  	p1 =	slt.u32 s9, $0xF7A;
	s5 =	simm.s32 @!p2 $0x0  }
0x1d: {  	s5 =	simm.s32 @p1 $0x1;
	p0 =	seq.s32 s7, s2  }
0x1e: {  	s7 =	smul.u32 @!p0 $0xF7A, s2;
	p2 =	seq.s32 @!p0 s5, $0x0  }
0x1f: {  	s9 =	smul.u32 $0xF7A, s1;
	s8 =	simm.s32 @!p0 $0x1BF5;
	p2 =	por !p2, p0  }
0x20: {  	[sflag:s8] =	ssyncset.s32 @!p0 $0xFFFFF086;
	s6 =	sadd.s32 @!p0 s3, s7;
	s7 =	simm.s32 @!p0 $0x108  }
0x21: {  	s3 =	sadd.s32 s3, s9;
	s6 =	sadd.s32 @!p0 $0x88, s6;
	s7 =	simm.s32 @p2 $0x1082  }
0x22: {  	[simem:s7], [sflag:s8] =	dma.local @!p0 [hbm:s6], $0xF7A  }
0x23: {  	s9 =	sor.u32 $0xD0000000, s2;
	s6 =	simm.s32 $0x108;
	_ =	swait.ge @!p0 [sflag:s8], $0x0  }
0x24: {  	s3 =	sadd.s32 $0x88, s3;
	s6 =	simm.s32 @!p1 $0x1082;
	[sflag:s4] =	ssyncset.s32 $0xFFFFF086  }
0x25: {  	[simem:s6], [sflag:s4] =	dma.local [hbm:s3], $0xF7A  }
0x26: {  	[smem:$0x3F9E] =	sst s1;
	(tag) =	ssettag s2;
	_ =	strace s9  }
0x27: {  	s1 =	sld [smem:$0x3FAE]  }
0x28: {  	s2 =	sld [smem:$0x3FAF]  }
0x29: {  	s4 =	sld [smem:$0x3FB1]  }
0x2a: {  	p0 =	seq.s32 s5, $0x0;
	s5 =	sld [smem:$0x3FB2]  }
0x2b: {  	s6 =	sld [smem:$0x3FB3]  }
0x2c: {  	s7 =	sld [smem:$0x3FB4]  }
0x2d: {  	s3 =	simm.s32 $0x108;
	s8 =	sld [smem:$0x3FB5]  }
0x2e: {  	s3 =	simm.s32 @!p0 $0x1082;
	s9 =	sld [smem:$0x3FB6]  }
0x2f: {  	lr =	sadd.s32 s0, s3;
	s0 =	sld [smem:$0x3FAD]  }
0x30: {  	s3 =	sld [smem:$0x3FB0]  }
0x31: {  	[smem:$0x3FB9] =	sst s10  }
0x32: {  	s10 =	sld [smem:$0x3FB7];
	_ =	sdelay $0x3  }
0x33: {  	p0 =	seq.s32 s10, $0x1;
	s10 =	sld [smem:$0x3FB9];
	_ =	sdelay $0x3  }
0x34: {  	[smem:$0x3FB9] =	sst s10  }
0x35: {  	s10 =	sld [smem:$0x3FB8];
	_ =	sdelay $0x3  }
0x36: {  	p1 =	seq.s32 s10, $0x1;
	s10 =	sld [smem:$0x3FB9];
	_ =	sdelay $0x3  }
0x37: {  	[smem:$0x3FB9] =	sst s10  }
0x38: {  	s10 =	sld [smem:$0x3FBA]  }
0x39: {  	_ = 	snop;
	(pc) =	sbr.ind lr, $3  }
0x3a: {  	_ = 	snop  }
0x3b: {  	_ = 	snop  }
0x3c: {  	p2 =	seq.s32 s10, $0x1;
	s10 =	sld [smem:$0x3FB9]  }
0x3d: {  	_ =	shalt  }
0x3e: {  	_ =	shalt  }
0x3f: {  	_ =	shalt  }
0x40: {  	_ =	shalt  }
0x41: {  	_ =	shalt  }
0x42: {  	_ =	shalt  }
0x43: {  	_ =	shalt  }
0x44: {  	_ =	shalt  }
0x45: {  	_ =	shalt  }
0x46: {  	_ =	shalt  }
0x47: {  	_ =	shalt  }
0x48: {  	_ =	shalt  }
0x49: {  	_ =	shalt  }
0x4a: {  	_ =	shalt  }
0x4b: {  	_ =	shalt  }
0x4c: {  	_ =	shalt  }
0x4d: {  	_ =	shalt  }
0x4e: {  	_ =	shalt  }
0x4f: {  	_ =	shalt  }
0x50: {  	_ =	shalt  }
0x51: {  	_ =	shalt  }
0x52: {  	_ =	shalt  }
0x53: {  	_ =	shalt  }
0x54: {  	_ =	shalt  }
0x55: {  	_ =	shalt  }
0x56: {  	_ =	shalt  }
0x57: {  	_ =	shalt  }
0x58: {  	_ =	shalt  }
0x59: {  	_ =	shalt  }
0x5a: {  	_ =	shalt  }
0x5b: {  	_ =	shalt  }
0x5c: {  	_ =	shalt  }
0x5d: {  	_ =	shalt  }
0x5e: {  	_ =	shalt  }
0x5f: {  	_ =	shalt  }
0x60: {  	_ =	shalt  }
0x61: {  	_ =	shalt  }
0x62: {  	_ =	shalt  }
0x63: {  	_ =	shalt  }
0x64: {  	_ =	shalt  }
0x65: {  	_ =	shalt  }
0x66: {  	_ =	shalt  }
0x67: {  	_ =	shalt  }
0x68: {  	_ =	shalt  }
0x69: {  	_ =	shalt  }
0x6a: {  	_ =	shalt  }
0x6b: {  	_ =	shalt  }
0x6c: {  	_ =	shalt  }
0x6d: {  	_ =	shalt  }
0x6e: {  	_ =	shalt  }
0x6f: {  	_ =	shalt  }
0x70: {  	_ =	shalt  }
0x71: {  	_ =	shalt  }
0x72: {  	_ =	shalt  }
0x73: {  	_ =	shalt  }
0x74: {  	_ =	shalt  }
0x75: {  	_ =	shalt  }
0x76: {  	_ =	shalt  }
0x77: {  	_ =	shalt  }
0x78: {  	_ =	shalt  }
0x79: {  	_ =	shalt  }
0x7a: {  	_ =	shalt  }
0x7b: {  	_ =	shalt  }
0x7c: {  	_ =	shalt  }
0x7d: {  	_ =	shalt  }
0x7e: {  	_ =	shalt  }
0x7f: {  	_ =	shalt  }
0x80: {  	_ =	shalt  }
0x81: {  	_ =	shalt  }
0x82: {  	_ =	shalt  }
0x83: {  	_ =	shalt  }
0x84: {  	_ =	shalt  }
0x85: {  	_ =	shalt  }
0x86: {  	_ =	shalt  }
0x87: {  	_ =	shalt  }
.Lfunc_end0:
.L_simem_size_0:
called_computation_lowered:
.L_overlay_start_0:
0x88: {  	s2 =	sld [smem:$0x3FD9]  }
0x89: {  	s3 =	sld [smem:$0x3FFE];
	_ =	sdelay $0x1  }
0x8a: {  	s1 =	srdreg.scid  }
0x8b: {  	s0 =	sand.u32 $0x1, s1  }
0x8c: {  	s17 =	sshll.u32 s0, $0xA;
	s2 =	sadd.s32 s3, s2  }
0x8d: {  	s2 =	sadd.s32 s2, s17  }
0x8e: {  	[smem:$0x3FC5] =	sst s2  }
0x8f: {  	_ = 	snop  }
0x90: {  	s2 =	sld [smem:$0x3FC7];
	(tm) =	ssettm $0x1  }
0x91: {  	s18 =	sld [smem:$0x3FFB];
	_ =	sdelay $0x3  }
0x92: {  	_ =	strace s18  }
0x93: {  	s3 =	sld [smem:$0x3FFC];
	_ =	sdelay $0x3  }
0x94: {  	_ =	strace s3  }
0x95: {  	s3 =	sld [smem:$0x3FFD];
	_ =	sdelay $0x3  }
0x96: {  	_ =	strace s3  }
0x97: {  	_ =	strace $0x8FFFFFFF  }
0x98: {  	s19 =	sld [smem:$0x3FDB];
	_ =	sdelay $0x1  }
0x99: {  	s4 =	simm.s32 $_scs_section_size  }
0x9a: {  	s5 =	simm.s32 $_size__tile_overlayer_lowered;
	s6 =	simm.s32 $_tile_overlayer_lowered  }
0x9b: {  	s22 =	simm.s32 $0x1BFF;
	s21 =	sshll.u32 s6, $0x1;
	s3 =	sadd.s32 s4, s19  }
0x9c: {  	s7 =	simm.s32 $0x0;
	s20 =	sshll.u32 s5, $0x1;
	s5 =	sadd.s32 s21, s3  }
0x9d: {  	[timem:s7], [sflag:s22] =	dma.local [hbm:s5], s20  }
0x9e: {  	_ =	swait.ge [sflag:s22], s20  }
0x9f: {  	s4 =	ssub.s32 $0x0, s20;
	[sflag:s22] =	ssyncset.done $0x0  }
0xa0: {  	[sflag:s22] =	ssyncadd.s32 s4;
	_ =	sdelay $0x1  }
0xa1: {  	s23 =	simm.s32 $0x1B8B  }
0xa2: {  	_ =	swait.ge [sflag:s23], $0x1  }
0xa3: {  	[sflag:s23] =	ssyncset.done $0x0  }
0xa4: {  	s25 =	simm.s32 $0x1B8E;
	s24 =	sld [smem:$0x3FFE];
	[sflag:s23] =	ssyncadd.s32 $0xFFFFFFFF  }
0xa5: {  	s26 =	simm.s32 $execute0_lowered;
	[smem:$0x3FD2] =	sst s25  }
0xa6: {  	s5 =	sshll.u32 s26, $0x1;
	_ =	strace $0x80000046;
	[dreg:$0x1] =	wrdreg $0xFFFFFFFF  }
0xa7: {  	s28 =	simm.s32 $_size_execute0_lowered;
	s3 =	sadd.s32 s3, s5;
	[dreg:$0x0] =	wrdreg $0x0  }
0xa8: {  	s5 =	sshll.u32 s28, $0x1;
	[dreg:$0x2] =	wrdreg s3  }
0xa9: {  	[dreg:$0x3] =	wrdreg s5  }
0xaa: {  	[dreg:$0x4] =	wrdreg $0xC0  }
0xab: {  	_ =	task [dreg:s7], $0x5FFFF  }
0xac: {  	[dreg:$0x1] =	wrdreg $0xFFFFFFFF  }
0xad: {  	[dreg:$0x0] =	wrdreg $0x60  }
0xae: {  	[dreg:$0x2] =	wrdreg s24  }
0xaf: {  	[dreg:$0x3] =	wrdreg s2  }
0xb0: {  	[dreg:$0x4] =	wrdreg $0x9  }
0xb1: {  	_ =	task.clear_ibuf [dreg:s7], $0x5FFFF;
	_ =	strace $0x90000046  }
0xb2: {  	s29 =	simm.s32 $0x9;
	_ =	strace $0x80000048  }
0xb3: {  	_ =	swait.ge [sflag:s29], $0x1  }
0xb4: {  	[sflag:s29] =	ssyncadd.s32 $0xFFFFFFFF  }
0xb5: {  	_ =	strace $0x90000048  }
0xb6: {  	_ =	sfence  }
0xb7: {  	s30 =	sld [smem:$0x0];
	_ =	sdelay $0x2  }
0xb8: {  	s31 =	sshll.u32 s1, $0xD;
	s1 =	sshrl.u32 s1, $0x2  }
0xb9: {  	s3 =	sand.u32 $0x4000, s31;
	s1 =	sadd.s32 s1, s30  }
0xba: {  	s0 =	sor.u32 s3, s0;
	s1 =	sshll.u32 s1, $0x11  }
0xbb: {  	s0 =	sor.u32 s1, s0  }
0xbc: {  	s0 =	sadd.s32 $0x8F2B, s0  }
0xbd: {  	[sflag:s0] =	ssyncadd.remote.s32 $0x1  }
0xbe: {  	_ =	sfence.sel $0xFFFF  }
0xbf: {  	[dreg:$0x0] =	wrdreg $0xFFFFFFFF;
	(pc) =	sbr.abs _section_cstart, $3  }
0xc0: {  	[dreg:$0x1] =	wrdreg $0xFFFFFFFF  }
0xc1: {  	_ =	task.clear_ibuf [dreg:s7], $0x2FFFF;
	_ =	strace $0x9FFFFFFF  }
0xc2: {  	(tm) =	ssettm $0x7FFFFFFF  }
0xc3: {  	_ =	shalt  }
tec
execute0_lowered:
.L_overlay_start_1:
0x0: {  	(tag) =	ssettag $0x1  }
0x1: {  	s0 =	rddreg [dreg:$0x0];
	s1 =	srdreg.scid  }
0x2: {  	s7 =	stileid.u32;
	s2 =	rddreg [dreg:$0x1];
	s3 =	simm.s32 $0x0  }
0x3: {  	s9 =	simm.s32 $0x5;
	s10 =	simm.s32 $0x1;
	s11 =	simm.s32 $0xD00  }
0x4: {  	s12 =	simm.s32 $0x3;
	s13 =	simm.s32 $0x4D00;
	s14 =	simm.s32 $0xCD00  }
0x5: {  	s15 =	simm.s32 $0x400;
	s16 =	simm.s32 $0x2;
	s17 =	simm.s32 $0x280  }
0x6: {  	s25 =	simm.s32 $0x5700;
	s1 =	sand.u32 $0x1, s1;
	s4 =	sshll.u32 s7, $0x1  }
0x7: {  	s26 =	simm.s32 $0x10D00;
	s8 =	smul.u32 $0x1900, s7;
	s4 =	sor.u32 s1, s4  }
0x8: {  	s28 =	simm.s32 $0x0;
	[smem:$0x7FF] =	sst s3;
	s5 =	smul.u32 $0xC80, s4  }
0x9: {  	_ =	strace $0x80000047;
	s6 =	ssub.s32 $0x2, s1;
	s1 =	smul.u32 $0xC80, s1  }
0xa: {  	s4 =	sadd.s32 $0x3800, s0;
	s30 =	sshrl.u32 s6, $0x1;
	s5 =	sshrl.u32 s5, $0x3  }
0xb: {  	v0 =	vlaneseq.u32;
	s31 =	ssub.s32 s6, s30;
	s8 =	sadd.s32 s1, s8;
	s0 =	sadd.s32 s5, s0  }
0xc: {  	v2 =	vimm.f32 $0.0e+00;
	v1 =	vadd.s32 $0x1, v0;
	s7 =	smax.u32 s31, $0x1;
	s5 =	sadd.s32 $0x400, s0;
	s6 =	sadd.s32 $0x35600, s0  }
.LBB2_1:
0xd: {  	[tilespmem:s3], [sflag:$0x5] =	stream.linear.gather [hbm4b:s5+s3], $0xCA0, $0x38;
	[tilespmem:$0x11980] =	vst v63  }
0xe: {  	_ =	swait.ge [sflag:s9], $0xCA0  }
0xf: {  	[sflag:s9] =	ssyncset.done $0x0  }
0x10: {  	[sflag:s9] =	ssyncadd.s32 $0xFFFFF360  }
0x11: {  	v3 =	vld [tilespmem:$0x0];
	_ =	sdelay $0x4  }
0x12: {  	(v2sf) =	vpush v3, $0x0;
	_ =	sdelay $0x1  }
0x13: {  	v3 =	vld [tilespmem:$0xC80];
	_ =	sdelay $0x4  }
0x14: {  	(v2sf) =	vpush v3, $0x0;
	_ =	sdelay $0x7  }
0x15: {  	s0 =	spop (v2sf)  }
0x16: {  	s1 =	sand.u32 $0x7, s0  }
0x17: {  	s18 =	sshra.s32 s0, $0x1F;
	p0 =	slt.s32 s0, $0x1;
	p1 =	sne.s32 s1, $0x0  }
0x18: {  	s22 =	sshrl.u32 s18, $0x1D;
	p0 =	por !p0, !p1  }
0x19: {  	s1 =	simm.s32 $0x1;
	s0 =	sadd.s32 s22, s0;
	p0 =	por !p0, !p0  }
0x1a: {  	s0 =	sshra.s32 s0, $0x3;
	s1 =	simm.s32 @!p0 $0x0  }
0x1b: {  	s0 =	ssub.s32 s0, s1  }
0x1c: {  	s29 =	spop (v2sf);
	s30 =	sshll.u32 s0, $0x3;
	s1 =	sand.u32 $0x1FFFFFFF, s0  }
0x1d: {  	v6 =	vld.idx.msk [tilespmem:v0+s3+$0x0], $0xffff;
	s0 =	ssub.s32 s29, s30;
	s1 =	sadd.s32 s4, s1  }
0x1e: {  	v3 =	vld.idx.msk [tilespmem:v1+s3+$0x0], $0xffff;
	[tilespmem:s11], [sflag:$0x3] =	stream.linear.gather [hbm4b:s1+s3], $0x4000, $0x38  }
0x1f: {  	s23 =	sadd.s32 $0x3FF, s0  }
0x20: {  	s31 =	sand.u32 $0x3FF, s23  }
0x21: {  	s24 =	sshra.s32 s23, $0x1F;
	p5 =	slt.s32 s23, $0x1;
	p6 =	sne.s32 s31, $0x0  }
0x22: {  	s18 =	sshrl.u32 s24, $0x16;
	p0 =	por !p5, !p6  }
0x23: {  	s1 =	sadd.s32 s18, s23;
	s18 =	simm.s32 $0x1;
	p0 =	por !p0, !p0  }
0x24: {  	s1 =	sshra.s32 s1, $0xA;
	s18 =	simm.s32 @!p0 $0x0  }
0x25: {  	s1 =	ssub.s32 s1, s18  }
0x26: {  	p0 =	slt.s32 s1, $0x1  }
.Ltmp0:
0x27: {  	_ = 	snop;
	(pc) =	sbr.rel @p0 .LBB2_4-.Ltmp0, $4  }
0x28: {  	_ = 	snop  }
0x29: {  	_ =	swait.ge [sflag:s12], $0x4000  }
0x2a: {  	[sflag:s12] =	ssyncset.done $0x0  }
0x2b: {  	[sflag:s12] =	ssyncadd.s32 $0xFFFFC000  }
0x2c: {  	s19 =	smin.u32 s1, $0x10  }
0x2d: {  	p0 =	sne.s32 s19, $0x1  }
.Ltmp1:
0x2e: {  	_ = 	snop;
	(pc) =	sbr.rel @!p0 .LBB2_4-.Ltmp1, $4  }
0x2f: {  	_ = 	snop  }
0x30: {  	s1 =	simm.s32 $0x4D00;
	s18 =	simm.s32 $0xD00  }
0x31: {  	[tilespmem:s1], [sflag:$0x1] =	stream.indirect.gather [hbm4b:s2+s15], $0x1, s18, s15, $0xb8;
	[tilespmem:$0x11980] =	vst v63  }
0x32: {  	s19 =	sadd.s32 $0xFFFFFFFF, s19  }
.LBB2_3:
0x33: {  	p0 =	sne.s32 s19, $0x1  }
.Ltmp2:
0x34: {  	_ = 	snop;
	(pc) =	sbr.rel @p0 .LBB2_3-.Ltmp2, $4  }
0x35: {  	_ = 	snop  }
0x36: {  	s1 =	sadd.s32 $0x400, s1;
	s18 =	sadd.s32 $0x400, s18  }
0x37: {  	s19 =	sadd.s32 $0xFFFFFFFF, s19  }
0x38: {  	[tilespmem:s1], [sflag:$0x1] =	stream.indirect.gather [hbm4b:s2+s15], $0x1, s18, s15, $0xb8;
	[tilespmem:$0x11980] =	vst v63  }
.LBB2_4:
0x39: {  	s0 =	sadd.s32 $0x3FFF, s0  }
0x3a: {  	s1 =	sand.u32 $0x3FFF, s0  }
0x3b: {  	s18 =	sshra.s32 s0, $0x1F;
	p0 =	slt.s32 s0, $0x1;
	p1 =	sne.s32 s1, $0x0  }
0x3c: {  	s24 =	sshrl.u32 s18, $0x12;
	p0 =	por !p0, !p1  }
0x3d: {  	s1 =	simm.s32 $0x1;
	s0 =	sadd.s32 s24, s0;
	p0 =	por !p0, !p0  }
0x3e: {  	s0 =	sshra.s32 s0, $0xE;
	s1 =	simm.s32 @!p0 $0x0  }
0x3f: {  	s0 =	ssub.s32 s0, s1;
	s1 =	sadd.s32 $0x4000, s30  }
.Ltmp3:
0x40: {  	p0 =	sgt.s32 s0, $0x1;
	p1 =	sge.s32 s1, s29;
	(pc) =	sbr.rel .LBB2_5-.Ltmp3, $4  }
0x41: {  	s0 =	simm.s32 @!p0 $0x1;
	s1 =	sshrl.u32 @!p1 s1, $0x3;
	s18 =	simm.s32 @!p1 $0x0  }
0x42: {  	s19 =	simm.s32 @!p1 $0x8D00;
	s1 =	sadd.s32 @!p1 s4, s1;
	s0 =	sadd.s32 $0x1, s0  }
0x43: {  	[tilespmem:s19], [sflag:$0x4] =	stream.linear.gather @!p1 [hbm4b:s1+s18], $0x4000, $0x38;
	[tilespmem:$0x11980] =	vst v63  }
0x44: {  	v4 =	vimm.s32 $0x7FFFFFFF;
	v5 =	vimm.s32 $0xFFFFFFFF;
	s1 =	sshrl.u32 s0, $0x1;
	s18 =	simm.s32 $0x0;
	s0 =	simm.s32 $0x0  }
.LBB2_26:
0x45: {  	s0 =	sadd.s32 $0x1, s0  }
0x46: {  	p0 =	sne.s32 s0, s1  }
.Ltmp4:
0x47: {  	_ = 	snop;
	(pc) =	sbr.rel @!p0 .LBB2_27-.Ltmp4, $1  }
0x48: {  	_ =	sdelay $0x3  }
.LBB2_5:
0x49: {  	s19 =	sshll.u32 s0, $0xF  }
0x4a: {  	s20 =	sadd.s32 s30, s19  }
0x4b: {  	s19 =	sadd.s32 $0x4000, s20  }
0x4c: {  	p0 =	sle.s32 s29, s19  }
0x4d: {  	s21 =	ssub.s32 @!p0 s29, s19  }
0x4e: {  	s21 =	sadd.s32 @!p0 $0x3FF, s21  }
0x4f: {  	p1 =	sne.s32 @!p0 s31, $0x0;
	p2 =	slt.s32 @!p0 s21, $0x1  }
0x50: {  	s22 =	sshra.s32 @!p0 s21, $0x1F;
	p1 =	por @!p0 !p2, !p1  }
0x51: {  	s22 =	sshrl.u32 @!p0 s22, $0x16;
	p1 =	por @!p0 !p1, !p1  }
0x52: {  	s21 =	sadd.s32 @!p0 s22, s21;
	s22 =	simm.s32 @!p0 $0x1;
	p1 =	por !p1, p0  }
0x53: {  	s21 =	sshra.s32 @!p0 s21, $0xA;
	s22 =	simm.s32 @p1 $0x0  }
0x54: {  	s21 =	ssub.s32 @!p0 s21, s22  }
0x55: {  	p1 =	slt.s32 @!p0 s21, $0x1  }
0x56: {  	p1 =	por p0, p1  }
.Ltmp5:
0x57: {  	_ = 	snop;
	(pc) =	sbr.rel @p1 .LBB2_8-.Ltmp5, $4  }
0x58: {  	s22 =	simm.s32 @!p0 $0x4  }
0x59: {  	_ =	swait.ge @!p0 [sflag:s22], $0x4000  }
0x5a: {  	[sflag:s22] =	ssyncset.done @!p0 $0x0  }
0x5b: {  	[sflag:s22] =	ssyncadd.s32 @!p0 $0xFFFFC000  }
0x5c: {  	s23 =	smin.u32 s21, $0x10  }
0x5d: {  	p1 =	sne.s32 s23, $0x1  }
.Ltmp6:
0x5e: {  	_ = 	snop;
	(pc) =	sbr.rel @!p1 .LBB2_8-.Ltmp6, $4  }
0x5f: {  	_ = 	snop  }
0x60: {  	s21 =	simm.s32 $0xCD00;
	s22 =	simm.s32 $0x8D00  }
0x61: {  	[tilespmem:s21], [sflag:$0x2] =	stream.indirect.gather [hbm4b:s2+s15], $0x1, s22, s15, $0xb8;
	[tilespmem:$0x11980] =	vst v63  }
0x62: {  	s23 =	sadd.s32 $0xFFFFFFFF, s23  }
.LBB2_7:
0x63: {  	p1 =	sne.s32 s23, $0x1  }
.Ltmp7:
0x64: {  	_ = 	snop;
	(pc) =	sbr.rel @p1 .LBB2_7-.Ltmp7, $4  }
0x65: {  	_ = 	snop  }
0x66: {  	s21 =	sadd.s32 $0x400, s21;
	s22 =	sadd.s32 $0x400, s22  }
0x67: {  	s23 =	sadd.s32 $0xFFFFFFFF, s23  }
0x68: {  	[tilespmem:s21], [sflag:$0x2] =	stream.indirect.gather [hbm4b:s2+s15], $0x1, s22, s15, $0xb8;
	[tilespmem:$0x11980] =	vst v63  }
.LBB2_8:
0x69: {  	s21 =	ssub.s32 s29, s20  }
0x6a: {  	s21 =	sadd.s32 $0x3FF, s21  }
0x6b: {  	s22 =	sand.u32 $0x3FF, s21  }
0x6c: {  	s23 =	sshra.s32 s21, $0x1F;
	p1 =	slt.s32 s21, $0x1;
	p2 =	sne.s32 s22, $0x0  }
0x6d: {  	s24 =	sshrl.u32 s23, $0x16;
	p1 =	por !p1, !p2  }
0x6e: {  	s22 =	simm.s32 $0x1;
	s21 =	sadd.s32 s24, s21;
	p1 =	por !p1, !p1  }
0x6f: {  	s21 =	sshra.s32 s21, $0xA;
	s22 =	simm.s32 @!p1 $0x0  }
0x70: {  	s21 =	ssub.s32 s21, s22  }
0x71: {  	p1 =	slt.s32 s21, $0x1  }
.Ltmp8:
0x72: {  	_ = 	snop;
	(pc) =	sbr.rel @p1 .LBB2_12-.Ltmp8, $1  }
0x73: {  	_ =	sdelay $0x3  }
0x74: {  	s21 =	smin.u32 s21, $0x10  }
0x75: {  	p1 =	sne.s32 s21, $0x1  }
.Ltmp9:
0x76: {  	_ = 	snop;
	(pc) =	sbr.rel @!p1 .LBB2_11-.Ltmp9, $3  }
0x77: {  	_ =	sdelay $0x1  }
0x78: {  	_ =	swait.ge [sflag:s10], $0x400  }
0x79: {  	s21 =	sadd.s32 $0xFFFFFFFF, s21;
	[sflag:s10] =	ssyncset.done $0x0  }
.LBB2_10:
0x7a: {  	p1 =	sne.s32 s21, $0x1;
	s21 =	sadd.s32 $0xFFFFFFFF, s21;
	[sflag:s10] =	ssyncadd.s32 $0xFFFFFC00  }
.Ltmp10:
0x7b: {  	(pc) =	sbr.rel @p1 .LBB2_10-.Ltmp10, $3  }
0x7c: {  	_ =	sdelay $0x1  }
0x7d: {  	_ =	swait.ge [sflag:s10], $0x400  }
0x7e: {  	[sflag:s10] =	ssyncset.done $0x0  }
.LBB2_11:
0x7f: {  	[sflag:s10] =	ssyncadd.s32 $0xFFFFFC00  }
.LBB2_12:
0x80: {  	p2 =	sgt.s32 s18, $0xC7  }
.Ltmp11:
0x81: {  	s21 =	sadd.s32 $0x8000, s20;
	(pc) =	sbr.rel @p2 .LBB2_15-.Ltmp11, $4  }
0x82: {  	p1 =	sle.s32 s29, s21  }
0x83: {  	s22 =	sshrl.u32 @!p1 s21, $0x3  }
0x84: {  	s23 =	simm.s32 @!p1 $0x0;
	s24 =	simm.s32 @!p1 $0xD00;
	s22 =	sadd.s32 @!p1 s4, s22  }
0x85: {  	[tilespmem:s24], [sflag:$0x3] =	stream.linear.gather @!p1 [hbm4b:s22+s23], $0x4000, $0x38;
	[tilespmem:$0x11980] =	vst v63  }
0x86: {  	v7 =	vmov s19;
	v8 =	vmov s20  }
.LBB2_14:
0x87: {  	vm0 =	vlt.s32 v3, v7  }
0x88: {  	v10 =	vsub.s32 v6, v8;
	v11 =	vimm.s32 $0x0;
	v12 =	vimm.s32 $0x0  }
0x89: {  	v13 =	vadd.s32 $0x2, v6;
	v15 =	vadd.s32 $0x3, v6;
	v17 =	vadd.s32 $0x4, v6  }
0x8a: {  	v19 =	vadd.s32 $0x5, v6;
	v21 =	vadd.s32 $0x6, v6;
	v9 =	vsel vm0, v3, v7  }
0x8b: {  	v23 =	vadd.s32 $0x7, v6;
	v25 =	vadd.s32 $0x8, v6;
	vm0 =	vgt.s32 v9, v6  }
0x8c: {  	v28 =	vadd.s32 $0x9, v6;
	v29 =	vadd.s32 $0xA, v6;
	vm3 =	vlt.s32 v13, v9  }
0x8d: {  	v33 =	vadd.s32 $0xB, v6;
	v14 =	vadd.s32 $0x2, v10;
	vm4 =	vlt.s32 v15, v9  }
0x8e: {  	v16 =	vadd.s32 $0x3, v10;
	vm2 =	vlt.s32 v17, v9;
	v11 =	vsel vm0, $0xFFFFFFFF, v11  }
0x8f: {  	v34 =	vadd.s32 $0xC, v6;
	v18 =	vadd.s32 $0x4, v10;
	vm5 =	vlt.s32 v19, v9;
	[tilespmem:$0x1FFE0] =	vst v11  }
0x90: {  	v37 =	vadd.s32 $0xD, v6;
	v20 =	vadd.s32 $0x5, v10;
	vm6 =	vlt.s32 v21, v9;
	v44 =	vld [tilespmem:$0x1FFE0]  }
0x91: {  	v38 =	vadd.s32 $0xE, v6;
	v22 =	vadd.s32 $0x6, v10;
	v11 =	vadd.s32 $0x1, v6;
	v26 =	vld.idx.msk [tilespmem:v10+s13+$0x0], vm0  }
0x92: {  	v59 =	vadd.s32 $0x1, v10;
	v30 =	vsub.s32 v9, v6;
	vm1 =	vlt.s32 v11, v9;
	v14 =	vld.idx.msk [tilespmem:v14+s13+$0x0], vm3  }
0x93: {  	v24 =	vadd.s32 $0x7, v10;
	vm7 =	vlt.s32 v23, v9;
	vm11 =	vgt.s32 v30, $0x0;
	v16 =	vld.idx.msk [tilespmem:v16+s13+$0x0], vm4  }
0x94: {  	v27 =	vadd.s32 $0x8, v10;
	vm8 =	vlt.s32 v25, v9;
	v30 =	vnsel vm11, $0x0, v30;
	v18 =	vld.idx.msk [tilespmem:v18+s13+$0x0], vm2  }
0x95: {  	vm9 =	vlt.s32 v28, v9;
	v30 =	vmin.u32 v30, $0x10;
	v12 =	vsel vm1, $0xFFFFFFFF, v12;
	v20 =	vld.idx.msk [tilespmem:v20+s13+$0x0], vm5  }
0x96: {  	v31 =	vadd.s32 $0x9, v10;
	vm10 =	vlt.s32 v29, v9;
	v30 =	vadd.s32 v6, v30;
	[tilespmem:$0x1FFF0] =	vst v12;
	v22 =	vld.idx.msk [tilespmem:v22+s13+$0x0], vm6  }
0x97: {  	v32 =	vadd.s32 $0xA, v10;
	vm12 =	vlt.s32 v34, v9;
	vm15 =	vlt.s32 v30, v3;
	v45 =	vld [tilespmem:$0x1FFF0]  }
0x98: {  	v36 =	vadd.s32 $0xC, v10;
	vm13 =	vlt.s32 v37, v9;
	v39 =	vsel vm15, $0x3F800000, v2;
	v12 =	vld.idx.msk [tilespmem:v59+s13+$0x0], vm1  }
0x99: {  	v41 =	vadd.s32 $0xF, v6;
	v40 =	vadd.s32 $0xD, v10;
	vm14 =	vlt.s32 v38, v9;
	v24 =	vld.idx.msk [tilespmem:v24+s13+$0x0], vm7;
	(xrf0) =	vmax.scan.msk.f32 $0xffff, v39  }
0x9a: {  	v35 =	vadd.s32 $0xB, v10;
	v60 =	vadd.s32 $0xE, v10;
	v27 =	vld.idx.msk [tilespmem:v27+s13+$0x0], vm8;
	vm1 =	vnez.u8 v44  }
0x9b: {  	vm11 =	vlt.s32 v33, v9;
	v31 =	vld.idx.msk [tilespmem:v31+s13+$0x0], vm9;
	vm0 =	vlt.s32 v41, v9;
	v26 =	vnsel vm1, $0x7FFFFFFF, v26  }
0x9c: {  	v9 =	vld.idx.msk [tilespmem:v32+s13+$0x0], vm10;
	vm1 =	vnez.u8 v45;
	v16 =	vnsel vm4, $0x7FFFFFFF, v16;
	vm4 =	vlt.s32 v30, v7  }
0x9d: {  	v62 =	vld.idx.msk [tilespmem:v36+s13+$0x0], vm12;
	v12 =	vnsel vm1, $0x7FFFFFFF, v12;
	vm1 =	vmand vm15, vm4  }
0x9e: {  	v63 =	vld.idx.msk [tilespmem:v40+s13+$0x0], vm13;
	v47 =	vsel vm1, $0x3F800000, v2  }
0x9f: {  	v39 =	vld.idx.msk [tilespmem:v60+s13+$0x0], vm14;
	v46, _, _ =	vpop (xrf0);
	(xrf0) =	vmax.scan.msk.f32 $0xffff, v47  }
0xa0: {  	(v2sf) =	vpush v46, $0xF  }
0xa1: {  	v10 =	vadd.s32 $0xF, v10;
	v61 =	vld.idx.msk [tilespmem:v35+s13+$0x0], vm11;
	v14 =	vnsel vm3, $0x7FFFFFFF, v14;
	v18 =	vnsel vm2, $0x7FFFFFFF, v18  }
0xa2: {  	v20 =	vnsel vm5, $0x7FFFFFFF, v20;
	v22 =	vnsel vm6, $0x7FFFFFFF, v22;
	v24 =	vnsel vm7, $0x7FFFFFFF, v24  }
0xa3: {  	v27 =	vnsel vm8, $0x7FFFFFFF, v27;
	v31 =	vnsel vm9, $0x7FFFFFFF, v31;
	v9 =	vnsel vm10, $0x7FFFFFFF, v9  }
0xa4: {  	v35 =	vnsel vm12, $0x7FFFFFFF, v62;
	v36 =	vnsel vm13, $0x7FFFFFFF, v63;
	v39 =	vnsel vm14, $0x7FFFFFFF, v39  }
0xa5: {  	vm13 =	vlt.s32 v16, v14;
	vm14 =	vlt.s32 v20, v18;
	vm6 =	vlt.s32 v36, v35;
	v52, _, _ =	vpop (xrf0)  }
0xa6: {  	v32 =	vnsel vm11, $0x7FFFFFFF, v61;
	v13 =	vsel vm13, v15, v13;
	(v2sf) =	vpush v52, $0xF  }
0xa7: {  	v48 =	vsel vm14, v20, v18;
	v49 =	vsel vm14, v19, v17;
	v56 =	vsel vm6, v36, v35  }
0xa8: {  	v10 =	vld.idx.msk [tilespmem:v10+s13+$0x0], vm0;
	v57 =	vsel vm6, v37, v34;
	vm15 =	vlt.s32 v24, v22;
	vm4 =	vlt.s32 v31, v27  }
0xa9: {  	vm5 =	vlt.s32 v32, v9;
	vm12 =	vlt.s32 v12, v26;
	v50 =	vsel vm15, v24, v22  }
0xaa: {  	v51 =	vsel vm15, v23, v21;
	v53 =	vsel vm4, v31, v27;
	v54 =	vsel vm4, v28, v25  }
0xab: {  	v9 =	vsel vm5, v32, v9;
	v55 =	vsel vm5, v33, v29;
	v12 =	vsel vm12, v12, v26  }
0xac: {  	v6 =	vsel vm12, v11, v6;
	v11 =	vsel vm13, v16, v14;
	vm9 =	vlt.s32 v50, v48  }
0xad: {  	vm10 =	vlt.s32 v9, v53;
	v10 =	vnsel vm0, $0x7FFFFFFF, v10;
	vm8 =	vlt.s32 v11, v12  }
0xae: {  	v59 =	vsel vm9, v50, v48;
	v60 =	vsel vm9, v51, v49;
	vm7 =	vlt.s32 v10, v39  }
0xaf: {  	v9 =	vsel vm10, v9, v53;
	v61 =	vsel vm10, v55, v54;
	v10 =	vsel vm7, v10, v39;
	s22 =	spop (v2sf)  }
0xb0: {  	v11 =	vsel vm8, v11, v12;
	v6 =	vsel vm8, v13, v6;
	vm11 =	vlt.s32 v10, v56;
	p2 =	sgt.f32 s22, $0.0e+00  }
0xb1: {  	v58 =	vsel vm7, v41, v38;
	vm12 =	vlt.s32 v59, v11;
	v10 =	vsel vm11, v10, v56  }
0xb2: {  	v11 =	vsel vm12, v59, v11;
	v6 =	vsel vm12, v60, v6;
	vm13 =	vlt.s32 v10, v9;
	s22 =	smov.u32 s18;
	s18 =	sadd.s32 @!p2 $0x1, s18  }
0xb3: {  	v62 =	vsel vm11, v58, v57;
	v9 =	vsel vm13, v10, v9;
	v10 =	vlaneseq.u32 @!p2;
	s23 =	sshll.u32 @!p2 s18, $0x4  }
0xb4: {  	vm14 =	vlt.s32 v9, v11;
	v12 =	vor.u32 @!p2 s23, v10;
	v10 =	vadd.s32 @!p2 $0x1, v10  }
0xb5: {  	v63 =	vsel vm13, v62, v61;
	v9 =	vsel vm14, v9, v11;
	v10 =	vadd.s32 @!p2 s23, v10;
	s24 =	spop (v2sf)  }
0xb6: {  	v6 =	vsel vm14, v63, v6;
	vm15 =	vlt.s32 v9, v4;
	s23 =	sshll.u32 @!p2 s22, $0x6;
	p3 =	sgt.f32 s24, $0.0e+00  }
0xb7: {  	v5 =	vsel vm15, v6, v5;
	p4 =	por !p2, !p2;
	s18 =	smov.u32 @p2 s22;
	s23 =	sshra.s32 @!p2 s23, $0x2  }
0xb8: {  	p6 =	slt.s32 s18, $0xC8;
	[tilespmem:s23+$0x10D00] =	vst @!p2 v5;
	s23 =	simm.s32 @!p2 $0x0;
	p3 =	por p4, p3  }
0xb9: {  	v6 =	vld.idx.msk @!p2 [tilespmem:v12+s23+$0x0], $0xffff;
	p3 =	por !p3, !p6  }
0xba: {  	v10 =	vld.idx.msk @!p2 [tilespmem:v10+s23+$0x0], $0xffff;
	p3 =	por !p3, !p3  }
.Ltmp12:
0xbb: {  	_ = 	snop;
	(pc) =	sbr.rel @p3 .LBB2_14-.Ltmp12, $4  }
0xbc: {  	_ = 	snop  }
0xbd: {  	v4 =	vsel vm15, v9, v4  }
0xbe: {  	v4 =	vpsel !p2, $0x7FFFFFFF, v4  }
0xbf: {  	v5 =	vpsel !p2, $0xFFFFFFFF, v5;
	v6 =	vpsel p2, v30, v6;
	v3 =	vpsel p2, v3, v10  }
.LBB2_15:
.Ltmp13:
0xc0: {  	(pc) =	sbr.rel @p0 .LBB2_26-.Ltmp13, $1  }
0xc1: {  	_ =	sdelay $0x3  }
0xc2: {  	s22 =	ssub.s32 s29, s19  }
0xc3: {  	s22 =	sadd.s32 $0x3FF, s22  }
0xc4: {  	s23 =	sand.u32 $0x3FF, s22  }
0xc5: {  	s24 =	sshra.s32 s22, $0x1F;
	p0 =	slt.s32 s22, $0x1;
	p2 =	sne.s32 s23, $0x0  }
0xc6: {  	s24 =	sshrl.u32 s24, $0x16;
	p0 =	por !p0, !p2  }
0xc7: {  	s23 =	simm.s32 $0x1;
	s22 =	sadd.s32 s24, s22;
	p0 =	por !p0, !p0  }
0xc8: {  	s22 =	sshra.s32 s22, $0xA;
	s23 =	simm.s32 @!p0 $0x0  }
0xc9: {  	s22 =	ssub.s32 s22, s23  }
0xca: {  	p0 =	slt.s32 s22, $0x1  }
.Ltmp14:
0xcb: {  	_ = 	snop;
	(pc) =	sbr.rel @p0 .LBB2_20-.Ltmp14, $1  }
0xcc: {  	_ =	sdelay $0x3  }
0xcd: {  	s22 =	smin.u32 s22, $0x10  }
0xce: {  	p0 =	sne.s32 s22, $0x1  }
.Ltmp15:
0xcf: {  	_ = 	snop;
	(pc) =	sbr.rel @!p0 .LBB2_19-.Ltmp15, $3  }
0xd0: {  	_ =	sdelay $0x1  }
0xd1: {  	_ =	swait.ge [sflag:s16], $0x400  }
0xd2: {  	s22 =	sadd.s32 $0xFFFFFFFF, s22;
	[sflag:s16] =	ssyncset.done $0x0  }
.LBB2_18:
0xd3: {  	p0 =	sne.s32 s22, $0x1;
	s22 =	sadd.s32 $0xFFFFFFFF, s22;
	[sflag:s16] =	ssyncadd.s32 $0xFFFFFC00  }
.Ltmp16:
0xd4: {  	(pc) =	sbr.rel @p0 .LBB2_18-.Ltmp16, $3  }
0xd5: {  	_ =	sdelay $0x1  }
0xd6: {  	_ =	swait.ge [sflag:s16], $0x400  }
0xd7: {  	[sflag:s16] =	ssyncset.done $0x0  }
.LBB2_19:
0xd8: {  	[sflag:s16] =	ssyncadd.s32 $0xFFFFFC00  }
.LBB2_20:
0xd9: {  	s22 =	ssub.s32 @!p1 s29, s21  }
0xda: {  	s22 =	sadd.s32 @!p1 $0x3FF, s22  }
0xdb: {  	p0 =	sne.s32 @!p1 s31, $0x0;
	p2 =	slt.s32 @!p1 s22, $0x1  }
0xdc: {  	s23 =	sshra.s32 @!p1 s22, $0x1F;
	p0 =	por @!p1 !p2, !p0  }
0xdd: {  	s23 =	sshrl.u32 @!p1 s23, $0x16;
	p0 =	por @!p1 !p0, !p0  }
0xde: {  	s22 =	sadd.s32 @!p1 s23, s22;
	s23 =	simm.s32 @!p1 $0x1;
	p0 =	por !p0, p1  }
0xdf: {  	s22 =	sshra.s32 @!p1 s22, $0xA;
	s23 =	simm.s32 @p0 $0x0  }
0xe0: {  	s22 =	ssub.s32 @!p1 s22, s23  }
0xe1: {  	p0 =	slt.s32 @!p1 s22, $0x1  }
0xe2: {  	p0 =	por p1, p0  }
.Ltmp17:
0xe3: {  	_ = 	snop;
	(pc) =	sbr.rel @p0 .LBB2_23-.Ltmp17, $4  }
0xe4: {  	s23 =	simm.s32 @!p1 $0x3  }
0xe5: {  	_ =	swait.ge @!p1 [sflag:s23], $0x4000  }
0xe6: {  	[sflag:s23] =	ssyncset.done @!p1 $0x0  }
0xe7: {  	[sflag:s23] =	ssyncadd.s32 @!p1 $0xFFFFC000  }
0xe8: {  	s24 =	smin.u32 s22, $0x10  }
0xe9: {  	p0 =	sne.s32 s24, $0x1  }
.Ltmp18:
0xea: {  	_ = 	snop;
	(pc) =	sbr.rel @!p0 .LBB2_23-.Ltmp18, $4  }
0xeb: {  	_ = 	snop  }
0xec: {  	s22 =	simm.s32 $0x4D00;
	s23 =	simm.s32 $0xD00  }
0xed: {  	[tilespmem:s22], [sflag:$0x1] =	stream.indirect.gather [hbm4b:s2+s15], $0x1, s23, s15, $0xb8;
	[tilespmem:$0x11980] =	vst v63  }
0xee: {  	s24 =	sadd.s32 $0xFFFFFFFF, s24  }
.LBB2_22:
0xef: {  	p0 =	sne.s32 s24, $0x1  }
.Ltmp19:
0xf0: {  	_ = 	snop;
	(pc) =	sbr.rel @p0 .LBB2_22-.Ltmp19, $4  }
0xf1: {  	_ = 	snop  }
0xf2: {  	s22 =	sadd.s32 $0x400, s22;
	s23 =	sadd.s32 $0x400, s23  }
0xf3: {  	s24 =	sadd.s32 $0xFFFFFFFF, s24  }
0xf4: {  	[tilespmem:s22], [sflag:$0x1] =	stream.indirect.gather [hbm4b:s2+s15], $0x1, s23, s15, $0xb8;
	[tilespmem:$0x11980] =	vst v63  }
.LBB2_23:
0xf5: {  	s20 =	sadd.s32 $0xC000, s20  }
0xf6: {  	p0 =	sge.s32 s20, s29  }
0xf7: {  	s20 =	sshrl.u32 @!p0 s20, $0x3  }
0xf8: {  	s22 =	simm.s32 @!p0 $0x0;
	s23 =	simm.s32 @!p0 $0x8D00;
	s20 =	sadd.s32 @!p0 s4, s20  }
0xf9: {  	[tilespmem:s23], [sflag:$0x4] =	stream.linear.gather @!p0 [hbm4b:s20+s22], $0x4000, $0x38;
	[tilespmem:$0x11980] =	vst v63  }
0xfa: {  	p0 =	sgt.s32 s18, $0xC7  }
.Ltmp20:
0xfb: {  	_ = 	snop;
	(pc) =	sbr.rel @p0 .LBB2_26-.Ltmp20, $1  }
0xfc: {  	_ =	sdelay $0x3  }
0xfd: {  	v7 =	vmov s21;
	v8 =	vmov s19  }
.LBB2_25:
0xfe: {  	vm0 =	vlt.s32 v3, v7  }
0xff: {  	v10 =	vsub.s32 v6, v8;
	v11 =	vimm.s32 $0x0;
	v12 =	vimm.s32 $0x0  }
0x100: {  	v13 =	vadd.s32 $0x2, v6;
	v15 =	vadd.s32 $0x3, v6;
	v17 =	vadd.s32 $0x4, v6  }
0x101: {  	v19 =	vadd.s32 $0x5, v6;
	v21 =	vadd.s32 $0x6, v6;
	v9 =	vsel vm0, v3, v7  }
0x102: {  	v23 =	vadd.s32 $0x7, v6;
	v25 =	vadd.s32 $0x8, v6;
	vm0 =	vgt.s32 v9, v6  }
0x103: {  	v28 =	vadd.s32 $0x9, v6;
	v29 =	vadd.s32 $0xA, v6;
	vm3 =	vlt.s32 v13, v9  }
0x104: {  	v33 =	vadd.s32 $0xB, v6;
	v14 =	vadd.s32 $0x2, v10;
	vm4 =	vlt.s32 v15, v9  }
0x105: {  	v16 =	vadd.s32 $0x3, v10;
	vm2 =	vlt.s32 v17, v9;
	v11 =	vsel vm0, $0xFFFFFFFF, v11  }
0x106: {  	v34 =	vadd.s32 $0xC, v6;
	v18 =	vadd.s32 $0x4, v10;
	vm5 =	vlt.s32 v19, v9;
	[tilespmem:$0x1FFC0] =	vst v11  }
0x107: {  	v37 =	vadd.s32 $0xD, v6;
	v20 =	vadd.s32 $0x5, v10;
	vm6 =	vlt.s32 v21, v9;
	v44 =	vld [tilespmem:$0x1FFC0]  }
0x108: {  	v38 =	vadd.s32 $0xE, v6;
	v22 =	vadd.s32 $0x6, v10;
	v11 =	vadd.s32 $0x1, v6;
	v26 =	vld.idx.msk [tilespmem:v10+s14+$0x0], vm0  }
0x109: {  	v59 =	vadd.s32 $0x1, v10;
	v30 =	vsub.s32 v9, v6;
	vm1 =	vlt.s32 v11, v9;
	v14 =	vld.idx.msk [tilespmem:v14+s14+$0x0], vm3  }
0x10a: {  	v24 =	vadd.s32 $0x7, v10;
	vm7 =	vlt.s32 v23, v9;
	vm11 =	vgt.s32 v30, $0x0;
	v16 =	vld.idx.msk [tilespmem:v16+s14+$0x0], vm4  }
0x10b: {  	v27 =	vadd.s32 $0x8, v10;
	vm8 =	vlt.s32 v25, v9;
	v30 =	vnsel vm11, $0x0, v30;
	v18 =	vld.idx.msk [tilespmem:v18+s14+$0x0], vm2  }
0x10c: {  	vm9 =	vlt.s32 v28, v9;
	v30 =	vmin.u32 v30, $0x10;
	v12 =	vsel vm1, $0xFFFFFFFF, v12;
	v20 =	vld.idx.msk [tilespmem:v20+s14+$0x0], vm5  }
0x10d: {  	v31 =	vadd.s32 $0x9, v10;
	vm10 =	vlt.s32 v29, v9;
	v30 =	vadd.s32 v6, v30;
	[tilespmem:$0x1FFD0] =	vst v12;
	v22 =	vld.idx.msk [tilespmem:v22+s14+$0x0], vm6  }
0x10e: {  	v32 =	vadd.s32 $0xA, v10;
	vm12 =	vlt.s32 v34, v9;
	vm15 =	vlt.s32 v30, v3;
	v45 =	vld [tilespmem:$0x1FFD0]  }
0x10f: {  	v36 =	vadd.s32 $0xC, v10;
	vm13 =	vlt.s32 v37, v9;
	v39 =	vsel vm15, $0x3F800000, v2;
	v12 =	vld.idx.msk [tilespmem:v59+s14+$0x0], vm1  }
0x110: {  	v41 =	vadd.s32 $0xF, v6;
	v40 =	vadd.s32 $0xD, v10;
	vm14 =	vlt.s32 v38, v9;
	v24 =	vld.idx.msk [tilespmem:v24+s14+$0x0], vm7;
	(xrf0) =	vmax.scan.msk.f32 $0xffff, v39  }
0x111: {  	v35 =	vadd.s32 $0xB, v10;
	v60 =	vadd.s32 $0xE, v10;
	v27 =	vld.idx.msk [tilespmem:v27+s14+$0x0], vm8;
	vm1 =	vnez.u8 v44  }
0x112: {  	vm11 =	vlt.s32 v33, v9;
	v31 =	vld.idx.msk [tilespmem:v31+s14+$0x0], vm9;
	vm0 =	vlt.s32 v41, v9;
	v26 =	vnsel vm1, $0x7FFFFFFF, v26  }
0x113: {  	v9 =	vld.idx.msk [tilespmem:v32+s14+$0x0], vm10;
	vm1 =	vnez.u8 v45;
	v16 =	vnsel vm4, $0x7FFFFFFF, v16;
	vm4 =	vlt.s32 v30, v7  }
0x114: {  	v62 =	vld.idx.msk [tilespmem:v36+s14+$0x0], vm12;
	v12 =	vnsel vm1, $0x7FFFFFFF, v12;
	vm1 =	vmand vm15, vm4  }
0x115: {  	v63 =	vld.idx.msk [tilespmem:v40+s14+$0x0], vm13;
	v47 =	vsel vm1, $0x3F800000, v2  }
0x116: {  	v39 =	vld.idx.msk [tilespmem:v60+s14+$0x0], vm14;
	v46, _, _ =	vpop (xrf0);
	(xrf0) =	vmax.scan.msk.f32 $0xffff, v47  }
0x117: {  	(v2sf) =	vpush v46, $0xF  }
0x118: {  	v10 =	vadd.s32 $0xF, v10;
	v61 =	vld.idx.msk [tilespmem:v35+s14+$0x0], vm11;
	v14 =	vnsel vm3, $0x7FFFFFFF, v14;
	v18 =	vnsel vm2, $0x7FFFFFFF, v18  }
0x119: {  	v20 =	vnsel vm5, $0x7FFFFFFF, v20;
	v22 =	vnsel vm6, $0x7FFFFFFF, v22;
	v24 =	vnsel vm7, $0x7FFFFFFF, v24  }
0x11a: {  	v27 =	vnsel vm8, $0x7FFFFFFF, v27;
	v31 =	vnsel vm9, $0x7FFFFFFF, v31;
	v9 =	vnsel vm10, $0x7FFFFFFF, v9  }
0x11b: {  	v35 =	vnsel vm12, $0x7FFFFFFF, v62;
	v36 =	vnsel vm13, $0x7FFFFFFF, v63;
	v39 =	vnsel vm14, $0x7FFFFFFF, v39  }
0x11c: {  	vm13 =	vlt.s32 v16, v14;
	vm14 =	vlt.s32 v20, v18;
	vm6 =	vlt.s32 v36, v35;
	v52, _, _ =	vpop (xrf0)  }
0x11d: {  	v32 =	vnsel vm11, $0x7FFFFFFF, v61;
	v13 =	vsel vm13, v15, v13;
	(v2sf) =	vpush v52, $0xF  }
0x11e: {  	v48 =	vsel vm14, v20, v18;
	v49 =	vsel vm14, v19, v17;
	v56 =	vsel vm6, v36, v35  }
0x11f: {  	v10 =	vld.idx.msk [tilespmem:v10+s14+$0x0], vm0;
	v57 =	vsel vm6, v37, v34;
	vm15 =	vlt.s32 v24, v22;
	vm4 =	vlt.s32 v31, v27  }
0x120: {  	vm5 =	vlt.s32 v32, v9;
	vm12 =	vlt.s32 v12, v26;
	v50 =	vsel vm15, v24, v22  }
0x121: {  	v51 =	vsel vm15, v23, v21;
	v53 =	vsel vm4, v31, v27;
	v54 =	vsel vm4, v28, v25  }
0x122: {  	v9 =	vsel vm5, v32, v9;
	v55 =	vsel vm5, v33, v29;
	v12 =	vsel vm12, v12, v26  }
0x123: {  	v6 =	vsel vm12, v11, v6;
	v11 =	vsel vm13, v16, v14;
	vm9 =	vlt.s32 v50, v48  }
0x124: {  	vm10 =	vlt.s32 v9, v53;
	v10 =	vnsel vm0, $0x7FFFFFFF, v10;
	vm8 =	vlt.s32 v11, v12  }
0x125: {  	v59 =	vsel vm9, v50, v48;
	v60 =	vsel vm9, v51, v49;
	vm7 =	vlt.s32 v10, v39  }
0x126: {  	v9 =	vsel vm10, v9, v53;
	v61 =	vsel vm10, v55, v54;
	v10 =	vsel vm7, v10, v39;
	s19 =	spop (v2sf)  }
0x127: {  	v11 =	vsel vm8, v11, v12;
	v6 =	vsel vm8, v13, v6;
	vm11 =	vlt.s32 v10, v56;
	p0 =	sgt.f32 s19, $0.0e+00  }
0x128: {  	v58 =	vsel vm7, v41, v38;
	vm12 =	vlt.s32 v59, v11;
	v10 =	vsel vm11, v10, v56  }
0x129: {  	v11 =	vsel vm12, v59, v11;
	v6 =	vsel vm12, v60, v6;
	vm13 =	vlt.s32 v10, v9;
	s19 =	smov.u32 s18;
	s18 =	sadd.s32 @!p0 $0x1, s18  }
0x12a: {  	v62 =	vsel vm11, v58, v57;
	v9 =	vsel vm13, v10, v9;
	v10 =	vlaneseq.u32 @!p0;
	s20 =	sshll.u32 @!p0 s18, $0x4  }
0x12b: {  	vm14 =	vlt.s32 v9, v11;
	v12 =	vor.u32 @!p0 s20, v10;
	v10 =	vadd.s32 @!p0 $0x1, v10  }
0x12c: {  	v63 =	vsel vm13, v62, v61;
	v9 =	vsel vm14, v9, v11;
	v10 =	vadd.s32 @!p0 s20, v10;
	s21 =	spop (v2sf)  }
0x12d: {  	v6 =	vsel vm14, v63, v6;
	vm15 =	vlt.s32 v9, v4;
	s20 =	sshll.u32 @!p0 s19, $0x6;
	p1 =	sgt.f32 s21, $0.0e+00  }
0x12e: {  	v5 =	vsel vm15, v6, v5;
	p2 =	por !p0, !p0;
	s18 =	smov.u32 @p0 s19;
	s20 =	sshra.s32 @!p0 s20, $0x2  }
0x12f: {  	p6 =	slt.s32 s18, $0xC8;
	[tilespmem:s20+$0x10D00] =	vst @!p0 v5;
	s20 =	simm.s32 @!p0 $0x0;
	p1 =	por p2, p1  }
0x130: {  	v6 =	vld.idx.msk @!p0 [tilespmem:v12+s20+$0x0], $0xffff;
	p1 =	por !p1, !p6  }
0x131: {  	v10 =	vld.idx.msk @!p0 [tilespmem:v10+s20+$0x0], $0xffff;
	p1 =	por !p1, !p1  }
.Ltmp21:
0x132: {  	_ = 	snop;
	(pc) =	sbr.rel @p1 .LBB2_25-.Ltmp21, $4  }
0x133: {  	_ = 	snop  }
0x134: {  	v4 =	vsel vm15, v9, v4  }
0x135: {  	v4 =	vpsel !p0, $0x7FFFFFFF, v4  }
0x136: {  	v5 =	vpsel !p0, $0xFFFFFFFF, v5;
	v6 =	vpsel p0, v30, v6;
	v3 =	vpsel p0, v3, v10  }
.Ltmp22:
0x137: {  	_ = 	snop;
	(pc) =	sbr.rel .LBB2_26-.Ltmp22, $1  }
0x138: {  	_ =	sdelay $0x3  }
.LBB2_27:
0x139: {  	s0 =	simm.s32 $0x0  }
0x13a: {  	v3 =	vld [tilespmem:s0+$0x10D00];
	_ =	sdelay $0x3  }
0x13b: {  	s1 =	simm.s32 $0x40;
	s18 =	smov.u32 s8  }
.LBB2_28:
0x13c: {  	s19 =	sshra.s32 s1, $0x2;
	p0 =	sne.s32 s1, $0x31C0;
	s1 =	sadd.s32 $0x40, s1;
	v4 =	vor.u32 s18, v0;
	vm0 =	vlt.s32 v3, $0x0  }
.Ltmp23:
0x13d: {  	v4 =	vsel vm0, v4, v3;
	v3 =	vld [tilespmem:s19+$0x10D00];
	(pc) =	sbr.rel @p0 .LBB2_28-.Ltmp23, $2  }
0x13e: {  	[tilespmem:s0+$0xD00] =	vst v4;
	s0 =	smov.u32 s19;
	_ =	sdelay $0x2  }
0x13f: {  	s18 =	sadd.s32 $0x10, s18  }
0x140: {  	v4 =	vor.u32 s18, v0;
	vm0 =	vlt.s32 v3, $0x0  }
0x141: {  	v3 =	vsel vm0, v4, v3  }
0x142: {  	[tilespmem:s0+$0xD00] =	vst v3  }
0x143: {  	[tilespmem:s13], [sflag:$0x1] =	stream.indirect.gather [hbm4b:s4+s17], $0x1, s11, s17, $0xb8;
	[tilespmem:$0x11980] =	vst v63  }
0x144: {  	s22 =	simm.s32 $0xF80;
	s1 =	simm.s32 $0x4F80  }
0x145: {  	[tilespmem:s1], [sflag:$0x1] =	stream.indirect.gather [hbm4b:s4+s17], $0x1, s22, s17, $0xb8;
	[tilespmem:$0x11980] =	vst v63  }
0x146: {  	s23 =	simm.s32 $0x1200;
	s24 =	simm.s32 $0x5200  }
0x147: {  	[tilespmem:s24], [sflag:$0x1] =	stream.indirect.gather [hbm4b:s4+s17], $0x1, s23, s17, $0xb8;
	[tilespmem:$0x11980] =	vst v63  }
0x148: {  	s29 =	simm.s32 $0x1480;
	s30 =	simm.s32 $0x5480  }
0x149: {  	[tilespmem:s30], [sflag:$0x1] =	stream.indirect.gather [hbm4b:s4+s17], $0x1, s29, s17, $0xb8;
	[tilespmem:$0x11980] =	vst v63  }
0x14a: {  	s31 =	simm.s32 $0x1700  }
0x14b: {  	[tilespmem:s25], [sflag:$0x1] =	stream.indirect.gather [hbm4b:s4+s17], $0x1, s31, s17, $0xb8;
	[tilespmem:$0x11980] =	vst v63  }
0x14c: {  	_ =	swait.ge [sflag:s10], $0x280  }
0x14d: {  	[sflag:s10] =	ssyncset.done $0x0  }
0x14e: {  	[sflag:s10] =	ssyncadd.s32 $0xFFFFFD80  }
0x14f: {  	_ =	swait.ge [sflag:s10], $0x280  }
0x150: {  	[sflag:s10] =	ssyncset.done $0x0  }
0x151: {  	[sflag:s10] =	ssyncadd.s32 $0xFFFFFD80  }
0x152: {  	_ =	swait.ge [sflag:s10], $0x280  }
0x153: {  	[sflag:s10] =	ssyncset.done $0x0  }
0x154: {  	[sflag:s10] =	ssyncadd.s32 $0xFFFFFD80  }
0x155: {  	_ =	swait.ge [sflag:s10], $0x280  }
0x156: {  	[sflag:s10] =	ssyncset.done $0x0  }
0x157: {  	[sflag:s10] =	ssyncadd.s32 $0xFFFFFD80  }
0x158: {  	_ =	swait.ge [sflag:s10], $0x280  }
0x159: {  	[sflag:s10] =	ssyncset.done $0x0  }
0x15a: {  	s0 =	simm.s32 $0x0;
	s1 =	simm.s32 $0x40;
	[sflag:s10] =	ssyncadd.s32 $0xFFFFFD80  }
.LBB2_30:
0x15b: {  	p0 =	sne.s32 s1, $0x31C0;
	v3 =	vld [tilespmem:s0+$0x10D00]  }
0x15c: {  	v4 =	vld [tilespmem:s0+$0x4D00];
	_ =	sdelay $0x1  }
.Ltmp24:
0x15d: {  	(pc) =	sbr.rel @p0 .LBB2_30-.Ltmp24, $4  }
0x15e: {  	_ = 	snop  }
0x15f: {  	vm0 =	vlt.s32 v3, $0x0  }
0x160: {  	v3 =	vsel vm0, $0x0, v4  }
0x161: {  	[tilespmem:s0+$0x10D00] =	vst v3;
	s0 =	sshra.s32 s1, $0x2;
	s1 =	sadd.s32 $0x40, s1  }
0x162: {  	v3 =	vld [tilespmem:s0+$0x10D00]  }
0x163: {  	v4 =	vld [tilespmem:s0+$0x4D00];
	_ =	sdelay $0x3  }
0x164: {  	s28 =	sadd.s32 $0x1, s28;
	vm0 =	vlt.s32 v3, $0x0  }
0x165: {  	p0 =	sne.s32 s28, s7;
	v3 =	vsel vm0, $0x0, v4  }
.Ltmp25:
0x166: {  	[tilespmem:s0+$0x10D00] =	vst v3;
	(pc) =	sbr.rel @p0 .LBB2_1-.Ltmp25, $4  }
0x167: {  	[hbm4b:s6+s3] =	stream.linear.scatter [tilespmem:s26], [sflag:$0x5], $0xC80, $0x38;
	[tilespmem:$0x11980] =	vst v63  }
0x168: {  	_ =	swait.ge [sflag:s9], $0xC80  }
0x169: {  	[sflag:s9] =	ssyncset.done $0x0  }
0x16a: {  	[sflag:s9] =	ssyncadd.s32 $0xFFFFF380  }
0x16b: {  	_ =	sfence.sel $0x180000  }
0x16c: {  	[bflag:$0x0] =	sbarrier.arrive $0xFFFF  }
0x16d: {  	_ =	strace $0x90000047  }
0x16e: {  	s0 =	stileid.u32;
	[bflag:$0x2] =	sbarrier.arrive $0xFFFF  }
0x16f: {  	p0 =	sne.s32 s0, $0x0;
	s0 =	rddreg [dreg:$0x2]  }
0x170: {  	s0 =	sadd.s32 @!p0 $0x100000, s0  }
0x171: {  	[sflag:s0] =	ssyncadd.tile.s32 @!p0 $0x1;
	_ =	shalt  }
.Lfunc_end2:
_tile_overlayer_lowered:
.L_overlay_start_2:
0x172: {  	(tag) =	ssettag $0x2  }
0x173: {  	s0 =	rddreg [dreg:$0x0];
	s2 =	stileid.u32  }
0x174: {  	s1 =	rddreg [dreg:$0x1];
	p0 =	sne.s32 s2, $0x0  }
0x175: {  	s3 =	rddreg [dreg:$0x2];
	[bflag:$0x3] =	sbarrier.arrive $0xFFFF;
	s2 =	simm.s32 @!p0 $0x1C05  }
0x176: {  	[timem:s3], [sflag:s2] =	dma.local @!p0 [hbm:s0], s1  }
0x177: {  	s0 =	simm.s32 @!p0 $0x5  }
0x178: {  	_ =	swait.ge @!p0 [sflag:s0], s1  }
0x179: {  	s1 =	ssub.s32 @!p0 $0x0, s1;
	[sflag:s0] =	ssyncset.done @!p0 $0x0  }
0x17a: {  	[sflag:s0] =	ssyncadd.s32 @!p0 s1  }
0x17b: {  	[bflag:$0x3] =	sbarrier.arrive $0xFFFF  }
0x17c: {  	_ =	shalt  }

</sc_bundles>
